<compile_context>
chip_gen: v7x
topology: tpu7x:2x2x1
jax: 0.10.2.dev20260603
libtpu: 0.0.44.dev20260713+nightly
codegen_flags: <defaults>
</compile_context>

<pallas_src>
import functools

import jax
import jax.numpy as jnp
from jax import lax
from jax.experimental import pallas as pl
from jax.experimental.pallas import tpu as pltpu
from jax.experimental.pallas import tpu_sc as plsc

NUM_CORES = 2
NUM_SUBCORES = 16
LANES = 16
NW = NUM_CORES * NUM_SUBCORES

BATCH = 16384
DIM = 16
B_PER_W = BATCH // NW
CHUNK = 4
N_CHUNKS = B_PER_W // CHUNK
NBUF = 6
IDX_ROWS = B_PER_W // 128


def _rsqrt(x):
    xi = plsc.bitcast(x, jnp.int32)
    yi = jnp.int32(0x5F3759DF) - (xi >> 1)
    y = plsc.bitcast(yi, jnp.float32)
    half = x * jnp.float32(0.5)
    for _ in range(3):
        y = y * (jnp.float32(1.5) - half * y * y)
    return y


def _cosine_body(eidx_hbm, oidx_hbm, te_hbm, to_hbm, out_hbm,
                 eidx_v, oidx_v, ebuf, obuf, out_v,
                 esem, osem):
    wid = lax.axis_index("s") * NUM_CORES + lax.axis_index("c")
    base = wid * B_PER_W

    pltpu.sync_copy(eidx_hbm.at[pl.ds(wid * IDX_ROWS, IDX_ROWS)], eidx_v)
    pltpu.sync_copy(oidx_hbm.at[pl.ds(wid * IDX_ROWS, IDX_ROWS)], oidx_v)

    lane0 = lax.iota(jnp.int32, LANES)
    kvec0 = lane0 & (CHUNK - 1)

    def fire(c, buf):
        pos = c * CHUNK + kvec0
        ids_e = plsc.load_gather(eidx_v, [pos >> 7, pos & 127])
        ids_o = plsc.load_gather(oidx_v, [pos >> 7, pos & 127])
        ecs_v = (ids_e >> 7) << 7
        ocs_v = (ids_o >> 7) << 7
        for k in range(CHUNK):
            ecs = pl.multiple_of(
                jnp.squeeze(lax.slice(ecs_v, (k,), (k + 1,))), 128)
            ocs = pl.multiple_of(
                jnp.squeeze(lax.slice(ocs_v, (k,), (k + 1,))), 128)
            pltpu.async_copy(
                te_hbm.at[:, pl.ds(ecs, 128)], ebuf.at[buf, k], esem)
            pltpu.async_copy(
                to_hbm.at[:, pl.ds(ocs, 128)], obuf.at[buf, k], osem)

    def drain(buf):
        for k in range(CHUNK):
            pltpu.make_async_copy(
                te_hbm.at[:, pl.ds(0, 128)], ebuf.at[buf, k], esem).wait()
            pltpu.make_async_copy(
                to_hbm.at[:, pl.ds(0, 128)], obuf.at[buf, k], osem).wait()

    lane = lax.iota(jnp.int32, LANES)
    kvec = lane & (CHUNK - 1)

    def compute(c, buf):
        pos = c * CHUNK + kvec
        ids_e = plsc.load_gather(eidx_v, [pos >> 7, pos & 127])
        ids_o = plsc.load_gather(oidx_v, [pos >> 7, pos & 127])
        ecols = ids_e & 127
        ocols = ids_o & 127
        bvec = jnp.full((LANES,), buf, jnp.int32)
        dot = jnp.zeros((LANES,), jnp.float32)
        se = jnp.zeros((LANES,), jnp.float32)
        so = jnp.zeros((LANES,), jnp.float32)
        for d in range(DIM):
            dvec = jnp.full((LANES,), d, jnp.int32)
            ge = plsc.load_gather(ebuf, [bvec, kvec, dvec, ecols])
            go = plsc.load_gather(obuf, [bvec, kvec, dvec, ocols])
            dot = dot + ge * go
            se = se + ge * ge
            so = so + go * go
        out_v[pl.ds(c * CHUNK, LANES)] = dot * _rsqrt(se * so)

    for p in range(NBUF - 1):
        fire(p, p)

    def step(c, _):
        buf = c % NBUF

        @pl.when(c < N_CHUNKS - (NBUF - 1))
        def _():
            fire(c + NBUF - 1, (c + NBUF - 1) % NBUF)

        drain(buf)
        compute(c, buf)
        return 0

    lax.fori_loop(0, N_CHUNKS, step, 0)

    pltpu.sync_copy(out_v.at[pl.ds(0, B_PER_W)],
                    out_hbm.at[pl.ds(base, B_PER_W)])


@functools.partial(
    pl.kernel,
    out_type=jax.ShapeDtypeStruct((BATCH,), jnp.float32),
    mesh=plsc.VectorSubcoreMesh(core_axis_name="c", subcore_axis_name="s"),
    scratch_types=[
        pltpu.VMEM((IDX_ROWS, 128), jnp.int32),
        pltpu.VMEM((IDX_ROWS, 128), jnp.int32),
        pltpu.VMEM((NBUF, CHUNK, DIM, 128), jnp.float32),
        pltpu.VMEM((NBUF, CHUNK, DIM, 128), jnp.float32),
        pltpu.VMEM((B_PER_W + LANES,), jnp.float32),
        pltpu.SemaphoreType.DMA,
        pltpu.SemaphoreType.DMA,
    ],
    compiler_params=pltpu.CompilerParams(
        needs_layout_passes=False,
        use_tc_tiling_on_sc=True,
    ),
)
def _cosine_kernel(*args):
    _cosine_body(*args)


def kernel(e_id, o_id, mentees, mentors):
    eidx2 = e_id.astype(jnp.int32).reshape(NW * IDX_ROWS, 128)
    oidx2 = o_id.astype(jnp.int32).reshape(NW * IDX_ROWS, 128)
    return _cosine_kernel(eidx2, oidx2, mentees.T, mentors.T)

# --- scband reference (transcript-rebuilt; emitter-appended) ---
"""Pipeline reference for scband-embedding-generation-model-20736102105588 (READ-ONLY COPY).

The authoritative reference and input builder live on the scoring server;
editing this copy changes nothing except your own understanding.
"""

import jax, jax.numpy as jnp
import numpy as np

NUM_MENTEES = 1000000
NUM_MENTORS = 1000000
DIM = 16
BATCH = 16384

def setup_inputs(seed: int = 0) -> dict:
    key = jax.random.key(seed)
    k1, k2, k3, k4 = jax.random.split(key, 4)
    e_id = jax.random.randint(k1, (BATCH,), 0, NUM_MENTEES, dtype=jnp.int64) if jax.config.jax_enable_x64 else jax.random.randint(k1, (BATCH,), 0, NUM_MENTEES, dtype=jnp.int32)
    o_id = jax.random.randint(k2, (BATCH,), 0, NUM_MENTORS, dtype=jnp.int32)
    mentees = jax.random.normal(k3, (NUM_MENTEES, DIM), dtype=jnp.float32)
    mentors = jax.random.normal(k4, (NUM_MENTORS, DIM), dtype=jnp.float32)
    return {"e_id": e_id, "o_id": o_id, "mentees": mentees, "mentors": mentors}

def reference(e_id, o_id, mentees, mentors):
    # Faithful translation of EmbeddingGenerationModel.forward
    e_vec = jnp.take(mentees, e_id, axis=0)   # [B, dim]
    o_vec = jnp.take(mentors, o_id, axis=0)   # [B, dim]
    e_norm = jnp.linalg.norm(e_vec, axis=1)   # [B]
    o_norm = jnp.linalg.norm(o_vec, axis=1)   # [B]
    return jnp.sum(o_vec * e_vec, axis=1) / (o_norm * e_norm)

if __name__ == "__main__":
    import jax
    _d = setup_inputs()
    print(jax.jit(kernel)(*tuple(_d.values())))

</pallas_src>

<mosaic_0001>
#map = affine_map<(d0, d1) -> (0, 0)>
#map1 = affine_map<(d0, d1) -> (0)>
module attributes {stable_mosaic.version = 14 : i64} {
  func.func @_cosine_kernel(%arg0: i32, %arg1: i32, %arg2: memref<128x128xi32, #tpu.memory_space<hbm>>, %arg3: memref<128x128xi32, #tpu.memory_space<hbm>>, %arg4: memref<16x1000000xf32, #tpu.memory_space<hbm>>, %arg5: memref<16x1000000xf32, #tpu.memory_space<hbm>>, %arg6: memref<16384xf32, #tpu.memory_space<hbm>>, %arg7: memref<4x128xi32, #tpu.memory_space<vmem>>, %arg8: memref<4x128xi32, #tpu.memory_space<vmem>>, %arg9: memref<6x4x16x128xf32, #tpu.memory_space<vmem>>, %arg10: memref<6x4x16x128xf32, #tpu.memory_space<vmem>>, %arg11: memref<528xf32, #tpu.memory_space<vmem>>, %arg12: memref<!tpu.dma_semaphore, #tpu.memory_space<semaphore_mem>>, %arg13: memref<!tpu.dma_semaphore, #tpu.memory_space<semaphore_mem>>) attributes {dimension_semantics = [#tpu.dimension_semantics<core_parallel>, #tpu.dimension_semantics<subcore_parallel>], iteration_bounds = array<i64: 2, 16>, scalar_prefetch = 0 : i64, scratch_operands = 7 : i64, tpu.core_type = #tpu.core_type<sc_vector_subcore>, window_params = [{transform_indices = #map}, {transform_indices = #map}, {transform_indices = #map}, {transform_indices = #map}, {transform_indices = #map1}]} {
    %mul3A = arith.constant 2 : i32
    %mul3A_0 = arith.muli %arg1, %mul3A : i32
    %add3A = arith.addi %mul3A_0, %arg0 : i32
    %mul3A_1 = arith.constant 512 : i32
    %mul3A_2 = arith.muli %add3A, %mul3A_1 : i32
    %mul3A_3 = arith.constant 4 : i32
    %mul3A_4 = arith.muli %add3A, %mul3A_3 : i32
    "tpu.region"() ({
      %run_scoped3A = tpu.sem_alloc : memref<!tpu.dma_semaphore, #tpu.memory_space<semaphore_mem>>
      %dma_start3A_837 = arith.constant 0 : i32
      %dma_start3A_838 = tpu.memref_slice %arg2[%mul3A_4, %dma_start3A_837] : memref<128x128xi32, #tpu.memory_space<hbm>> -> memref<4x128xi32, #tpu.memory_space<hbm>>
      %dma_start3A_839 = arith.constant 0 : i32
      %dma_start3A_840 = tpu.memref_slice %arg2[%mul3A_4, %dma_start3A_839] : memref<128x128xi32, #tpu.memory_space<hbm>> -> memref<4x128xi32, #tpu.memory_space<hbm>>
      tpu.enqueue_dma source(%dma_start3A_840 : memref<4x128xi32, #tpu.memory_space<hbm>>) target(%arg7 : memref<4x128xi32, #tpu.memory_space<vmem>>) target_semaphore(%run_scoped3A : memref<!tpu.dma_semaphore, #tpu.memory_space<semaphore_mem>>)
      %dma_wait3A = arith.constant 0 : i32
      %dma_wait3A_841 = tpu.memref_slice %arg2[%mul3A_4, %dma_wait3A] : memref<128x128xi32, #tpu.memory_space<hbm>> -> memref<4x128xi32, #tpu.memory_space<hbm>>
      %dma_wait3A_842 = arith.constant 0 : i32
      %dma_wait3A_843 = tpu.memref_slice %arg2[%mul3A_4, %dma_wait3A_842] : memref<128x128xi32, #tpu.memory_space<hbm>> -> memref<4x128xi32, #tpu.memory_space<hbm>>
      tpu.wait_dma2 semaphore(%run_scoped3A : memref<!tpu.dma_semaphore, #tpu.memory_space<semaphore_mem>>) src(%dma_wait3A_843 : memref<4x128xi32, #tpu.memory_space<hbm>>) dst(%arg7 : memref<4x128xi32, #tpu.memory_space<vmem>>)
      tpu.yield
    }) : () -> ()
    %mul3A_5 = arith.constant 4 : i32
    %mul3A_6 = arith.muli %add3A, %mul3A_5 : i32
    "tpu.region"() ({
      %run_scoped3A = tpu.sem_alloc : memref<!tpu.dma_semaphore, #tpu.memory_space<semaphore_mem>>
      %dma_start3A_837 = arith.constant 0 : i32
      %dma_start3A_838 = tpu.memref_slice %arg3[%mul3A_6, %dma_start3A_837] : memref<128x128xi32, #tpu.memory_space<hbm>> -> memref<4x128xi32, #tpu.memory_space<hbm>>
      %dma_start3A_839 = arith.constant 0 : i32
      %dma_start3A_840 = tpu.memref_slice %arg3[%mul3A_6, %dma_start3A_839] : memref<128x128xi32, #tpu.memory_space<hbm>> -> memref<4x128xi32, #tpu.memory_space<hbm>>
      tpu.enqueue_dma source(%dma_start3A_840 : memref<4x128xi32, #tpu.memory_space<hbm>>) target(%arg8 : memref<4x128xi32, #tpu.memory_space<vmem>>) target_semaphore(%run_scoped3A : memref<!tpu.dma_semaphore, #tpu.memory_space<semaphore_mem>>)
      %dma_wait3A = arith.constant 0 : i32
      %dma_wait3A_841 = tpu.memref_slice %arg3[%mul3A_6, %dma_wait3A] : memref<128x128xi32, #tpu.memory_space<hbm>> -> memref<4x128xi32, #tpu.memory_space<hbm>>
      %dma_wait3A_842 = arith.constant 0 : i32
      %dma_wait3A_843 = tpu.memref_slice %arg3[%mul3A_6, %dma_wait3A_842] : memref<128x128xi32, #tpu.memory_space<hbm>> -> memref<4x128xi32, #tpu.memory_space<hbm>>
      tpu.wait_dma2 semaphore(%run_scoped3A : memref<!tpu.dma_semaphore, #tpu.memory_space<semaphore_mem>>) src(%dma_wait3A_843 : memref<4x128xi32, #tpu.memory_space<hbm>>) dst(%arg8 : memref<4x128xi32, #tpu.memory_space<vmem>>)
      tpu.yield
    }) : () -> ()
    %iota3A = tpu.iota {dimensions = array<i32: 0>} : vector<16xi32>
    %and3A = arith.constant 3 : i32
    %and3A_7 = vector.broadcast %and3A : i32 to vector<16xi32>
    %and3A_8 = arith.andi %iota3A, %and3A_7 : vector<16xi32>
    %iota3A_9 = tpu.iota {dimensions = array<i32: 0>} : vector<16xi32>
    %and3A_10 = arith.constant 3 : i32
    %and3A_11 = vector.broadcast %and3A_10 : i32 to vector<16xi32>
    %and3A_12 = arith.andi %iota3A_9, %and3A_11 : vector<16xi32>
    %add3A_13 = arith.constant 0 : i32
    %add3A_14 = vector.broadcast %add3A_13 : i32 to vector<16xi32>
    %add3A_15 = arith.addi %add3A_14, %and3A_8 : vector<16xi32>
    %shift_right_arithmetic3A = arith.constant 7 : i32
    %shift_right_arithmetic3A_16 = vector.broadcast %shift_right_arithmetic3A : i32 to vector<16xi32>
    %shift_right_arithmetic3A_17 = arith.shrsi %add3A_15, %shift_right_arithmetic3A_16 : vector<16xi32>
    %and3A_18 = arith.constant 127 : i32
    %and3A_19 = vector.broadcast %and3A_18 : i32 to vector<16xi32>
    %and3A_20 = arith.andi %add3A_15, %and3A_19 : vector<16xi32>
    %gather3A = tpu.vector_load_idx %arg7[%shift_right_arithmetic3A_17, %and3A_20] : memref<4x128xi32, #tpu.memory_space<vmem>>[vector<16xi32>, vector<16xi32>], vector<16xi32>,
    %shift_right_arithmetic3A_21 = arith.constant 7 : i32
    %shift_right_arithmetic3A_22 = vector.broadcast %shift_right_arithmetic3A_21 : i32 to vector<16xi32>
    %shift_right_arithmetic3A_23 = arith.shrsi %add3A_15, %shift_right_arithmetic3A_22 : vector<16xi32>
    %and3A_24 = arith.constant 127 : i32
    %and3A_25 = vector.broadcast %and3A_24 : i32 to vector<16xi32>
    %and3A_26 = arith.andi %add3A_15, %and3A_25 : vector<16xi32>
    %gather3A_27 = tpu.vector_load_idx %arg8[%shift_right_arithmetic3A_23, %and3A_26] : memref<4x128xi32, #tpu.memory_space<vmem>>[vector<16xi32>, vector<16xi32>], vector<16xi32>,
    %shift_right_arithmetic3A_28 = arith.constant 7 : i32
    %shift_right_arithmetic3A_29 = vector.broadcast %shift_right_arithmetic3A_28 : i32 to vector<16xi32>
    %shift_right_arithmetic3A_30 = arith.shrsi %gather3A, %shift_right_arithmetic3A_29 : vector<16xi32>
    %shift_left3A = arith.constant 7 : i32
    %shift_left3A_31 = vector.broadcast %shift_left3A : i32 to vector<16xi32>
    %shift_left3A_32 = arith.shli %shift_right_arithmetic3A_30, %shift_left3A_31 : vector<16xi32>
    %shift_right_arithmetic3A_33 = arith.constant 7 : i32
    %shift_right_arithmetic3A_34 = vector.broadcast %shift_right_arithmetic3A_33 : i32 to vector<16xi32>
    %shift_right_arithmetic3A_35 = arith.shrsi %gather3A_27, %shift_right_arithmetic3A_34 : vector<16xi32>
    %shift_left3A_36 = arith.constant 7 : i32
    %shift_left3A_37 = vector.broadcast %shift_left3A_36 : i32 to vector<16xi32>
    %shift_left3A_38 = arith.shli %shift_right_arithmetic3A_35, %shift_left3A_37 : vector<16xi32>
    %slice3A = vector.extract_strided_slice %shift_left3A_32 {offsets = [0], sizes = [1], strides = [1]} : vector<16xi32> to vector<1xi32>
    %squeeze3A = vector.extract %slice3A[0] : i32 from vector<1xi32>
    %multiple_of3A = tpu.assume_multiple %squeeze3A, 128 : i32
    %slice3A_39 = vector.extract_strided_slice %shift_left3A_38 {offsets = [0], sizes = [1], strides = [1]} : vector<16xi32> to vector<1xi32>
    %squeeze3A_40 = vector.extract %slice3A_39[0] : i32 from vector<1xi32>
    %multiple_of3A_41 = tpu.assume_multiple %squeeze3A_40, 128 : i32
    %dma_start3A = arith.constant 0 : i32
    %dma_start3A_42 = arith.constant 0 : i32
    %dma_start3A_43 = arith.constant 0 : i32
    %dma_start3A_44 = arith.constant 0 : i32
    %dma_start3A_45 = tpu.memref_slice %arg9[%dma_start3A, %dma_start3A_42, %dma_start3A_43, %dma_start3A_44] : memref<6x4x16x128xf32, #tpu.memory_space<vmem>> -> memref<1x1x16x128xf32, #tpu.memory_space<vmem>>
    %dma_start3A_46 = tpu.memref_squeeze %dma_start3A_45 : memref<1x1x16x128xf32, #tpu.memory_space<vmem>> -> memref<16x128xf32, #tpu.memory_space<vmem>>
    %dma_start3A_47 = arith.constant 0 : i32
    %dma_start3A_48 = tpu.memref_slice %arg4[%dma_start3A_47, %multiple_of3A] : memref<16x1000000xf32, #tpu.memory_space<hbm>> -> memref<16x128xf32, #tpu.memory_space<hbm>>
    %dma_start3A_49 = arith.constant 0 : i32
    %dma_start3A_50 = arith.constant 0 : i32
    %dma_start3A_51 = tpu.memref_slice %arg9[%dma_start3A, %dma_start3A_42, %dma_start3A_49, %dma_start3A_50] : memref<6x4x16x128xf32, #tpu.memory_space<vmem>> -> memref<1x1x16x128xf32, #tpu.memory_space<vmem>>
    %dma_start3A_52 = tpu.memref_squeeze %dma_start3A_51 : memref<1x1x16x128xf32, #tpu.memory_space<vmem>> -> memref<16x128xf32, #tpu.memory_space<vmem>>
    %dma_start3A_53 = arith.constant 0 : i32
    %dma_start3A_54 = tpu.memref_slice %arg4[%dma_start3A_53, %multiple_of3A] : memref<16x1000000xf32, #tpu.memory_space<hbm>> -> memref<16x128xf32, #tpu.memory_space<hbm>>
    tpu.enqueue_dma source(%dma_start3A_54 : memref<16x128xf32, #tpu.memory_space<hbm>>) target(%dma_start3A_52 : memref<16x128xf32, #tpu.memory_space<vmem>>) target_semaphore(%arg12 : memref<!tpu.dma_semaphore, #tpu.memory_space<semaphore_mem>>)
    %dma_start3A_55 = arith.constant 0 : i32
    %dma_start3A_56 = arith.constant 0 : i32
    %dma_start3A_57 = arith.constant 0 : i32
    %dma_start3A_58 = arith.constant 0 : i32
    %dma_start3A_59 = tpu.memref_slice %arg10[%dma_start3A_55, %dma_start3A_56, %dma_start3A_57, %dma_start3A_58] : memref<6x4x16x128xf32, #tpu.memory_space<vmem>> -> memref<1x1x16x128xf32, #tpu.memory_space<vmem>>
    %dma_start3A_60 = tpu.memref_squeeze %dma_start3A_59 : memref<1x1x16x128xf32, #tpu.memory_space<vmem>> -> memref<16x128xf32, #tpu.memory_space<vmem>>
    %dma_start3A_61 = arith.constant 0 : i32
    %dma_start3A_62 = tpu.memref_slice %arg5[%dma_start3A_61, %multiple_of3A_41] : memref<16x1000000xf32, #tpu.memory_space<hbm>> -> memref<16x128xf32, #tpu.memory_space<hbm>>
    %dma_start3A_63 = arith.constant 0 : i32
    %dma_start3A_64 = arith.constant 0 : i32
    %dma_start3A_65 = tpu.memref_slice %arg10[%dma_start3A_55, %dma_start3A_56, %dma_start3A_63, %dma_start3A_64] : memref<6x4x16x128xf32, #tpu.memory_space<vmem>> -> memref<1x1x16x128xf32, #tpu.memory_space<vmem>>
    %dma_start3A_66 = tpu.memref_squeeze %dma_start3A_65 : memref<1x1x16x128xf32, #tpu.memory_space<vmem>> -> memref<16x128xf32, #tpu.memory_space<vmem>>
    %dma_start3A_67 = arith.constant 0 : i32
    %dma_start3A_68 = tpu.memref_slice %arg5[%dma_start3A_67, %multiple_of3A_41] : memref<16x1000000xf32, #tpu.memory_space<hbm>> -> memref<16x128xf32, #tpu.memory_space<hbm>>
    tpu.enqueue_dma source(%dma_start3A_68 : memref<16x128xf32, #tpu.memory_space<hbm>>) target(%dma_start3A_66 : memref<16x128xf32, #tpu.memory_space<vmem>>) target_semaphore(%arg13 : memref<!tpu.dma_semaphore, #tpu.memory_space<semaphore_mem>>)
    %slice3A_69 = vector.extract_strided_slice %shift_left3A_32 {offsets = [1], sizes = [1], strides = [1]} : vector<16xi32> to vector<1xi32>
    %squeeze3A_70 = vector.extract %slice3A_69[0] : i32 from vector<1xi32>
    %multiple_of3A_71 = tpu.assume_multiple %squeeze3A_70, 128 : i32
    %slice3A_72 = vector.extract_strided_slice %shift_left3A_38 {offsets = [1], sizes = [1], strides = [1]} : vector<16xi32> to vector<1xi32>
    %squeeze3A_73 = vector.extract %slice3A_72[0] : i32 from vector<1xi32>
    %multiple_of3A_74 = tpu.assume_multiple %squeeze3A_73, 128 : i32
    %dma_start3A_75 = arith.constant 0 : i32
    %dma_start3A_76 = arith.constant 1 : i32
    %dma_start3A_77 = arith.constant 0 : i32
    %dma_start3A_78 = arith.constant 0 : i32
    %dma_start3A_79 = tpu.memref_slice %arg9[%dma_start3A_75, %dma_start3A_76, %dma_start3A_77, %dma_start3A_78] : memref<6x4x16x128xf32, #tpu.memory_space<vmem>> -> memref<1x1x16x128xf32, #tpu.memory_space<vmem>>
    %dma_start3A_80 = tpu.memref_squeeze %dma_start3A_79 : memref<1x1x16x128xf32, #tpu.memory_space<vmem>> -> memref<16x128xf32, #tpu.memory_space<vmem>>
    %dma_start3A_81 = arith.constant 0 : i32
    %dma_start3A_82 = tpu.memref_slice %arg4[%dma_start3A_81, %multiple_of3A_71] : memref<16x1000000xf32, #tpu.memory_space<hbm>> -> memref<16x128xf32, #tpu.memory_space<hbm>>
    %dma_start3A_83 = arith.constant 0 : i32
    %dma_start3A_84 = arith.constant 0 : i32
    %dma_start3A_85 = tpu.memref_slice %arg9[%dma_start3A_75, %dma_start3A_76, %dma_start3A_83, %dma_start3A_84] : memref<6x4x16x128xf32, #tpu.memory_space<vmem>> -> memref<1x1x16x128xf32, #tpu.memory_space<vmem>>
    %dma_start3A_86 = tpu.memref_squeeze %dma_start3A_85 : memref<1x1x16x128xf32, #tpu.memory_space<vmem>> -> memref<16x128xf32, #tpu.memory_space<vmem>>
    %dma_start3A_87 = arith.constant 0 : i32
    %dma_start3A_88 = tpu.memref_slice %arg4[%dma_start3A_87, %multiple_of3A_71] : memref<16x1000000xf32, #tpu.memory_space<hbm>> -> memref<16x128xf32, #tpu.memory_space<hbm>>
    tpu.enqueue_dma source(%dma_start3A_88 : memref<16x128xf32, #tpu.memory_space<hbm>>) target(%dma_start3A_86 : memref<16x128xf32, #tpu.memory_space<vmem>>) target_semaphore(%arg12 : memref<!tpu.dma_semaphore, #tpu.memory_space<semaphore_mem>>)
    %dma_start3A_89 = arith.constant 0 : i32
    %dma_start3A_90 = arith.constant 1 : i32
    %dma_start3A_91 = arith.constant 0 : i32
    %dma_start3A_92 = arith.constant 0 : i32
    %dma_start3A_93 = tpu.memref_slice %arg10[%dma_start3A_89, %dma_start3A_90, %dma_start3A_91, %dma_start3A_92] : memref<6x4x16x128xf32, #tpu.memory_space<vmem>> -> memref<1x1x16x128xf32, #tpu.memory_space<vmem>>
    %dma_start3A_94 = tpu.memref_squeeze %dma_start3A_93 : memref<1x1x16x128xf32, #tpu.memory_space<vmem>> -> memref<16x128xf32, #tpu.memory_space<vmem>>
    %dma_start3A_95 = arith.constant 0 : i32
    %dma_start3A_96 = tpu.memref_slice %arg5[%dma_start3A_95, %multiple_of3A_74] : memref<16x1000000xf32, #tpu.memory_space<hbm>> -> memref<16x128xf32, #tpu.memory_space<hbm>>
    %dma_start3A_97 = arith.constant 0 : i32
    %dma_start3A_98 = arith.constant 0 : i32
    %dma_start3A_99 = tpu.memref_slice %arg10[%dma_start3A_89, %dma_start3A_90, %dma_start3A_97, %dma_start3A_98] : memref<6x4x16x128xf32, #tpu.memory_space<vmem>> -> memref<1x1x16x128xf32, #tpu.memory_space<vmem>>
    %dma_start3A_100 = tpu.memref_squeeze %dma_start3A_99 : memref<1x1x16x128xf32, #tpu.memory_space<vmem>> -> memref<16x128xf32, #tpu.memory_space<vmem>>
    %dma_start3A_101 = arith.constant 0 : i32
    %dma_start3A_102 = tpu.memref_slice %arg5[%dma_start3A_101, %multiple_of3A_74] : memref<16x1000000xf32, #tpu.memory_space<hbm>> -> memref<16x128xf32, #tpu.memory_space<hbm>>
    tpu.enqueue_dma source(%dma_start3A_102 : memref<16x128xf32, #tpu.memory_space<hbm>>) target(%dma_start3A_100 : memref<16x128xf32, #tpu.memory_space<vmem>>) target_semaphore(%arg13 : memref<!tpu.dma_semaphore, #tpu.memory_space<semaphore_mem>>)
    %slice3A_103 = vector.extract_strided_slice %shift_left3A_32 {offsets = [2], sizes = [1], strides = [1]} : vector<16xi32> to vector<1xi32>
    %squeeze3A_104 = vector.extract %slice3A_103[0] : i32 from vector<1xi32>
    %multiple_of3A_105 = tpu.assume_multiple %squeeze3A_104, 128 : i32
    %slice3A_106 = vector.extract_strided_slice %shift_left3A_38 {offsets = [2], sizes = [1], strides = [1]} : vector<16xi32> to vector<1xi32>
    %squeeze3A_107 = vector.extract %slice3A_106[0] : i32 from vector<1xi32>
    %multiple_of3A_108 = tpu.assume_multiple %squeeze3A_107, 128 : i32
    %dma_start3A_109 = arith.constant 0 : i32
    %dma_start3A_110 = arith.constant 2 : i32
    %dma_start3A_111 = arith.constant 0 : i32
    %dma_start3A_112 = arith.constant 0 : i32
    %dma_start3A_113 = tpu.memref_slice %arg9[%dma_start3A_109, %dma_start3A_110, %dma_start3A_111, %dma_start3A_112] : memref<6x4x16x128xf32, #tpu.memory_space<vmem>> -> memref<1x1x16x128xf32, #tpu.memory_space<vmem>>
    %dma_start3A_114 = tpu.memref_squeeze %dma_start3A_113 : memref<1x1x16x128xf32, #tpu.memory_space<vmem>> -> memref<16x128xf32, #tpu.memory_space<vmem>>
    %dma_start3A_115 = arith.constant 0 : i32
    %dma_start3A_116 = tpu.memref_slice %arg4[%dma_start3A_115, %multiple_of3A_105] : memref<16x1000000xf32, #tpu.memory_space<hbm>> -> memref<16x128xf32, #tpu.memory_space<hbm>>
    %dma_start3A_117 = arith.constant 0 : i32
    %dma_start3A_118 = arith.constant 0 : i32
    %dma_start3A_119 = tpu.memref_slice %arg9[%dma_start3A_109, %dma_start3A_110, %dma_start3A_117, %dma_start3A_118] : memref<6x4x16x128xf32, #tpu.memory_space<vmem>> -> memref<1x1x16x128xf32, #tpu.memory_space<vmem>>
    %dma_start3A_120 = tpu.memref_squeeze %dma_start3A_119 : memref<1x1x16x128xf32, #tpu.memory_space<vmem>> -> memref<16x128xf32, #tpu.memory_space<vmem>>
    %dma_start3A_121 = arith.constant 0 : i32
    %dma_start3A_122 = tpu.memref_slice %arg4[%dma_start3A_121, %multiple_of3A_105] : memref<16x1000000xf32, #tpu.memory_space<hbm>> -> memref<16x128xf32, #tpu.memory_space<hbm>>
    tpu.enqueue_dma source(%dma_start3A_122 : memref<16x128xf32, #tpu.memory_space<hbm>>) target(%dma_start3A_120 : memref<16x128xf32, #tpu.memory_space<vmem>>) target_semaphore(%arg12 : memref<!tpu.dma_semaphore, #tpu.memory_space<semaphore_mem>>)
    %dma_start3A_123 = arith.constant 0 : i32
    %dma_start3A_124 = arith.constant 2 : i32
    %dma_start3A_125 = arith.constant 0 : i32
    %dma_start3A_126 = arith.constant 0 : i32
    %dma_start3A_127 = tpu.memref_slice %arg10[%dma_start3A_123, %dma_start3A_124, %dma_start3A_125, %dma_start3A_126] : memref<6x4x16x128xf32, #tpu.memory_space<vmem>> -> memref<1x1x16x128xf32, #tpu.memory_space<vmem>>
    %dma_start3A_128 = tpu.memref_squeeze %dma_start3A_127 : memref<1x1x16x128xf32, #tpu.memory_space<vmem>> -> memref<16x128xf32, #tpu.memory_space<vmem>>
    %dma_start3A_129 = arith.constant 0 : i32
    %dma_start3A_130 = tpu.memref_slice %arg5[%dma_start3A_129, %multiple_of3A_108] : memref<16x1000000xf32, #tpu.memory_space<hbm>> -> memref<16x128xf32, #tpu.memory_space<hbm>>
    %dma_start3A_131 = arith.constant 0 : i32
    %dma_start3A_132 = arith.constant 0 : i32
    %dma_start3A_133 = tpu.memref_slice %arg10[%dma_start3A_123, %dma_start3A_124, %dma_start3A_131, %dma_start3A_132] : memref<6x4x16x128xf32, #tpu.memory_space<vmem>> -> memref<1x1x16x128xf32, #tpu.memory_space<vmem>>
    %dma_start3A_134 = tpu.memref_squeeze %dma_start3A_133 : memref<1x1x16x128xf32, #tpu.memory_space<vmem>> -> memref<16x128xf32, #tpu.memory_space<vmem>>
    %dma_start3A_135 = arith.constant 0 : i32
    %dma_start3A_136 = tpu.memref_slice %arg5[%dma_start3A_135, %multiple_of3A_108] : memref<16x1000000xf32, #tpu.memory_space<hbm>> -> memref<16x128xf32, #tpu.memory_space<hbm>>
    tpu.enqueue_dma source(%dma_start3A_136 : memref<16x128xf32, #tpu.memory_space<hbm>>) target(%dma_start3A_134 : memref<16x128xf32, #tpu.memory_space<vmem>>) target_semaphore(%arg13 : memref<!tpu.dma_semaphore, #tpu.memory_space<semaphore_mem>>)
    %slice3A_137 = vector.extract_strided_slice %shift_left3A_32 {offsets = [3], sizes = [1], strides = [1]} : vector<16xi32> to vector<1xi32>
    %squeeze3A_138 = vector.extract %slice3A_137[0] : i32 from vector<1xi32>
    %multiple_of3A_139 = tpu.assume_multiple %squeeze3A_138, 128 : i32
    %slice3A_140 = vector.extract_strided_slice %shift_left3A_38 {offsets = [3], sizes = [1], strides = [1]} : vector<16xi32> to vector<1xi32>
    %squeeze3A_141 = vector.extract %slice3A_140[0] : i32 from vector<1xi32>
    %multiple_of3A_142 = tpu.assume_multiple %squeeze3A_141, 128 : i32
    %dma_start3A_143 = arith.constant 0 : i32
    %dma_start3A_144 = arith.constant 3 : i32
    %dma_start3A_145 = arith.constant 0 : i32
    %dma_start3A_146 = arith.constant 0 : i32
    %dma_start3A_147 = tpu.memref_slice %arg9[%dma_start3A_143, %dma_start3A_144, %dma_start3A_145, %dma_start3A_146] : memref<6x4x16x128xf32, #tpu.memory_space<vmem>> -> memref<1x1x16x128xf32, #tpu.memory_space<vmem>>
    %dma_start3A_148 = tpu.memref_squeeze %dma_start3A_147 : memref<1x1x16x128xf32, #tpu.memory_space<vmem>> -> memref<16x128xf32, #tpu.memory_space<vmem>>
    %dma_start3A_149 = arith.constant 0 : i32
    %dma_start3A_150 = tpu.memref_slice %arg4[%dma_start3A_149, %multiple_of3A_139] : memref<16x1000000xf32, #tpu.memory_space<hbm>> -> memref<16x128xf32, #tpu.memory_space<hbm>>
    %dma_start3A_151 = arith.constant 0 : i32
    %dma_start3A_152 = arith.constant 0 : i32
    %dma_start3A_153 = tpu.memref_slice %arg9[%dma_start3A_143, %dma_start3A_144, %dma_start3A_151, %dma_start3A_152] : memref<6x4x16x128xf32, #tpu.memory_space<vmem>> -> memref<1x1x16x128xf32, #tpu.memory_space<vmem>>
    %dma_start3A_154 = tpu.memref_squeeze %dma_start3A_153 : memref<1x1x16x128xf32, #tpu.memory_space<vmem>> -> memref<16x128xf32, #tpu.memory_space<vmem>>
    %dma_start3A_155 = arith.constant 0 : i32
    %dma_start3A_156 = tpu.memref_slice %arg4[%dma_start3A_155, %multiple_of3A_139] : memref<16x1000000xf32, #tpu.memory_space<hbm>> -> memref<16x128xf32, #tpu.memory_space<hbm>>
    tpu.enqueue_dma source(%dma_start3A_156 : memref<16x128xf32, #tpu.memory_space<hbm>>) target(%dma_start3A_154 : memref<16x128xf32, #tpu.memory_space<vmem>>) target_semaphore(%arg12 : memref<!tpu.dma_semaphore, #tpu.memory_space<semaphore_mem>>)
    %dma_start3A_157 = arith.constant 0 : i32
    %dma_start3A_158 = arith.constant 3 : i32
    %dma_start3A_159 = arith.constant 0 : i32
    %dma_start3A_160 = arith.constant 0 : i32
    %dma_start3A_161 = tpu.memref_slice %arg10[%dma_start3A_157, %dma_start3A_158, %dma_start3A_159, %dma_start3A_160] : memref<6x4x16x128xf32, #tpu.memory_space<vmem>> -> memref<1x1x16x128xf32, #tpu.memory_space<vmem>>
    %dma_start3A_162 = tpu.memref_squeeze %dma_start3A_161 : memref<1x1x16x128xf32, #tpu.memory_space<vmem>> -> memref<16x128xf32, #tpu.memory_space<vmem>>
    %dma_start3A_163 = arith.constant 0 : i32
    %dma_start3A_164 = tpu.memref_slice %arg5[%dma_start3A_163, %multiple_of3A_142] : memref<16x1000000xf32, #tpu.memory_space<hbm>> -> memref<16x128xf32, #tpu.memory_space<hbm>>
    %dma_start3A_165 = arith.constant 0 : i32
    %dma_start3A_166 = arith.constant 0 : i32
    %dma_start3A_167 = tpu.memref_slice %arg10[%dma_start3A_157, %dma_start3A_158, %dma_start3A_165, %dma_start3A_166] : memref<6x4x16x128xf32, #tpu.memory_space<vmem>> -> memref<1x1x16x128xf32, #tpu.memory_space<vmem>>
    %dma_start3A_168 = tpu.memref_squeeze %dma_start3A_167 : memref<1x1x16x128xf32, #tpu.memory_space<vmem>> -> memref<16x128xf32, #tpu.memory_space<vmem>>
    %dma_start3A_169 = arith.constant 0 : i32
    %dma_start3A_170 = tpu.memref_slice %arg5[%dma_start3A_169, %multiple_of3A_142] : memref<16x1000000xf32, #tpu.memory_space<hbm>> -> memref<16x128xf32, #tpu.memory_space<hbm>>
    tpu.enqueue_dma source(%dma_start3A_170 : memref<16x128xf32, #tpu.memory_space<hbm>>) target(%dma_start3A_168 : memref<16x128xf32, #tpu.memory_space<vmem>>) target_semaphore(%arg13 : memref<!tpu.dma_semaphore, #tpu.memory_space<semaphore_mem>>)
    %add3A_171 = arith.constant 4 : i32
    %add3A_172 = vector.broadcast %add3A_171 : i32 to vector<16xi32>
    %add3A_173 = arith.addi %add3A_172, %and3A_8 : vector<16xi32>
    %shift_right_arithmetic3A_174 = arith.constant 7 : i32
    %shift_right_arithmetic3A_175 = vector.broadcast %shift_right_arithmetic3A_174 : i32 to vector<16xi32>
    %shift_right_arithmetic3A_176 = arith.shrsi %add3A_173, %shift_right_arithmetic3A_175 : vector<16xi32>
    %and3A_177 = arith.constant 127 : i32
    %and3A_178 = vector.broadcast %and3A_177 : i32 to vector<16xi32>
    %and3A_179 = arith.andi %add3A_173, %and3A_178 : vector<16xi32>
    %gather3A_180 = tpu.vector_load_idx %arg7[%shift_right_arithmetic3A_176, %and3A_179] : memref<4x128xi32, #tpu.memory_space<vmem>>[vector<16xi32>, vector<16xi32>], vector<16xi32>,
    %shift_right_arithmetic3A_181 = arith.constant 7 : i32
    %shift_right_arithmetic3A_182 = vector.broadcast %shift_right_arithmetic3A_181 : i32 to vector<16xi32>
    %shift_right_arithmetic3A_183 = arith.shrsi %add3A_173, %shift_right_arithmetic3A_182 : vector<16xi32>
    %and3A_184 = arith.constant 127 : i32
    %and3A_185 = vector.broadcast %and3A_184 : i32 to vector<16xi32>
    %and3A_186 = arith.andi %add3A_173, %and3A_185 : vector<16xi32>
    %gather3A_187 = tpu.vector_load_idx %arg8[%shift_right_arithmetic3A_183, %and3A_186] : memref<4x128xi32, #tpu.memory_space<vmem>>[vector<16xi32>, vector<16xi32>], vector<16xi32>,
    %shift_right_arithmetic3A_188 = arith.constant 7 : i32
    %shift_right_arithmetic3A_189 = vector.broadcast %shift_right_arithmetic3A_188 : i32 to vector<16xi32>
    %shift_right_arithmetic3A_190 = arith.shrsi %gather3A_180, %shift_right_arithmetic3A_189 : vector<16xi32>
    %shift_left3A_191 = arith.constant 7 : i32
    %shift_left3A_192 = vector.broadcast %shift_left3A_191 : i32 to vector<16xi32>
    %shift_left3A_193 = arith.shli %shift_right_arithmetic3A_190, %shift_left3A_192 : vector<16xi32>
    %shift_right_arithmetic3A_194 = arith.constant 7 : i32
    %shift_right_arithmetic3A_195 = vector.broadcast %shift_right_arithmetic3A_194 : i32 to vector<16xi32>
    %shift_right_arithmetic3A_196 = arith.shrsi %gather3A_187, %shift_right_arithmetic3A_195 : vector<16xi32>
    %shift_left3A_197 = arith.constant 7 : i32
    %shift_left3A_198 = vector.broadcast %shift_left3A_197 : i32 to vector<16xi32>
    %shift_left3A_199 = arith.shli %shift_right_arithmetic3A_196, %shift_left3A_198 : vector<16xi32>
    %slice3A_200 = vector.extract_strided_slice %shift_left3A_193 {offsets = [0], sizes = [1], strides = [1]} : vector<16xi32> to vector<1xi32>
    %squeeze3A_201 = vector.extract %slice3A_200[0] : i32 from vector<1xi32>
    %multiple_of3A_202 = tpu.assume_multiple %squeeze3A_201, 128 : i32
    %slice3A_203 = vector.extract_strided_slice %shift_left3A_199 {offsets = [0], sizes = [1], strides = [1]} : vector<16xi32> to vector<1xi32>
    %squeeze3A_204 = vector.extract %slice3A_203[0] : i32 from vector<1xi32>
    %multiple_of3A_205 = tpu.assume_multiple %squeeze3A_204, 128 : i32
    %dma_start3A_206 = arith.constant 1 : i32
    %dma_start3A_207 = arith.constant 0 : i32
    %dma_start3A_208 = arith.constant 0 : i32
    %dma_start3A_209 = arith.constant 0 : i32
    %dma_start3A_210 = tpu.memref_slice %arg9[%dma_start3A_206, %dma_start3A_207, %dma_start3A_208, %dma_start3A_209] : memref<6x4x16x128xf32, #tpu.memory_space<vmem>> -> memref<1x1x16x128xf32, #tpu.memory_space<vmem>>
    %dma_start3A_211 = tpu.memref_squeeze %dma_start3A_210 : memref<1x1x16x128xf32, #tpu.memory_space<vmem>> -> memref<16x128xf32, #tpu.memory_space<vmem>>
    %dma_start3A_212 = arith.constant 0 : i32
    %dma_start3A_213 = tpu.memref_slice %arg4[%dma_start3A_212, %multiple_of3A_202] : memref<16x1000000xf32, #tpu.memory_space<hbm>> -> memref<16x128xf32, #tpu.memory_space<hbm>>
    %dma_start3A_214 = arith.constant 0 : i32
    %dma_start3A_215 = arith.constant 0 : i32
    %dma_start3A_216 = tpu.memref_slice %arg9[%dma_start3A_206, %dma_start3A_207, %dma_start3A_214, %dma_start3A_215] : memref<6x4x16x128xf32, #tpu.memory_space<vmem>> -> memref<1x1x16x128xf32, #tpu.memory_space<vmem>>
    %dma_start3A_217 = tpu.memref_squeeze %dma_start3A_216 : memref<1x1x16x128xf32, #tpu.memory_space<vmem>> -> memref<16x128xf32, #tpu.memory_space<vmem>>
    %dma_start3A_218 = arith.constant 0 : i32
    %dma_start3A_219 = tpu.memref_slice %arg4[%dma_start3A_218, %multiple_of3A_202] : memref<16x1000000xf32, #tpu.memory_space<hbm>> -> memref<16x128xf32, #tpu.memory_space<hbm>>
    tpu.enqueue_dma source(%dma_start3A_219 : memref<16x128xf32, #tpu.memory_space<hbm>>) target(%dma_start3A_217 : memref<16x128xf32, #tpu.memory_space<vmem>>) target_semaphore(%arg12 : memref<!tpu.dma_semaphore, #tpu.memory_space<semaphore_mem>>)
    %dma_start3A_220 = arith.constant 1 : i32
    %dma_start3A_221 = arith.constant 0 : i32
    %dma_start3A_222 = arith.constant 0 : i32
    %dma_start3A_223 = arith.constant 0 : i32
    %dma_start3A_224 = tpu.memref_slice %arg10[%dma_start3A_220, %dma_start3A_221, %dma_start3A_222, %dma_start3A_223] : memref<6x4x16x128xf32, #tpu.memory_space<vmem>> -> memref<1x1x16x128xf32, #tpu.memory_space<vmem>>
    %dma_start3A_225 = tpu.memref_squeeze %dma_start3A_224 : memref<1x1x16x128xf32, #tpu.memory_space<vmem>> -> memref<16x128xf32, #tpu.memory_space<vmem>>
    %dma_start3A_226 = arith.constant 0 : i32
    %dma_start3A_227 = tpu.memref_slice %arg5[%dma_start3A_226, %multiple_of3A_205] : memref<16x1000000xf32, #tpu.memory_space<hbm>> -> memref<16x128xf32, #tpu.memory_space<hbm>>
    %dma_start3A_228 = arith.constant 0 : i32
    %dma_start3A_229 = arith.constant 0 : i32
    %dma_start3A_230 = tpu.memref_slice %arg10[%dma_start3A_220, %dma_start3A_221, %dma_start3A_228, %dma_start3A_229] : memref<6x4x16x128xf32, #tpu.memory_space<vmem>> -> memref<1x1x16x128xf32, #tpu.memory_space<vmem>>
    %dma_start3A_231 = tpu.memref_squeeze %dma_start3A_230 : memref<1x1x16x128xf32, #tpu.memory_space<vmem>> -> memref<16x128xf32, #tpu.memory_space<vmem>>
    %dma_start3A_232 = arith.constant 0 : i32
    %dma_start3A_233 = tpu.memref_slice %arg5[%dma_start3A_232, %multiple_of3A_205] : memref<16x1000000xf32, #tpu.memory_space<hbm>> -> memref<16x128xf32, #tpu.memory_space<hbm>>
    tpu.enqueue_dma source(%dma_start3A_233 : memref<16x128xf32, #tpu.memory_space<hbm>>) target(%dma_start3A_231 : memref<16x128xf32, #tpu.memory_space<vmem>>) target_semaphore(%arg13 : memref<!tpu.dma_semaphore, #tpu.memory_space<semaphore_mem>>)
    %slice3A_234 = vector.extract_strided_slice %shift_left3A_193 {offsets = [1], sizes = [1], strides = [1]} : vector<16xi32> to vector<1xi32>
    %squeeze3A_235 = vector.extract %slice3A_234[0] : i32 from vector<1xi32>
    %multiple_of3A_236 = tpu.assume_multiple %squeeze3A_235, 128 : i32
    %slice3A_237 = vector.extract_strided_slice %shift_left3A_199 {offsets = [1], sizes = [1], strides = [1]} : vector<16xi32> to vector<1xi32>
    %squeeze3A_238 = vector.extract %slice3A_237[0] : i32 from vector<1xi32>
    %multiple_of3A_239 = tpu.assume_multiple %squeeze3A_238, 128 : i32
    %dma_start3A_240 = arith.constant 1 : i32
    %dma_start3A_241 = arith.constant 1 : i32
    %dma_start3A_242 = arith.constant 0 : i32
    %dma_start3A_243 = arith.constant 0 : i32
    %dma_start3A_244 = tpu.memref_slice %arg9[%dma_start3A_240, %dma_start3A_241, %dma_start3A_242, %dma_start3A_243] : memref<6x4x16x128xf32, #tpu.memory_space<vmem>> -> memref<1x1x16x128xf32, #tpu.memory_space<vmem>>
    %dma_start3A_245 = tpu.memref_squeeze %dma_start3A_244 : memref<1x1x16x128xf32, #tpu.memory_space<vmem>> -> memref<16x128xf32, #tpu.memory_space<vmem>>
    %dma_start3A_246 = arith.constant 0 : i32
    %dma_start3A_247 = tpu.memref_slice %arg4[%dma_start3A_246, %multiple_of3A_236] : memref<16x1000000xf32, #tpu.memory_space<hbm>> -> memref<16x128xf32, #tpu.memory_space<hbm>>
    %dma_start3A_248 = arith.constant 0 : i32
    %dma_start3A_249 = arith.constant 0 : i32
    %dma_start3A_250 = tpu.memref_slice %arg9[%dma_start3A_240, %dma_start3A_241, %dma_start3A_248, %dma_start3A_249] : memref<6x4x16x128xf32, #tpu.memory_space<vmem>> -> memref<1x1x16x128xf32, #tpu.memory_space<vmem>>
    %dma_start3A_251 = tpu.memref_squeeze %dma_start3A_250 : memref<1x1x16x128xf32, #tpu.memory_space<vmem>> -> memref<16x128xf32, #tpu.memory_space<vmem>>
    %dma_start3A_252 = arith.constant 0 : i32
    %dma_start3A_253 = tpu.memref_slice %arg4[%dma_start3A_252, %multiple_of3A_236] : memref<16x1000000xf32, #tpu.memory_space<hbm>> -> memref<16x128xf32, #tpu.memory_space<hbm>>
    tpu.enqueue_dma source(%dma_start3A_253 : memref<16x128xf32, #tpu.memory_space<hbm>>) target(%dma_start3A_251 : memref<16x128xf32, #tpu.memory_space<vmem>>) target_semaphore(%arg12 : memref<!tpu.dma_semaphore, #tpu.memory_space<semaphore_mem>>)
    %dma_start3A_254 = arith.constant 1 : i32
    %dma_start3A_255 = arith.constant 1 : i32
    %dma_start3A_256 = arith.constant 0 : i32
    %dma_start3A_257 = arith.constant 0 : i32
    %dma_start3A_258 = tpu.memref_slice %arg10[%dma_start3A_254, %dma_start3A_255, %dma_start3A_256, %dma_start3A_257] : memref<6x4x16x128xf32, #tpu.memory_space<vmem>> -> memref<1x1x16x128xf32, #tpu.memory_space<vmem>>
    %dma_start3A_259 = tpu.memref_squeeze %dma_start3A_258 : memref<1x1x16x128xf32, #tpu.memory_space<vmem>> -> memref<16x128xf32, #tpu.memory_space<vmem>>
    %dma_start3A_260 = arith.constant 0 : i32
    %dma_start3A_261 = tpu.memref_slice %arg5[%dma_start3A_260, %multiple_of3A_239] : memref<16x1000000xf32, #tpu.memory_space<hbm>> -> memref<16x128xf32, #tpu.memory_space<hbm>>
    %dma_start3A_262 = arith.constant 0 : i32
    %dma_start3A_263 = arith.constant 0 : i32
    %dma_start3A_264 = tpu.memref_slice %arg10[%dma_start3A_254, %dma_start3A_255, %dma_start3A_262, %dma_start3A_263] : memref<6x4x16x128xf32, #tpu.memory_space<vmem>> -> memref<1x1x16x128xf32, #tpu.memory_space<vmem>>
    %dma_start3A_265 = tpu.memref_squeeze %dma_start3A_264 : memref<1x1x16x128xf32, #tpu.memory_space<vmem>> -> memref<16x128xf32, #tpu.memory_space<vmem>>
    %dma_start3A_266 = arith.constant 0 : i32
    %dma_start3A_267 = tpu.memref_slice %arg5[%dma_start3A_266, %multiple_of3A_239] : memref<16x1000000xf32, #tpu.memory_space<hbm>> -> memref<16x128xf32, #tpu.memory_space<hbm>>
    tpu.enqueue_dma source(%dma_start3A_267 : memref<16x128xf32, #tpu.memory_space<hbm>>) target(%dma_start3A_265 : memref<16x128xf32, #tpu.memory_space<vmem>>) target_semaphore(%arg13 : memref<!tpu.dma_semaphore, #tpu.memory_space<semaphore_mem>>)
    %slice3A_268 = vector.extract_strided_slice %shift_left3A_193 {offsets = [2], sizes = [1], strides = [1]} : vector<16xi32> to vector<1xi32>
    %squeeze3A_269 = vector.extract %slice3A_268[0] : i32 from vector<1xi32>
    %multiple_of3A_270 = tpu.assume_multiple %squeeze3A_269, 128 : i32
    %slice3A_271 = vector.extract_strided_slice %shift_left3A_199 {offsets = [2], sizes = [1], strides = [1]} : vector<16xi32> to vector<1xi32>
    %squeeze3A_272 = vector.extract %slice3A_271[0] : i32 from vector<1xi32>
    %multiple_of3A_273 = tpu.assume_multiple %squeeze3A_272, 128 : i32
    %dma_start3A_274 = arith.constant 1 : i32
    %dma_start3A_275 = arith.constant 2 : i32
    %dma_start3A_276 = arith.constant 0 : i32
    %dma_start3A_277 = arith.constant 0 : i32
    %dma_start3A_278 = tpu.memref_slice %arg9[%dma_start3A_274, %dma_start3A_275, %dma_start3A_276, %dma_start3A_277] : memref<6x4x16x128xf32, #tpu.memory_space<vmem>> -> memref<1x1x16x128xf32, #tpu.memory_space<vmem>>
    %dma_start3A_279 = tpu.memref_squeeze %dma_start3A_278 : memref<1x1x16x128xf32, #tpu.memory_space<vmem>> -> memref<16x128xf32, #tpu.memory_space<vmem>>
    %dma_start3A_280 = arith.constant 0 : i32
    %dma_start3A_281 = tpu.memref_slice %arg4[%dma_start3A_280, %multiple_of3A_270] : memref<16x1000000xf32, #tpu.memory_space<hbm>> -> memref<16x128xf32, #tpu.memory_space<hbm>>
    %dma_start3A_282 = arith.constant 0 : i32
    %dma_start3A_283 = arith.constant 0 : i32
    %dma_start3A_284 = tpu.memref_slice %arg9[%dma_start3A_274, %dma_start3A_275, %dma_start3A_282, %dma_start3A_283] : memref<6x4x16x128xf32, #tpu.memory_space<vmem>> -> memref<1x1x16x128xf32, #tpu.memory_space<vmem>>
    %dma_start3A_285 = tpu.memref_squeeze %dma_start3A_284 : memref<1x1x16x128xf32, #tpu.memory_space<vmem>> -> memref<16x128xf32, #tpu.memory_space<vmem>>
    %dma_start3A_286 = arith.constant 0 : i32
    %dma_start3A_287 = tpu.memref_slice %arg4[%dma_start3A_286, %multiple_of3A_270] : memref<16x1000000xf32, #tpu.memory_space<hbm>> -> memref<16x128xf32, #tpu.memory_space<hbm>>
    tpu.enqueue_dma source(%dma_start3A_287 : memref<16x128xf32, #tpu.memory_space<hbm>>) target(%dma_start3A_285 : memref<16x128xf32, #tpu.memory_space<vmem>>) target_semaphore(%arg12 : memref<!tpu.dma_semaphore, #tpu.memory_space<semaphore_mem>>)
    %dma_start3A_288 = arith.constant 1 : i32
    %dma_start3A_289 = arith.constant 2 : i32
    %dma_start3A_290 = arith.constant 0 : i32
    %dma_start3A_291 = arith.constant 0 : i32
    %dma_start3A_292 = tpu.memref_slice %arg10[%dma_start3A_288, %dma_start3A_289, %dma_start3A_290, %dma_start3A_291] : memref<6x4x16x128xf32, #tpu.memory_space<vmem>> -> memref<1x1x16x128xf32, #tpu.memory_space<vmem>>
    %dma_start3A_293 = tpu.memref_squeeze %dma_start3A_292 : memref<1x1x16x128xf32, #tpu.memory_space<vmem>> -> memref<16x128xf32, #tpu.memory_space<vmem>>
    %dma_start3A_294 = arith.constant 0 : i32
    %dma_start3A_295 = tpu.memref_slice %arg5[%dma_start3A_294, %multiple_of3A_273] : memref<16x1000000xf32, #tpu.memory_space<hbm>> -> memref<16x128xf32, #tpu.memory_space<hbm>>
    %dma_start3A_296 = arith.constant 0 : i32
    %dma_start3A_297 = arith.constant 0 : i32
    %dma_start3A_298 = tpu.memref_slice %arg10[%dma_start3A_288, %dma_start3A_289, %dma_start3A_296, %dma_start3A_297] : memref<6x4x16x128xf32, #tpu.memory_space<vmem>> -> memref<1x1x16x128xf32, #tpu.memory_space<vmem>>
    %dma_start3A_299 = tpu.memref_squeeze %dma_start3A_298 : memref<1x1x16x128xf32, #tpu.memory_space<vmem>> -> memref<16x128xf32, #tpu.memory_space<vmem>>
    %dma_start3A_300 = arith.constant 0 : i32
    %dma_start3A_301 = tpu.memref_slice %arg5[%dma_start3A_300, %multiple_of3A_273] : memref<16x1000000xf32, #tpu.memory_space<hbm>> -> memref<16x128xf32, #tpu.memory_space<hbm>>
    tpu.enqueue_dma source(%dma_start3A_301 : memref<16x128xf32, #tpu.memory_space<hbm>>) target(%dma_start3A_299 : memref<16x128xf32, #tpu.memory_space<vmem>>) target_semaphore(%arg13 : memref<!tpu.dma_semaphore, #tpu.memory_space<semaphore_mem>>)
    %slice3A_302 = vector.extract_strided_slice %shift_left3A_193 {offsets = [3], sizes = [1], strides = [1]} : vector<16xi32> to vector<1xi32>
    %squeeze3A_303 = vector.extract %slice3A_302[0] : i32 from vector<1xi32>
    %multiple_of3A_304 = tpu.assume_multiple %squeeze3A_303, 128 : i32
    %slice3A_305 = vector.extract_strided_slice %shift_left3A_199 {offsets = [3], sizes = [1], strides = [1]} : vector<16xi32> to vector<1xi32>
    %squeeze3A_306 = vector.extract %slice3A_305[0] : i32 from vector<1xi32>
    %multiple_of3A_307 = tpu.assume_multiple %squeeze3A_306, 128 : i32
    %dma_start3A_308 = arith.constant 1 : i32
    %dma_start3A_309 = arith.constant 3 : i32
    %dma_start3A_310 = arith.constant 0 : i32
    %dma_start3A_311 = arith.constant 0 : i32
    %dma_start3A_312 = tpu.memref_slice %arg9[%dma_start3A_308, %dma_start3A_309, %dma_start3A_310, %dma_start3A_311] : memref<6x4x16x128xf32, #tpu.memory_space<vmem>> -> memref<1x1x16x128xf32, #tpu.memory_space<vmem>>
    %dma_start3A_313 = tpu.memref_squeeze %dma_start3A_312 : memref<1x1x16x128xf32, #tpu.memory_space<vmem>> -> memref<16x128xf32, #tpu.memory_space<vmem>>
    %dma_start3A_314 = arith.constant 0 : i32
    %dma_start3A_315 = tpu.memref_slice %arg4[%dma_start3A_314, %multiple_of3A_304] : memref<16x1000000xf32, #tpu.memory_space<hbm>> -> memref<16x128xf32, #tpu.memory_space<hbm>>
    %dma_start3A_316 = arith.constant 0 : i32
    %dma_start3A_317 = arith.constant 0 : i32
    %dma_start3A_318 = tpu.memref_slice %arg9[%dma_start3A_308, %dma_start3A_309, %dma_start3A_316, %dma_start3A_317] : memref<6x4x16x128xf32, #tpu.memory_space<vmem>> -> memref<1x1x16x128xf32, #tpu.memory_space<vmem>>
    %dma_start3A_319 = tpu.memref_squeeze %dma_start3A_318 : memref<1x1x16x128xf32, #tpu.memory_space<vmem>> -> memref<16x128xf32, #tpu.memory_space<vmem>>
    %dma_start3A_320 = arith.constant 0 : i32
    %dma_start3A_321 = tpu.memref_slice %arg4[%dma_start3A_320, %multiple_of3A_304] : memref<16x1000000xf32, #tpu.memory_space<hbm>> -> memref<16x128xf32, #tpu.memory_space<hbm>>
    tpu.enqueue_dma source(%dma_start3A_321 : memref<16x128xf32, #tpu.memory_space<hbm>>) target(%dma_start3A_319 : memref<16x128xf32, #tpu.memory_space<vmem>>) target_semaphore(%arg12 : memref<!tpu.dma_semaphore, #tpu.memory_space<semaphore_mem>>)
    %dma_start3A_322 = arith.constant 1 : i32
    %dma_start3A_323 = arith.constant 3 : i32
    %dma_start3A_324 = arith.constant 0 : i32
    %dma_start3A_325 = arith.constant 0 : i32
    %dma_start3A_326 = tpu.memref_slice %arg10[%dma_start3A_322, %dma_start3A_323, %dma_start3A_324, %dma_start3A_325] : memref<6x4x16x128xf32, #tpu.memory_space<vmem>> -> memref<1x1x16x128xf32, #tpu.memory_space<vmem>>
    %dma_start3A_327 = tpu.memref_squeeze %dma_start3A_326 : memref<1x1x16x128xf32, #tpu.memory_space<vmem>> -> memref<16x128xf32, #tpu.memory_space<vmem>>
    %dma_start3A_328 = arith.constant 0 : i32
    %dma_start3A_329 = tpu.memref_slice %arg5[%dma_start3A_328, %multiple_of3A_307] : memref<16x1000000xf32, #tpu.memory_space<hbm>> -> memref<16x128xf32, #tpu.memory_space<hbm>>
    %dma_start3A_330 = arith.constant 0 : i32
    %dma_start3A_331 = arith.constant 0 : i32
    %dma_start3A_332 = tpu.memref_slice %arg10[%dma_start3A_322, %dma_start3A_323, %dma_start3A_330, %dma_start3A_331] : memref<6x4x16x128xf32, #tpu.memory_space<vmem>> -> memref<1x1x16x128xf32, #tpu.memory_space<vmem>>
    %dma_start3A_333 = tpu.memref_squeeze %dma_start3A_332 : memref<1x1x16x128xf32, #tpu.memory_space<vmem>> -> memref<16x128xf32, #tpu.memory_space<vmem>>
    %dma_start3A_334 = arith.constant 0 : i32
    %dma_start3A_335 = tpu.memref_slice %arg5[%dma_start3A_334, %multiple_of3A_307] : memref<16x1000000xf32, #tpu.memory_space<hbm>> -> memref<16x128xf32, #tpu.memory_space<hbm>>
    tpu.enqueue_dma source(%dma_start3A_335 : memref<16x128xf32, #tpu.memory_space<hbm>>) target(%dma_start3A_333 : memref<16x128xf32, #tpu.memory_space<vmem>>) target_semaphore(%arg13 : memref<!tpu.dma_semaphore, #tpu.memory_space<semaphore_mem>>)
    %add3A_336 = arith.constant 8 : i32
    %add3A_337 = vector.broadcast %add3A_336 : i32 to vector<16xi32>
    %add3A_338 = arith.addi %add3A_337, %and3A_8 : vector<16xi32>
    %shift_right_arithmetic3A_339 = arith.constant 7 : i32
    %shift_right_arithmetic3A_340 = vector.broadcast %shift_right_arithmetic3A_339 : i32 to vector<16xi32>
    %shift_right_arithmetic3A_341 = arith.shrsi %add3A_338, %shift_right_arithmetic3A_340 : vector<16xi32>
    %and3A_342 = arith.constant 127 : i32
    %and3A_343 = vector.broadcast %and3A_342 : i32 to vector<16xi32>
    %and3A_344 = arith.andi %add3A_338, %and3A_343 : vector<16xi32>
    %gather3A_345 = tpu.vector_load_idx %arg7[%shift_right_arithmetic3A_341, %and3A_344] : memref<4x128xi32, #tpu.memory_space<vmem>>[vector<16xi32>, vector<16xi32>], vector<16xi32>,
    %shift_right_arithmetic3A_346 = arith.constant 7 : i32
    %shift_right_arithmetic3A_347 = vector.broadcast %shift_right_arithmetic3A_346 : i32 to vector<16xi32>
    %shift_right_arithmetic3A_348 = arith.shrsi %add3A_338, %shift_right_arithmetic3A_347 : vector<16xi32>
    %and3A_349 = arith.constant 127 : i32
    %and3A_350 = vector.broadcast %and3A_349 : i32 to vector<16xi32>
    %and3A_351 = arith.andi %add3A_338, %and3A_350 : vector<16xi32>
    %gather3A_352 = tpu.vector_load_idx %arg8[%shift_right_arithmetic3A_348, %and3A_351] : memref<4x128xi32, #tpu.memory_space<vmem>>[vector<16xi32>, vector<16xi32>], vector<16xi32>,
    %shift_right_arithmetic3A_353 = arith.constant 7 : i32
    %shift_right_arithmetic3A_354 = vector.broadcast %shift_right_arithmetic3A_353 : i32 to vector<16xi32>
    %shift_right_arithmetic3A_355 = arith.shrsi %gather3A_345, %shift_right_arithmetic3A_354 : vector<16xi32>
    %shift_left3A_356 = arith.constant 7 : i32
    %shift_left3A_357 = vector.broadcast %shift_left3A_356 : i32 to vector<16xi32>
    %shift_left3A_358 = arith.shli %shift_right_arithmetic3A_355, %shift_left3A_357 : vector<16xi32>
    %shift_right_arithmetic3A_359 = arith.constant 7 : i32
    %shift_right_arithmetic3A_360 = vector.broadcast %shift_right_arithmetic3A_359 : i32 to vector<16xi32>
    %shift_right_arithmetic3A_361 = arith.shrsi %gather3A_352, %shift_right_arithmetic3A_360 : vector<16xi32>
    %shift_left3A_362 = arith.constant 7 : i32
    %shift_left3A_363 = vector.broadcast %shift_left3A_362 : i32 to vector<16xi32>
    %shift_left3A_364 = arith.shli %shift_right_arithmetic3A_361, %shift_left3A_363 : vector<16xi32>
    %slice3A_365 = vector.extract_strided_slice %shift_left3A_358 {offsets = [0], sizes = [1], strides = [1]} : vector<16xi32> to vector<1xi32>
    %squeeze3A_366 = vector.extract %slice3A_365[0] : i32 from vector<1xi32>
    %multiple_of3A_367 = tpu.assume_multiple %squeeze3A_366, 128 : i32
    %slice3A_368 = vector.extract_strided_slice %shift_left3A_364 {offsets = [0], sizes = [1], strides = [1]} : vector<16xi32> to vector<1xi32>
    %squeeze3A_369 = vector.extract %slice3A_368[0] : i32 from vector<1xi32>
    %multiple_of3A_370 = tpu.assume_multiple %squeeze3A_369, 128 : i32
    %dma_start3A_371 = arith.constant 2 : i32
    %dma_start3A_372 = arith.constant 0 : i32
    %dma_start3A_373 = arith.constant 0 : i32
    %dma_start3A_374 = arith.constant 0 : i32
    %dma_start3A_375 = tpu.memref_slice %arg9[%dma_start3A_371, %dma_start3A_372, %dma_start3A_373, %dma_start3A_374] : memref<6x4x16x128xf32, #tpu.memory_space<vmem>> -> memref<1x1x16x128xf32, #tpu.memory_space<vmem>>
    %dma_start3A_376 = tpu.memref_squeeze %dma_start3A_375 : memref<1x1x16x128xf32, #tpu.memory_space<vmem>> -> memref<16x128xf32, #tpu.memory_space<vmem>>
    %dma_start3A_377 = arith.constant 0 : i32
    %dma_start3A_378 = tpu.memref_slice %arg4[%dma_start3A_377, %multiple_of3A_367] : memref<16x1000000xf32, #tpu.memory_space<hbm>> -> memref<16x128xf32, #tpu.memory_space<hbm>>
    %dma_start3A_379 = arith.constant 0 : i32
    %dma_start3A_380 = arith.constant 0 : i32
    %dma_start3A_381 = tpu.memref_slice %arg9[%dma_start3A_371, %dma_start3A_372, %dma_start3A_379, %dma_start3A_380] : memref<6x4x16x128xf32, #tpu.memory_space<vmem>> -> memref<1x1x16x128xf32, #tpu.memory_space<vmem>>
    %dma_start3A_382 = tpu.memref_squeeze %dma_start3A_381 : memref<1x1x16x128xf32, #tpu.memory_space<vmem>> -> memref<16x128xf32, #tpu.memory_space<vmem>>
    %dma_start3A_383 = arith.constant 0 : i32
    %dma_start3A_384 = tpu.memref_slice %arg4[%dma_start3A_383, %multiple_of3A_367] : memref<16x1000000xf32, #tpu.memory_space<hbm>> -> memref<16x128xf32, #tpu.memory_space<hbm>>
    tpu.enqueue_dma source(%dma_start3A_384 : memref<16x128xf32, #tpu.memory_space<hbm>>) target(%dma_start3A_382 : memref<16x128xf32, #tpu.memory_space<vmem>>) target_semaphore(%arg12 : memref<!tpu.dma_semaphore, #tpu.memory_space<semaphore_mem>>)
    %dma_start3A_385 = arith.constant 2 : i32
    %dma_start3A_386 = arith.constant 0 : i32
    %dma_start3A_387 = arith.constant 0 : i32
    %dma_start3A_388 = arith.constant 0 : i32
    %dma_start3A_389 = tpu.memref_slice %arg10[%dma_start3A_385, %dma_start3A_386, %dma_start3A_387, %dma_start3A_388] : memref<6x4x16x128xf32, #tpu.memory_space<vmem>> -> memref<1x1x16x128xf32, #tpu.memory_space<vmem>>
    %dma_start3A_390 = tpu.memref_squeeze %dma_start3A_389 : memref<1x1x16x128xf32, #tpu.memory_space<vmem>> -> memref<16x128xf32, #tpu.memory_space<vmem>>
    %dma_start3A_391 = arith.constant 0 : i32
    %dma_start3A_392 = tpu.memref_slice %arg5[%dma_start3A_391, %multiple_of3A_370] : memref<16x1000000xf32, #tpu.memory_space<hbm>> -> memref<16x128xf32, #tpu.memory_space<hbm>>
    %dma_start3A_393 = arith.constant 0 : i32
    %dma_start3A_394 = arith.constant 0 : i32
    %dma_start3A_395 = tpu.memref_slice %arg10[%dma_start3A_385, %dma_start3A_386, %dma_start3A_393, %dma_start3A_394] : memref<6x4x16x128xf32, #tpu.memory_space<vmem>> -> memref<1x1x16x128xf32, #tpu.memory_space<vmem>>
    %dma_start3A_396 = tpu.memref_squeeze %dma_start3A_395 : memref<1x1x16x128xf32, #tpu.memory_space<vmem>> -> memref<16x128xf32, #tpu.memory_space<vmem>>
    %dma_start3A_397 = arith.constant 0 : i32
    %dma_start3A_398 = tpu.memref_slice %arg5[%dma_start3A_397, %multiple_of3A_370] : memref<16x1000000xf32, #tpu.memory_space<hbm>> -> memref<16x128xf32, #tpu.memory_space<hbm>>
    tpu.enqueue_dma source(%dma_start3A_398 : memref<16x128xf32, #tpu.memory_space<hbm>>) target(%dma_start3A_396 : memref<16x128xf32, #tpu.memory_space<vmem>>) target_semaphore(%arg13 : memref<!tpu.dma_semaphore, #tpu.memory_space<semaphore_mem>>)
    %slice3A_399 = vector.extract_strided_slice %shift_left3A_358 {offsets = [1], sizes = [1], strides = [1]} : vector<16xi32> to vector<1xi32>
    %squeeze3A_400 = vector.extract %slice3A_399[0] : i32 from vector<1xi32>
    %multiple_of3A_401 = tpu.assume_multiple %squeeze3A_400, 128 : i32
    %slice3A_402 = vector.extract_strided_slice %shift_left3A_364 {offsets = [1], sizes = [1], strides = [1]} : vector<16xi32> to vector<1xi32>
    %squeeze3A_403 = vector.extract %slice3A_402[0] : i32 from vector<1xi32>
    %multiple_of3A_404 = tpu.assume_multiple %squeeze3A_403, 128 : i32
    %dma_start3A_405 = arith.constant 2 : i32
    %dma_start3A_406 = arith.constant 1 : i32
    %dma_start3A_407 = arith.constant 0 : i32
    %dma_start3A_408 = arith.constant 0 : i32
    %dma_start3A_409 = tpu.memref_slice %arg9[%dma_start3A_405, %dma_start3A_406, %dma_start3A_407, %dma_start3A_408] : memref<6x4x16x128xf32, #tpu.memory_space<vmem>> -> memref<1x1x16x128xf32, #tpu.memory_space<vmem>>
    %dma_start3A_410 = tpu.memref_squeeze %dma_start3A_409 : memref<1x1x16x128xf32, #tpu.memory_space<vmem>> -> memref<16x128xf32, #tpu.memory_space<vmem>>
    %dma_start3A_411 = arith.constant 0 : i32
    %dma_start3A_412 = tpu.memref_slice %arg4[%dma_start3A_411, %multiple_of3A_401] : memref<16x1000000xf32, #tpu.memory_space<hbm>> -> memref<16x128xf32, #tpu.memory_space<hbm>>
    %dma_start3A_413 = arith.constant 0 : i32
    %dma_start3A_414 = arith.constant 0 : i32
    %dma_start3A_415 = tpu.memref_slice %arg9[%dma_start3A_405, %dma_start3A_406, %dma_start3A_413, %dma_start3A_414] : memref<6x4x16x128xf32, #tpu.memory_space<vmem>> -> memref<1x1x16x128xf32, #tpu.memory_space<vmem>>
    %dma_start3A_416 = tpu.memref_squeeze %dma_start3A_415 : memref<1x1x16x128xf32, #tpu.memory_space<vmem>> -> memref<16x128xf32, #tpu.memory_space<vmem>>
    %dma_start3A_417 = arith.constant 0 : i32
    %dma_start3A_418 = tpu.memref_slice %arg4[%dma_start3A_417, %multiple_of3A_401] : memref<16x1000000xf32, #tpu.memory_space<hbm>> -> memref<16x128xf32, #tpu.memory_space<hbm>>
    tpu.enqueue_dma source(%dma_start3A_418 : memref<16x128xf32, #tpu.memory_space<hbm>>) target(%dma_start3A_416 : memref<16x128xf32, #tpu.memory_space<vmem>>) target_semaphore(%arg12 : memref<!tpu.dma_semaphore, #tpu.memory_space<semaphore_mem>>)
    %dma_start3A_419 = arith.constant 2 : i32
    %dma_start3A_420 = arith.constant 1 : i32
    %dma_start3A_421 = arith.constant 0 : i32
    %dma_start3A_422 = arith.constant 0 : i32
    %dma_start3A_423 = tpu.memref_slice %arg10[%dma_start3A_419, %dma_start3A_420, %dma_start3A_421, %dma_start3A_422] : memref<6x4x16x128xf32, #tpu.memory_space<vmem>> -> memref<1x1x16x128xf32, #tpu.memory_space<vmem>>
    %dma_start3A_424 = tpu.memref_squeeze %dma_start3A_423 : memref<1x1x16x128xf32, #tpu.memory_space<vmem>> -> memref<16x128xf32, #tpu.memory_space<vmem>>
    %dma_start3A_425 = arith.constant 0 : i32
    %dma_start3A_426 = tpu.memref_slice %arg5[%dma_start3A_425, %multiple_of3A_404] : memref<16x1000000xf32, #tpu.memory_space<hbm>> -> memref<16x128xf32, #tpu.memory_space<hbm>>
    %dma_start3A_427 = arith.constant 0 : i32
    %dma_start3A_428 = arith.constant 0 : i32
    %dma_start3A_429 = tpu.memref_slice %arg10[%dma_start3A_419, %dma_start3A_420, %dma_start3A_427, %dma_start3A_428] : memref<6x4x16x128xf32, #tpu.memory_space<vmem>> -> memref<1x1x16x128xf32, #tpu.memory_space<vmem>>
    %dma_start3A_430 = tpu.memref_squeeze %dma_start3A_429 : memref<1x1x16x128xf32, #tpu.memory_space<vmem>> -> memref<16x128xf32, #tpu.memory_space<vmem>>
    %dma_start3A_431 = arith.constant 0 : i32
    %dma_start3A_432 = tpu.memref_slice %arg5[%dma_start3A_431, %multiple_of3A_404] : memref<16x1000000xf32, #tpu.memory_space<hbm>> -> memref<16x128xf32, #tpu.memory_space<hbm>>
    tpu.enqueue_dma source(%dma_start3A_432 : memref<16x128xf32, #tpu.memory_space<hbm>>) target(%dma_start3A_430 : memref<16x128xf32, #tpu.memory_space<vmem>>) target_semaphore(%arg13 : memref<!tpu.dma_semaphore, #tpu.memory_space<semaphore_mem>>)
    %slice3A_433 = vector.extract_strided_slice %shift_left3A_358 {offsets = [2], sizes = [1], strides = [1]} : vector<16xi32> to vector<1xi32>
    %squeeze3A_434 = vector.extract %slice3A_433[0] : i32 from vector<1xi32>
    %multiple_of3A_435 = tpu.assume_multiple %squeeze3A_434, 128 : i32
    %slice3A_436 = vector.extract_strided_slice %shift_left3A_364 {offsets = [2], sizes = [1], strides = [1]} : vector<16xi32> to vector<1xi32>
    %squeeze3A_437 = vector.extract %slice3A_436[0] : i32 from vector<1xi32>
    %multiple_of3A_438 = tpu.assume_multiple %squeeze3A_437, 128 : i32
    %dma_start3A_439 = arith.constant 2 : i32
    %dma_start3A_440 = arith.constant 2 : i32
    %dma_start3A_441 = arith.constant 0 : i32
    %dma_start3A_442 = arith.constant 0 : i32
    %dma_start3A_443 = tpu.memref_slice %arg9[%dma_start3A_439, %dma_start3A_440, %dma_start3A_441, %dma_start3A_442] : memref<6x4x16x128xf32, #tpu.memory_space<vmem>> -> memref<1x1x16x128xf32, #tpu.memory_space<vmem>>
    %dma_start3A_444 = tpu.memref_squeeze %dma_start3A_443 : memref<1x1x16x128xf32, #tpu.memory_space<vmem>> -> memref<16x128xf32, #tpu.memory_space<vmem>>
    %dma_start3A_445 = arith.constant 0 : i32
    %dma_start3A_446 = tpu.memref_slice %arg4[%dma_start3A_445, %multiple_of3A_435] : memref<16x1000000xf32, #tpu.memory_space<hbm>> -> memref<16x128xf32, #tpu.memory_space<hbm>>
    %dma_start3A_447 = arith.constant 0 : i32
    %dma_start3A_448 = arith.constant 0 : i32
    %dma_start3A_449 = tpu.memref_slice %arg9[%dma_start3A_439, %dma_start3A_440, %dma_start3A_447, %dma_start3A_448] : memref<6x4x16x128xf32, #tpu.memory_space<vmem>> -> memref<1x1x16x128xf32, #tpu.memory_space<vmem>>
    %dma_start3A_450 = tpu.memref_squeeze %dma_start3A_449 : memref<1x1x16x128xf32, #tpu.memory_space<vmem>> -> memref<16x128xf32, #tpu.memory_space<vmem>>
    %dma_start3A_451 = arith.constant 0 : i32
    %dma_start3A_452 = tpu.memref_slice %arg4[%dma_start3A_451, %multiple_of3A_435] : memref<16x1000000xf32, #tpu.memory_space<hbm>> -> memref<16x128xf32, #tpu.memory_space<hbm>>
    tpu.enqueue_dma source(%dma_start3A_452 : memref<16x128xf32, #tpu.memory_space<hbm>>) target(%dma_start3A_450 : memref<16x128xf32, #tpu.memory_space<vmem>>) target_semaphore(%arg12 : memref<!tpu.dma_semaphore, #tpu.memory_space<semaphore_mem>>)
    %dma_start3A_453 = arith.constant 2 : i32
    %dma_start3A_454 = arith.constant 2 : i32
    %dma_start3A_455 = arith.constant 0 : i32
    %dma_start3A_456 = arith.constant 0 : i32
    %dma_start3A_457 = tpu.memref_slice %arg10[%dma_start3A_453, %dma_start3A_454, %dma_start3A_455, %dma_start3A_456] : memref<6x4x16x128xf32, #tpu.memory_space<vmem>> -> memref<1x1x16x128xf32, #tpu.memory_space<vmem>>
    %dma_start3A_458 = tpu.memref_squeeze %dma_start3A_457 : memref<1x1x16x128xf32, #tpu.memory_space<vmem>> -> memref<16x128xf32, #tpu.memory_space<vmem>>
    %dma_start3A_459 = arith.constant 0 : i32
    %dma_start3A_460 = tpu.memref_slice %arg5[%dma_start3A_459, %multiple_of3A_438] : memref<16x1000000xf32, #tpu.memory_space<hbm>> -> memref<16x128xf32, #tpu.memory_space<hbm>>
    %dma_start3A_461 = arith.constant 0 : i32
    %dma_start3A_462 = arith.constant 0 : i32
    %dma_start3A_463 = tpu.memref_slice %arg10[%dma_start3A_453, %dma_start3A_454, %dma_start3A_461, %dma_start3A_462] : memref<6x4x16x128xf32, #tpu.memory_space<vmem>> -> memref<1x1x16x128xf32, #tpu.memory_space<vmem>>
    %dma_start3A_464 = tpu.memref_squeeze %dma_start3A_463 : memref<1x1x16x128xf32, #tpu.memory_space<vmem>> -> memref<16x128xf32, #tpu.memory_space<vmem>>
    %dma_start3A_465 = arith.constant 0 : i32
    %dma_start3A_466 = tpu.memref_slice %arg5[%dma_start3A_465, %multiple_of3A_438] : memref<16x1000000xf32, #tpu.memory_space<hbm>> -> memref<16x128xf32, #tpu.memory_space<hbm>>
    tpu.enqueue_dma source(%dma_start3A_466 : memref<16x128xf32, #tpu.memory_space<hbm>>) target(%dma_start3A_464 : memref<16x128xf32, #tpu.memory_space<vmem>>) target_semaphore(%arg13 : memref<!tpu.dma_semaphore, #tpu.memory_space<semaphore_mem>>)
    %slice3A_467 = vector.extract_strided_slice %shift_left3A_358 {offsets = [3], sizes = [1], strides = [1]} : vector<16xi32> to vector<1xi32>
    %squeeze3A_468 = vector.extract %slice3A_467[0] : i32 from vector<1xi32>
    %multiple_of3A_469 = tpu.assume_multiple %squeeze3A_468, 128 : i32
    %slice3A_470 = vector.extract_strided_slice %shift_left3A_364 {offsets = [3], sizes = [1], strides = [1]} : vector<16xi32> to vector<1xi32>
    %squeeze3A_471 = vector.extract %slice3A_470[0] : i32 from vector<1xi32>
    %multiple_of3A_472 = tpu.assume_multiple %squeeze3A_471, 128 : i32
    %dma_start3A_473 = arith.constant 2 : i32
    %dma_start3A_474 = arith.constant 3 : i32
    %dma_start3A_475 = arith.constant 0 : i32
    %dma_start3A_476 = arith.constant 0 : i32
    %dma_start3A_477 = tpu.memref_slice %arg9[%dma_start3A_473, %dma_start3A_474, %dma_start3A_475, %dma_start3A_476] : memref<6x4x16x128xf32, #tpu.memory_space<vmem>> -> memref<1x1x16x128xf32, #tpu.memory_space<vmem>>
    %dma_start3A_478 = tpu.memref_squeeze %dma_start3A_477 : memref<1x1x16x128xf32, #tpu.memory_space<vmem>> -> memref<16x128xf32, #tpu.memory_space<vmem>>
    %dma_start3A_479 = arith.constant 0 : i32
    %dma_start3A_480 = tpu.memref_slice %arg4[%dma_start3A_479, %multiple_of3A_469] : memref<16x1000000xf32, #tpu.memory_space<hbm>> -> memref<16x128xf32, #tpu.memory_space<hbm>>
    %dma_start3A_481 = arith.constant 0 : i32
    %dma_start3A_482 = arith.constant 0 : i32
    %dma_start3A_483 = tpu.memref_slice %arg9[%dma_start3A_473, %dma_start3A_474, %dma_start3A_481, %dma_start3A_482] : memref<6x4x16x128xf32, #tpu.memory_space<vmem>> -> memref<1x1x16x128xf32, #tpu.memory_space<vmem>>
    %dma_start3A_484 = tpu.memref_squeeze %dma_start3A_483 : memref<1x1x16x128xf32, #tpu.memory_space<vmem>> -> memref<16x128xf32, #tpu.memory_space<vmem>>
    %dma_start3A_485 = arith.constant 0 : i32
    %dma_start3A_486 = tpu.memref_slice %arg4[%dma_start3A_485, %multiple_of3A_469] : memref<16x1000000xf32, #tpu.memory_space<hbm>> -> memref<16x128xf32, #tpu.memory_space<hbm>>
    tpu.enqueue_dma source(%dma_start3A_486 : memref<16x128xf32, #tpu.memory_space<hbm>>) target(%dma_start3A_484 : memref<16x128xf32, #tpu.memory_space<vmem>>) target_semaphore(%arg12 : memref<!tpu.dma_semaphore, #tpu.memory_space<semaphore_mem>>)
    %dma_start3A_487 = arith.constant 2 : i32
    %dma_start3A_488 = arith.constant 3 : i32
    %dma_start3A_489 = arith.constant 0 : i32
    %dma_start3A_490 = arith.constant 0 : i32
    %dma_start3A_491 = tpu.memref_slice %arg10[%dma_start3A_487, %dma_start3A_488, %dma_start3A_489, %dma_start3A_490] : memref<6x4x16x128xf32, #tpu.memory_space<vmem>> -> memref<1x1x16x128xf32, #tpu.memory_space<vmem>>
    %dma_start3A_492 = tpu.memref_squeeze %dma_start3A_491 : memref<1x1x16x128xf32, #tpu.memory_space<vmem>> -> memref<16x128xf32, #tpu.memory_space<vmem>>
    %dma_start3A_493 = arith.constant 0 : i32
    %dma_start3A_494 = tpu.memref_slice %arg5[%dma_start3A_493, %multiple_of3A_472] : memref<16x1000000xf32, #tpu.memory_space<hbm>> -> memref<16x128xf32, #tpu.memory_space<hbm>>
    %dma_start3A_495 = arith.constant 0 : i32
    %dma_start3A_496 = arith.constant 0 : i32
    %dma_start3A_497 = tpu.memref_slice %arg10[%dma_start3A_487, %dma_start3A_488, %dma_start3A_495, %dma_start3A_496] : memref<6x4x16x128xf32, #tpu.memory_space<vmem>> -> memref<1x1x16x128xf32, #tpu.memory_space<vmem>>
    %dma_start3A_498 = tpu.memref_squeeze %dma_start3A_497 : memref<1x1x16x128xf32, #tpu.memory_space<vmem>> -> memref<16x128xf32, #tpu.memory_space<vmem>>
    %dma_start3A_499 = arith.constant 0 : i32
    %dma_start3A_500 = tpu.memref_slice %arg5[%dma_start3A_499, %multiple_of3A_472] : memref<16x1000000xf32, #tpu.memory_space<hbm>> -> memref<16x128xf32, #tpu.memory_space<hbm>>
    tpu.enqueue_dma source(%dma_start3A_500 : memref<16x128xf32, #tpu.memory_space<hbm>>) target(%dma_start3A_498 : memref<16x128xf32, #tpu.memory_space<vmem>>) target_semaphore(%arg13 : memref<!tpu.dma_semaphore, #tpu.memory_space<semaphore_mem>>)
    %add3A_501 = arith.constant 12 : i32
    %add3A_502 = vector.broadcast %add3A_501 : i32 to vector<16xi32>
    %add3A_503 = arith.addi %add3A_502, %and3A_8 : vector<16xi32>
    %shift_right_arithmetic3A_504 = arith.constant 7 : i32
    %shift_right_arithmetic3A_505 = vector.broadcast %shift_right_arithmetic3A_504 : i32 to vector<16xi32>
    %shift_right_arithmetic3A_506 = arith.shrsi %add3A_503, %shift_right_arithmetic3A_505 : vector<16xi32>
    %and3A_507 = arith.constant 127 : i32
    %and3A_508 = vector.broadcast %and3A_507 : i32 to vector<16xi32>
    %and3A_509 = arith.andi %add3A_503, %and3A_508 : vector<16xi32>
    %gather3A_510 = tpu.vector_load_idx %arg7[%shift_right_arithmetic3A_506, %and3A_509] : memref<4x128xi32, #tpu.memory_space<vmem>>[vector<16xi32>, vector<16xi32>], vector<16xi32>,
    %shift_right_arithmetic3A_511 = arith.constant 7 : i32
    %shift_right_arithmetic3A_512 = vector.broadcast %shift_right_arithmetic3A_511 : i32 to vector<16xi32>
    %shift_right_arithmetic3A_513 = arith.shrsi %add3A_503, %shift_right_arithmetic3A_512 : vector<16xi32>
    %and3A_514 = arith.constant 127 : i32
    %and3A_515 = vector.broadcast %and3A_514 : i32 to vector<16xi32>
    %and3A_516 = arith.andi %add3A_503, %and3A_515 : vector<16xi32>
    %gather3A_517 = tpu.vector_load_idx %arg8[%shift_right_arithmetic3A_513, %and3A_516] : memref<4x128xi32, #tpu.memory_space<vmem>>[vector<16xi32>, vector<16xi32>], vector<16xi32>,
    %shift_right_arithmetic3A_518 = arith.constant 7 : i32
    %shift_right_arithmetic3A_519 = vector.broadcast %shift_right_arithmetic3A_518 : i32 to vector<16xi32>
    %shift_right_arithmetic3A_520 = arith.shrsi %gather3A_510, %shift_right_arithmetic3A_519 : vector<16xi32>
    %shift_left3A_521 = arith.constant 7 : i32
    %shift_left3A_522 = vector.broadcast %shift_left3A_521 : i32 to vector<16xi32>
    %shift_left3A_523 = arith.shli %shift_right_arithmetic3A_520, %shift_left3A_522 : vector<16xi32>
    %shift_right_arithmetic3A_524 = arith.constant 7 : i32
    %shift_right_arithmetic3A_525 = vector.broadcast %shift_right_arithmetic3A_524 : i32 to vector<16xi32>
    %shift_right_arithmetic3A_526 = arith.shrsi %gather3A_517, %shift_right_arithmetic3A_525 : vector<16xi32>
    %shift_left3A_527 = arith.constant 7 : i32
    %shift_left3A_528 = vector.broadcast %shift_left3A_527 : i32 to vector<16xi32>
    %shift_left3A_529 = arith.shli %shift_right_arithmetic3A_526, %shift_left3A_528 : vector<16xi32>
    %slice3A_530 = vector.extract_strided_slice %shift_left3A_523 {offsets = [0], sizes = [1], strides = [1]} : vector<16xi32> to vector<1xi32>
    %squeeze3A_531 = vector.extract %slice3A_530[0] : i32 from vector<1xi32>
    %multiple_of3A_532 = tpu.assume_multiple %squeeze3A_531, 128 : i32
    %slice3A_533 = vector.extract_strided_slice %shift_left3A_529 {offsets = [0], sizes = [1], strides = [1]} : vector<16xi32> to vector<1xi32>
    %squeeze3A_534 = vector.extract %slice3A_533[0] : i32 from vector<1xi32>
    %multiple_of3A_535 = tpu.assume_multiple %squeeze3A_534, 128 : i32
    %dma_start3A_536 = arith.constant 3 : i32
    %dma_start3A_537 = arith.constant 0 : i32
    %dma_start3A_538 = arith.constant 0 : i32
    %dma_start3A_539 = arith.constant 0 : i32
    %dma_start3A_540 = tpu.memref_slice %arg9[%dma_start3A_536, %dma_start3A_537, %dma_start3A_538, %dma_start3A_539] : memref<6x4x16x128xf32, #tpu.memory_space<vmem>> -> memref<1x1x16x128xf32, #tpu.memory_space<vmem>>
    %dma_start3A_541 = tpu.memref_squeeze %dma_start3A_540 : memref<1x1x16x128xf32, #tpu.memory_space<vmem>> -> memref<16x128xf32, #tpu.memory_space<vmem>>
    %dma_start3A_542 = arith.constant 0 : i32
    %dma_start3A_543 = tpu.memref_slice %arg4[%dma_start3A_542, %multiple_of3A_532] : memref<16x1000000xf32, #tpu.memory_space<hbm>> -> memref<16x128xf32, #tpu.memory_space<hbm>>
    %dma_start3A_544 = arith.constant 0 : i32
    %dma_start3A_545 = arith.constant 0 : i32
    %dma_start3A_546 = tpu.memref_slice %arg9[%dma_start3A_536, %dma_start3A_537, %dma_start3A_544, %dma_start3A_545] : memref<6x4x16x128xf32, #tpu.memory_space<vmem>> -> memref<1x1x16x128xf32, #tpu.memory_space<vmem>>
    %dma_start3A_547 = tpu.memref_squeeze %dma_start3A_546 : memref<1x1x16x128xf32, #tpu.memory_space<vmem>> -> memref<16x128xf32, #tpu.memory_space<vmem>>
    %dma_start3A_548 = arith.constant 0 : i32
    %dma_start3A_549 = tpu.memref_slice %arg4[%dma_start3A_548, %multiple_of3A_532] : memref<16x1000000xf32, #tpu.memory_space<hbm>> -> memref<16x128xf32, #tpu.memory_space<hbm>>
    tpu.enqueue_dma source(%dma_start3A_549 : memref<16x128xf32, #tpu.memory_space<hbm>>) target(%dma_start3A_547 : memref<16x128xf32, #tpu.memory_space<vmem>>) target_semaphore(%arg12 : memref<!tpu.dma_semaphore, #tpu.memory_space<semaphore_mem>>)
    %dma_start3A_550 = arith.constant 3 : i32
    %dma_start3A_551 = arith.constant 0 : i32
    %dma_start3A_552 = arith.constant 0 : i32
    %dma_start3A_553 = arith.constant 0 : i32
    %dma_start3A_554 = tpu.memref_slice %arg10[%dma_start3A_550, %dma_start3A_551, %dma_start3A_552, %dma_start3A_553] : memref<6x4x16x128xf32, #tpu.memory_space<vmem>> -> memref<1x1x16x128xf32, #tpu.memory_space<vmem>>
    %dma_start3A_555 = tpu.memref_squeeze %dma_start3A_554 : memref<1x1x16x128xf32, #tpu.memory_space<vmem>> -> memref<16x128xf32, #tpu.memory_space<vmem>>
    %dma_start3A_556 = arith.constant 0 : i32
    %dma_start3A_557 = tpu.memref_slice %arg5[%dma_start3A_556, %multiple_of3A_535] : memref<16x1000000xf32, #tpu.memory_space<hbm>> -> memref<16x128xf32, #tpu.memory_space<hbm>>
    %dma_start3A_558 = arith.constant 0 : i32
    %dma_start3A_559 = arith.constant 0 : i32
    %dma_start3A_560 = tpu.memref_slice %arg10[%dma_start3A_550, %dma_start3A_551, %dma_start3A_558, %dma_start3A_559] : memref<6x4x16x128xf32, #tpu.memory_space<vmem>> -> memref<1x1x16x128xf32, #tpu.memory_space<vmem>>
    %dma_start3A_561 = tpu.memref_squeeze %dma_start3A_560 : memref<1x1x16x128xf32, #tpu.memory_space<vmem>> -> memref<16x128xf32, #tpu.memory_space<vmem>>
    %dma_start3A_562 = arith.constant 0 : i32
    %dma_start3A_563 = tpu.memref_slice %arg5[%dma_start3A_562, %multiple_of3A_535] : memref<16x1000000xf32, #tpu.memory_space<hbm>> -> memref<16x128xf32, #tpu.memory_space<hbm>>
    tpu.enqueue_dma source(%dma_start3A_563 : memref<16x128xf32, #tpu.memory_space<hbm>>) target(%dma_start3A_561 : memref<16x128xf32, #tpu.memory_space<vmem>>) target_semaphore(%arg13 : memref<!tpu.dma_semaphore, #tpu.memory_space<semaphore_mem>>)
    %slice3A_564 = vector.extract_strided_slice %shift_left3A_523 {offsets = [1], sizes = [1], strides = [1]} : vector<16xi32> to vector<1xi32>
    %squeeze3A_565 = vector.extract %slice3A_564[0] : i32 from vector<1xi32>
    %multiple_of3A_566 = tpu.assume_multiple %squeeze3A_565, 128 : i32
    %slice3A_567 = vector.extract_strided_slice %shift_left3A_529 {offsets = [1], sizes = [1], strides = [1]} : vector<16xi32> to vector<1xi32>
    %squeeze3A_568 = vector.extract %slice3A_567[0] : i32 from vector<1xi32>
    %multiple_of3A_569 = tpu.assume_multiple %squeeze3A_568, 128 : i32
    %dma_start3A_570 = arith.constant 3 : i32
    %dma_start3A_571 = arith.constant 1 : i32
    %dma_start3A_572 = arith.constant 0 : i32
    %dma_start3A_573 = arith.constant 0 : i32
    %dma_start3A_574 = tpu.memref_slice %arg9[%dma_start3A_570, %dma_start3A_571, %dma_start3A_572, %dma_start3A_573] : memref<6x4x16x128xf32, #tpu.memory_space<vmem>> -> memref<1x1x16x128xf32, #tpu.memory_space<vmem>>
    %dma_start3A_575 = tpu.memref_squeeze %dma_start3A_574 : memref<1x1x16x128xf32, #tpu.memory_space<vmem>> -> memref<16x128xf32, #tpu.memory_space<vmem>>
    %dma_start3A_576 = arith.constant 0 : i32
    %dma_start3A_577 = tpu.memref_slice %arg4[%dma_start3A_576, %multiple_of3A_566] : memref<16x1000000xf32, #tpu.memory_space<hbm>> -> memref<16x128xf32, #tpu.memory_space<hbm>>
    %dma_start3A_578 = arith.constant 0 : i32
    %dma_start3A_579 = arith.constant 0 : i32
    %dma_start3A_580 = tpu.memref_slice %arg9[%dma_start3A_570, %dma_start3A_571, %dma_start3A_578, %dma_start3A_579] : memref<6x4x16x128xf32, #tpu.memory_space<vmem>> -> memref<1x1x16x128xf32, #tpu.memory_space<vmem>>
    %dma_start3A_581 = tpu.memref_squeeze %dma_start3A_580 : memref<1x1x16x128xf32, #tpu.memory_space<vmem>> -> memref<16x128xf32, #tpu.memory_space<vmem>>
    %dma_start3A_582 = arith.constant 0 : i32
    %dma_start3A_583 = tpu.memref_slice %arg4[%dma_start3A_582, %multiple_of3A_566] : memref<16x1000000xf32, #tpu.memory_space<hbm>> -> memref<16x128xf32, #tpu.memory_space<hbm>>
    tpu.enqueue_dma source(%dma_start3A_583 : memref<16x128xf32, #tpu.memory_space<hbm>>) target(%dma_start3A_581 : memref<16x128xf32, #tpu.memory_space<vmem>>) target_semaphore(%arg12 : memref<!tpu.dma_semaphore, #tpu.memory_space<semaphore_mem>>)
    %dma_start3A_584 = arith.constant 3 : i32
    %dma_start3A_585 = arith.constant 1 : i32
    %dma_start3A_586 = arith.constant 0 : i32
    %dma_start3A_587 = arith.constant 0 : i32
    %dma_start3A_588 = tpu.memref_slice %arg10[%dma_start3A_584, %dma_start3A_585, %dma_start3A_586, %dma_start3A_587] : memref<6x4x16x128xf32, #tpu.memory_space<vmem>> -> memref<1x1x16x128xf32, #tpu.memory_space<vmem>>
    %dma_start3A_589 = tpu.memref_squeeze %dma_start3A_588 : memref<1x1x16x128xf32, #tpu.memory_space<vmem>> -> memref<16x128xf32, #tpu.memory_space<vmem>>
    %dma_start3A_590 = arith.constant 0 : i32
    %dma_start3A_591 = tpu.memref_slice %arg5[%dma_start3A_590, %multiple_of3A_569] : memref<16x1000000xf32, #tpu.memory_space<hbm>> -> memref<16x128xf32, #tpu.memory_space<hbm>>
    %dma_start3A_592 = arith.constant 0 : i32
    %dma_start3A_593 = arith.constant 0 : i32
    %dma_start3A_594 = tpu.memref_slice %arg10[%dma_start3A_584, %dma_start3A_585, %dma_start3A_592, %dma_start3A_593] : memref<6x4x16x128xf32, #tpu.memory_space<vmem>> -> memref<1x1x16x128xf32, #tpu.memory_space<vmem>>
    %dma_start3A_595 = tpu.memref_squeeze %dma_start3A_594 : memref<1x1x16x128xf32, #tpu.memory_space<vmem>> -> memref<16x128xf32, #tpu.memory_space<vmem>>
    %dma_start3A_596 = arith.constant 0 : i32
    %dma_start3A_597 = tpu.memref_slice %arg5[%dma_start3A_596, %multiple_of3A_569] : memref<16x1000000xf32, #tpu.memory_space<hbm>> -> memref<16x128xf32, #tpu.memory_space<hbm>>
    tpu.enqueue_dma source(%dma_start3A_597 : memref<16x128xf32, #tpu.memory_space<hbm>>) target(%dma_start3A_595 : memref<16x128xf32, #tpu.memory_space<vmem>>) target_semaphore(%arg13 : memref<!tpu.dma_semaphore, #tpu.memory_space<semaphore_mem>>)
    %slice3A_598 = vector.extract_strided_slice %shift_left3A_523 {offsets = [2], sizes = [1], strides = [1]} : vector<16xi32> to vector<1xi32>
    %squeeze3A_599 = vector.extract %slice3A_598[0] : i32 from vector<1xi32>
    %multiple_of3A_600 = tpu.assume_multiple %squeeze3A_599, 128 : i32
    %slice3A_601 = vector.extract_strided_slice %shift_left3A_529 {offsets = [2], sizes = [1], strides = [1]} : vector<16xi32> to vector<1xi32>
    %squeeze3A_602 = vector.extract %slice3A_601[0] : i32 from vector<1xi32>
    %multiple_of3A_603 = tpu.assume_multiple %squeeze3A_602, 128 : i32
    %dma_start3A_604 = arith.constant 3 : i32
    %dma_start3A_605 = arith.constant 2 : i32
    %dma_start3A_606 = arith.constant 0 : i32
    %dma_start3A_607 = arith.constant 0 : i32
    %dma_start3A_608 = tpu.memref_slice %arg9[%dma_start3A_604, %dma_start3A_605, %dma_start3A_606, %dma_start3A_607] : memref<6x4x16x128xf32, #tpu.memory_space<vmem>> -> memref<1x1x16x128xf32, #tpu.memory_space<vmem>>
    %dma_start3A_609 = tpu.memref_squeeze %dma_start3A_608 : memref<1x1x16x128xf32, #tpu.memory_space<vmem>> -> memref<16x128xf32, #tpu.memory_space<vmem>>
    %dma_start3A_610 = arith.constant 0 : i32
    %dma_start3A_611 = tpu.memref_slice %arg4[%dma_start3A_610, %multiple_of3A_600] : memref<16x1000000xf32, #tpu.memory_space<hbm>> -> memref<16x128xf32, #tpu.memory_space<hbm>>
    %dma_start3A_612 = arith.constant 0 : i32
    %dma_start3A_613 = arith.constant 0 : i32
    %dma_start3A_614 = tpu.memref_slice %arg9[%dma_start3A_604, %dma_start3A_605, %dma_start3A_612, %dma_start3A_613] : memref<6x4x16x128xf32, #tpu.memory_space<vmem>> -> memref<1x1x16x128xf32, #tpu.memory_space<vmem>>
    %dma_start3A_615 = tpu.memref_squeeze %dma_start3A_614 : memref<1x1x16x128xf32, #tpu.memory_space<vmem>> -> memref<16x128xf32, #tpu.memory_space<vmem>>
    %dma_start3A_616 = arith.constant 0 : i32
    %dma_start3A_617 = tpu.memref_slice %arg4[%dma_start3A_616, %multiple_of3A_600] : memref<16x1000000xf32, #tpu.memory_space<hbm>> -> memref<16x128xf32, #tpu.memory_space<hbm>>
    tpu.enqueue_dma source(%dma_start3A_617 : memref<16x128xf32, #tpu.memory_space<hbm>>) target(%dma_start3A_615 : memref<16x128xf32, #tpu.memory_space<vmem>>) target_semaphore(%arg12 : memref<!tpu.dma_semaphore, #tpu.memory_space<semaphore_mem>>)
    %dma_start3A_618 = arith.constant 3 : i32
    %dma_start3A_619 = arith.constant 2 : i32
    %dma_start3A_620 = arith.constant 0 : i32
    %dma_start3A_621 = arith.constant 0 : i32
    %dma_start3A_622 = tpu.memref_slice %arg10[%dma_start3A_618, %dma_start3A_619, %dma_start3A_620, %dma_start3A_621] : memref<6x4x16x128xf32, #tpu.memory_space<vmem>> -> memref<1x1x16x128xf32, #tpu.memory_space<vmem>>
    %dma_start3A_623 = tpu.memref_squeeze %dma_start3A_622 : memref<1x1x16x128xf32, #tpu.memory_space<vmem>> -> memref<16x128xf32, #tpu.memory_space<vmem>>
    %dma_start3A_624 = arith.constant 0 : i32
    %dma_start3A_625 = tpu.memref_slice %arg5[%dma_start3A_624, %multiple_of3A_603] : memref<16x1000000xf32, #tpu.memory_space<hbm>> -> memref<16x128xf32, #tpu.memory_space<hbm>>
    %dma_start3A_626 = arith.constant 0 : i32
    %dma_start3A_627 = arith.constant 0 : i32
    %dma_start3A_628 = tpu.memref_slice %arg10[%dma_start3A_618, %dma_start3A_619, %dma_start3A_626, %dma_start3A_627] : memref<6x4x16x128xf32, #tpu.memory_space<vmem>> -> memref<1x1x16x128xf32, #tpu.memory_space<vmem>>
    %dma_start3A_629 = tpu.memref_squeeze %dma_start3A_628 : memref<1x1x16x128xf32, #tpu.memory_space<vmem>> -> memref<16x128xf32, #tpu.memory_space<vmem>>
    %dma_start3A_630 = arith.constant 0 : i32
    %dma_start3A_631 = tpu.memref_slice %arg5[%dma_start3A_630, %multiple_of3A_603] : memref<16x1000000xf32, #tpu.memory_space<hbm>> -> memref<16x128xf32, #tpu.memory_space<hbm>>
    tpu.enqueue_dma source(%dma_start3A_631 : memref<16x128xf32, #tpu.memory_space<hbm>>) target(%dma_start3A_629 : memref<16x128xf32, #tpu.memory_space<vmem>>) target_semaphore(%arg13 : memref<!tpu.dma_semaphore, #tpu.memory_space<semaphore_mem>>)
    %slice3A_632 = vector.extract_strided_slice %shift_left3A_523 {offsets = [3], sizes = [1], strides = [1]} : vector<16xi32> to vector<1xi32>
    %squeeze3A_633 = vector.extract %slice3A_632[0] : i32 from vector<1xi32>
    %multiple_of3A_634 = tpu.assume_multiple %squeeze3A_633, 128 : i32
    %slice3A_635 = vector.extract_strided_slice %shift_left3A_529 {offsets = [3], sizes = [1], strides = [1]} : vector<16xi32> to vector<1xi32>
    %squeeze3A_636 = vector.extract %slice3A_635[0] : i32 from vector<1xi32>
    %multiple_of3A_637 = tpu.assume_multiple %squeeze3A_636, 128 : i32
    %dma_start3A_638 = arith.constant 3 : i32
    %dma_start3A_639 = arith.constant 3 : i32
    %dma_start3A_640 = arith.constant 0 : i32
    %dma_start3A_641 = arith.constant 0 : i32
    %dma_start3A_642 = tpu.memref_slice %arg9[%dma_start3A_638, %dma_start3A_639, %dma_start3A_640, %dma_start3A_641] : memref<6x4x16x128xf32, #tpu.memory_space<vmem>> -> memref<1x1x16x128xf32, #tpu.memory_space<vmem>>
    %dma_start3A_643 = tpu.memref_squeeze %dma_start3A_642 : memref<1x1x16x128xf32, #tpu.memory_space<vmem>> -> memref<16x128xf32, #tpu.memory_space<vmem>>
    %dma_start3A_644 = arith.constant 0 : i32
    %dma_start3A_645 = tpu.memref_slice %arg4[%dma_start3A_644, %multiple_of3A_634] : memref<16x1000000xf32, #tpu.memory_space<hbm>> -> memref<16x128xf32, #tpu.memory_space<hbm>>
    %dma_start3A_646 = arith.constant 0 : i32
    %dma_start3A_647 = arith.constant 0 : i32
    %dma_start3A_648 = tpu.memref_slice %arg9[%dma_start3A_638, %dma_start3A_639, %dma_start3A_646, %dma_start3A_647] : memref<6x4x16x128xf32, #tpu.memory_space<vmem>> -> memref<1x1x16x128xf32, #tpu.memory_space<vmem>>
    %dma_start3A_649 = tpu.memref_squeeze %dma_start3A_648 : memref<1x1x16x128xf32, #tpu.memory_space<vmem>> -> memref<16x128xf32, #tpu.memory_space<vmem>>
    %dma_start3A_650 = arith.constant 0 : i32
    %dma_start3A_651 = tpu.memref_slice %arg4[%dma_start3A_650, %multiple_of3A_634] : memref<16x1000000xf32, #tpu.memory_space<hbm>> -> memref<16x128xf32, #tpu.memory_space<hbm>>
    tpu.enqueue_dma source(%dma_start3A_651 : memref<16x128xf32, #tpu.memory_space<hbm>>) target(%dma_start3A_649 : memref<16x128xf32, #tpu.memory_space<vmem>>) target_semaphore(%arg12 : memref<!tpu.dma_semaphore, #tpu.memory_space<semaphore_mem>>)
    %dma_start3A_652 = arith.constant 3 : i32
    %dma_start3A_653 = arith.constant 3 : i32
    %dma_start3A_654 = arith.constant 0 : i32
    %dma_start3A_655 = arith.constant 0 : i32
    %dma_start3A_656 = tpu.memref_slice %arg10[%dma_start3A_652, %dma_start3A_653, %dma_start3A_654, %dma_start3A_655] : memref<6x4x16x128xf32, #tpu.memory_space<vmem>> -> memref<1x1x16x128xf32, #tpu.memory_space<vmem>>
    %dma_start3A_657 = tpu.memref_squeeze %dma_start3A_656 : memref<1x1x16x128xf32, #tpu.memory_space<vmem>> -> memref<16x128xf32, #tpu.memory_space<vmem>>
    %dma_start3A_658 = arith.constant 0 : i32
    %dma_start3A_659 = tpu.memref_slice %arg5[%dma_start3A_658, %multiple_of3A_637] : memref<16x1000000xf32, #tpu.memory_space<hbm>> -> memref<16x128xf32, #tpu.memory_space<hbm>>
    %dma_start3A_660 = arith.constant 0 : i32
    %dma_start3A_661 = arith.constant 0 : i32
    %dma_start3A_662 = tpu.memref_slice %arg10[%dma_start3A_652, %dma_start3A_653, %dma_start3A_660, %dma_start3A_661] : memref<6x4x16x128xf32, #tpu.memory_space<vmem>> -> memref<1x1x16x128xf32, #tpu.memory_space<vmem>>
    %dma_start3A_663 = tpu.memref_squeeze %dma_start3A_662 : memref<1x1x16x128xf32, #tpu.memory_space<vmem>> -> memref<16x128xf32, #tpu.memory_space<vmem>>
    %dma_start3A_664 = arith.constant 0 : i32
    %dma_start3A_665 = tpu.memref_slice %arg5[%dma_start3A_664, %multiple_of3A_637] : memref<16x1000000xf32, #tpu.memory_space<hbm>> -> memref<16x128xf32, #tpu.memory_space<hbm>>
    tpu.enqueue_dma source(%dma_start3A_665 : memref<16x128xf32, #tpu.memory_space<hbm>>) target(%dma_start3A_663 : memref<16x128xf32, #tpu.memory_space<vmem>>) target_semaphore(%arg13 : memref<!tpu.dma_semaphore, #tpu.memory_space<semaphore_mem>>)
    %add3A_666 = arith.constant 16 : i32
    %add3A_667 = vector.broadcast %add3A_666 : i32 to vector<16xi32>
    %add3A_668 = arith.addi %add3A_667, %and3A_8 : vector<16xi32>
    %shift_right_arithmetic3A_669 = arith.constant 7 : i32
    %shift_right_arithmetic3A_670 = vector.broadcast %shift_right_arithmetic3A_669 : i32 to vector<16xi32>
    %shift_right_arithmetic3A_671 = arith.shrsi %add3A_668, %shift_right_arithmetic3A_670 : vector<16xi32>
    %and3A_672 = arith.constant 127 : i32
    %and3A_673 = vector.broadcast %and3A_672 : i32 to vector<16xi32>
    %and3A_674 = arith.andi %add3A_668, %and3A_673 : vector<16xi32>
    %gather3A_675 = tpu.vector_load_idx %arg7[%shift_right_arithmetic3A_671, %and3A_674] : memref<4x128xi32, #tpu.memory_space<vmem>>[vector<16xi32>, vector<16xi32>], vector<16xi32>,
    %shift_right_arithmetic3A_676 = arith.constant 7 : i32
    %shift_right_arithmetic3A_677 = vector.broadcast %shift_right_arithmetic3A_676 : i32 to vector<16xi32>
    %shift_right_arithmetic3A_678 = arith.shrsi %add3A_668, %shift_right_arithmetic3A_677 : vector<16xi32>
    %and3A_679 = arith.constant 127 : i32
    %and3A_680 = vector.broadcast %and3A_679 : i32 to vector<16xi32>
    %and3A_681 = arith.andi %add3A_668, %and3A_680 : vector<16xi32>
    %gather3A_682 = tpu.vector_load_idx %arg8[%shift_right_arithmetic3A_678, %and3A_681] : memref<4x128xi32, #tpu.memory_space<vmem>>[vector<16xi32>, vector<16xi32>], vector<16xi32>,
    %shift_right_arithmetic3A_683 = arith.constant 7 : i32
    %shift_right_arithmetic3A_684 = vector.broadcast %shift_right_arithmetic3A_683 : i32 to vector<16xi32>
    %shift_right_arithmetic3A_685 = arith.shrsi %gather3A_675, %shift_right_arithmetic3A_684 : vector<16xi32>
    %shift_left3A_686 = arith.constant 7 : i32
    %shift_left3A_687 = vector.broadcast %shift_left3A_686 : i32 to vector<16xi32>
    %shift_left3A_688 = arith.shli %shift_right_arithmetic3A_685, %shift_left3A_687 : vector<16xi32>
    %shift_right_arithmetic3A_689 = arith.constant 7 : i32
    %shift_right_arithmetic3A_690 = vector.broadcast %shift_right_arithmetic3A_689 : i32 to vector<16xi32>
    %shift_right_arithmetic3A_691 = arith.shrsi %gather3A_682, %shift_right_arithmetic3A_690 : vector<16xi32>
    %shift_left3A_692 = arith.constant 7 : i32
    %shift_left3A_693 = vector.broadcast %shift_left3A_692 : i32 to vector<16xi32>
    %shift_left3A_694 = arith.shli %shift_right_arithmetic3A_691, %shift_left3A_693 : vector<16xi32>
    %slice3A_695 = vector.extract_strided_slice %shift_left3A_688 {offsets = [0], sizes = [1], strides = [1]} : vector<16xi32> to vector<1xi32>
    %squeeze3A_696 = vector.extract %slice3A_695[0] : i32 from vector<1xi32>
    %multiple_of3A_697 = tpu.assume_multiple %squeeze3A_696, 128 : i32
    %slice3A_698 = vector.extract_strided_slice %shift_left3A_694 {offsets = [0], sizes = [1], strides = [1]} : vector<16xi32> to vector<1xi32>
    %squeeze3A_699 = vector.extract %slice3A_698[0] : i32 from vector<1xi32>
    %multiple_of3A_700 = tpu.assume_multiple %squeeze3A_699, 128 : i32
    %dma_start3A_701 = arith.constant 4 : i32
    %dma_start3A_702 = arith.constant 0 : i32
    %dma_start3A_703 = arith.constant 0 : i32
    %dma_start3A_704 = arith.constant 0 : i32
    %dma_start3A_705 = tpu.memref_slice %arg9[%dma_start3A_701, %dma_start3A_702, %dma_start3A_703, %dma_start3A_704] : memref<6x4x16x128xf32, #tpu.memory_space<vmem>> -> memref<1x1x16x128xf32, #tpu.memory_space<vmem>>
    %dma_start3A_706 = tpu.memref_squeeze %dma_start3A_705 : memref<1x1x16x128xf32, #tpu.memory_space<vmem>> -> memref<16x128xf32, #tpu.memory_space<vmem>>
    %dma_start3A_707 = arith.constant 0 : i32
    %dma_start3A_708 = tpu.memref_slice %arg4[%dma_start3A_707, %multiple_of3A_697] : memref<16x1000000xf32, #tpu.memory_space<hbm>> -> memref<16x128xf32, #tpu.memory_space<hbm>>
    %dma_start3A_709 = arith.constant 0 : i32
    %dma_start3A_710 = arith.constant 0 : i32
    %dma_start3A_711 = tpu.memref_slice %arg9[%dma_start3A_701, %dma_start3A_702, %dma_start3A_709, %dma_start3A_710] : memref<6x4x16x128xf32, #tpu.memory_space<vmem>> -> memref<1x1x16x128xf32, #tpu.memory_space<vmem>>
    %dma_start3A_712 = tpu.memref_squeeze %dma_start3A_711 : memref<1x1x16x128xf32, #tpu.memory_space<vmem>> -> memref<16x128xf32, #tpu.memory_space<vmem>>
    %dma_start3A_713 = arith.constant 0 : i32
    %dma_start3A_714 = tpu.memref_slice %arg4[%dma_start3A_713, %multiple_of3A_697] : memref<16x1000000xf32, #tpu.memory_space<hbm>> -> memref<16x128xf32, #tpu.memory_space<hbm>>
    tpu.enqueue_dma source(%dma_start3A_714 : memref<16x128xf32, #tpu.memory_space<hbm>>) target(%dma_start3A_712 : memref<16x128xf32, #tpu.memory_space<vmem>>) target_semaphore(%arg12 : memref<!tpu.dma_semaphore, #tpu.memory_space<semaphore_mem>>)
    %dma_start3A_715 = arith.constant 4 : i32
    %dma_start3A_716 = arith.constant 0 : i32
    %dma_start3A_717 = arith.constant 0 : i32
    %dma_start3A_718 = arith.constant 0 : i32
    %dma_start3A_719 = tpu.memref_slice %arg10[%dma_start3A_715, %dma_start3A_716, %dma_start3A_717, %dma_start3A_718] : memref<6x4x16x128xf32, #tpu.memory_space<vmem>> -> memref<1x1x16x128xf32, #tpu.memory_space<vmem>>
    %dma_start3A_720 = tpu.memref_squeeze %dma_start3A_719 : memref<1x1x16x128xf32, #tpu.memory_space<vmem>> -> memref<16x128xf32, #tpu.memory_space<vmem>>
    %dma_start3A_721 = arith.constant 0 : i32
    %dma_start3A_722 = tpu.memref_slice %arg5[%dma_start3A_721, %multiple_of3A_700] : memref<16x1000000xf32, #tpu.memory_space<hbm>> -> memref<16x128xf32, #tpu.memory_space<hbm>>
    %dma_start3A_723 = arith.constant 0 : i32
    %dma_start3A_724 = arith.constant 0 : i32
    %dma_start3A_725 = tpu.memref_slice %arg10[%dma_start3A_715, %dma_start3A_716, %dma_start3A_723, %dma_start3A_724] : memref<6x4x16x128xf32, #tpu.memory_space<vmem>> -> memref<1x1x16x128xf32, #tpu.memory_space<vmem>>
    %dma_start3A_726 = tpu.memref_squeeze %dma_start3A_725 : memref<1x1x16x128xf32, #tpu.memory_space<vmem>> -> memref<16x128xf32, #tpu.memory_space<vmem>>
    %dma_start3A_727 = arith.constant 0 : i32
    %dma_start3A_728 = tpu.memref_slice %arg5[%dma_start3A_727, %multiple_of3A_700] : memref<16x1000000xf32, #tpu.memory_space<hbm>> -> memref<16x128xf32, #tpu.memory_space<hbm>>
    tpu.enqueue_dma source(%dma_start3A_728 : memref<16x128xf32, #tpu.memory_space<hbm>>) target(%dma_start3A_726 : memref<16x128xf32, #tpu.memory_space<vmem>>) target_semaphore(%arg13 : memref<!tpu.dma_semaphore, #tpu.memory_space<semaphore_mem>>)
    %slice3A_729 = vector.extract_strided_slice %shift_left3A_688 {offsets = [1], sizes = [1], strides = [1]} : vector<16xi32> to vector<1xi32>
    %squeeze3A_730 = vector.extract %slice3A_729[0] : i32 from vector<1xi32>
    %multiple_of3A_731 = tpu.assume_multiple %squeeze3A_730, 128 : i32
    %slice3A_732 = vector.extract_strided_slice %shift_left3A_694 {offsets = [1], sizes = [1], strides = [1]} : vector<16xi32> to vector<1xi32>
    %squeeze3A_733 = vector.extract %slice3A_732[0] : i32 from vector<1xi32>
    %multiple_of3A_734 = tpu.assume_multiple %squeeze3A_733, 128 : i32
    %dma_start3A_735 = arith.constant 4 : i32
    %dma_start3A_736 = arith.constant 1 : i32
    %dma_start3A_737 = arith.constant 0 : i32
    %dma_start3A_738 = arith.constant 0 : i32
    %dma_start3A_739 = tpu.memref_slice %arg9[%dma_start3A_735, %dma_start3A_736, %dma_start3A_737, %dma_start3A_738] : memref<6x4x16x128xf32, #tpu.memory_space<vmem>> -> memref<1x1x16x128xf32, #tpu.memory_space<vmem>>
    %dma_start3A_740 = tpu.memref_squeeze %dma_start3A_739 : memref<1x1x16x128xf32, #tpu.memory_space<vmem>> -> memref<16x128xf32, #tpu.memory_space<vmem>>
    %dma_start3A_741 = arith.constant 0 : i32
    %dma_start3A_742 = tpu.memref_slice %arg4[%dma_start3A_741, %multiple_of3A_731] : memref<16x1000000xf32, #tpu.memory_space<hbm>> -> memref<16x128xf32, #tpu.memory_space<hbm>>
    %dma_start3A_743 = arith.constant 0 : i32
    %dma_start3A_744 = arith.constant 0 : i32
    %dma_start3A_745 = tpu.memref_slice %arg9[%dma_start3A_735, %dma_start3A_736, %dma_start3A_743, %dma_start3A_744] : memref<6x4x16x128xf32, #tpu.memory_space<vmem>> -> memref<1x1x16x128xf32, #tpu.memory_space<vmem>>
    %dma_start3A_746 = tpu.memref_squeeze %dma_start3A_745 : memref<1x1x16x128xf32, #tpu.memory_space<vmem>> -> memref<16x128xf32, #tpu.memory_space<vmem>>
    %dma_start3A_747 = arith.constant 0 : i32
    %dma_start3A_748 = tpu.memref_slice %arg4[%dma_start3A_747, %multiple_of3A_731] : memref<16x1000000xf32, #tpu.memory_space<hbm>> -> memref<16x128xf32, #tpu.memory_space<hbm>>
    tpu.enqueue_dma source(%dma_start3A_748 : memref<16x128xf32, #tpu.memory_space<hbm>>) target(%dma_start3A_746 : memref<16x128xf32, #tpu.memory_space<vmem>>) target_semaphore(%arg12 : memref<!tpu.dma_semaphore, #tpu.memory_space<semaphore_mem>>)
    %dma_start3A_749 = arith.constant 4 : i32
    %dma_start3A_750 = arith.constant 1 : i32
    %dma_start3A_751 = arith.constant 0 : i32
    %dma_start3A_752 = arith.constant 0 : i32
    %dma_start3A_753 = tpu.memref_slice %arg10[%dma_start3A_749, %dma_start3A_750, %dma_start3A_751, %dma_start3A_752] : memref<6x4x16x128xf32, #tpu.memory_space<vmem>> -> memref<1x1x16x128xf32, #tpu.memory_space<vmem>>
    %dma_start3A_754 = tpu.memref_squeeze %dma_start3A_753 : memref<1x1x16x128xf32, #tpu.memory_space<vmem>> -> memref<16x128xf32, #tpu.memory_space<vmem>>
    %dma_start3A_755 = arith.constant 0 : i32
    %dma_start3A_756 = tpu.memref_slice %arg5[%dma_start3A_755, %multiple_of3A_734] : memref<16x1000000xf32, #tpu.memory_space<hbm>> -> memref<16x128xf32, #tpu.memory_space<hbm>>
    %dma_start3A_757 = arith.constant 0 : i32
    %dma_start3A_758 = arith.constant 0 : i32
    %dma_start3A_759 = tpu.memref_slice %arg10[%dma_start3A_749, %dma_start3A_750, %dma_start3A_757, %dma_start3A_758] : memref<6x4x16x128xf32, #tpu.memory_space<vmem>> -> memref<1x1x16x128xf32, #tpu.memory_space<vmem>>
    %dma_start3A_760 = tpu.memref_squeeze %dma_start3A_759 : memref<1x1x16x128xf32, #tpu.memory_space<vmem>> -> memref<16x128xf32, #tpu.memory_space<vmem>>
    %dma_start3A_761 = arith.constant 0 : i32
    %dma_start3A_762 = tpu.memref_slice %arg5[%dma_start3A_761, %multiple_of3A_734] : memref<16x1000000xf32, #tpu.memory_space<hbm>> -> memref<16x128xf32, #tpu.memory_space<hbm>>
    tpu.enqueue_dma source(%dma_start3A_762 : memref<16x128xf32, #tpu.memory_space<hbm>>) target(%dma_start3A_760 : memref<16x128xf32, #tpu.memory_space<vmem>>) target_semaphore(%arg13 : memref<!tpu.dma_semaphore, #tpu.memory_space<semaphore_mem>>)
    %slice3A_763 = vector.extract_strided_slice %shift_left3A_688 {offsets = [2], sizes = [1], strides = [1]} : vector<16xi32> to vector<1xi32>
    %squeeze3A_764 = vector.extract %slice3A_763[0] : i32 from vector<1xi32>
    %multiple_of3A_765 = tpu.assume_multiple %squeeze3A_764, 128 : i32
    %slice3A_766 = vector.extract_strided_slice %shift_left3A_694 {offsets = [2], sizes = [1], strides = [1]} : vector<16xi32> to vector<1xi32>
    %squeeze3A_767 = vector.extract %slice3A_766[0] : i32 from vector<1xi32>
    %multiple_of3A_768 = tpu.assume_multiple %squeeze3A_767, 128 : i32
    %dma_start3A_769 = arith.constant 4 : i32
    %dma_start3A_770 = arith.constant 2 : i32
    %dma_start3A_771 = arith.constant 0 : i32
    %dma_start3A_772 = arith.constant 0 : i32
    %dma_start3A_773 = tpu.memref_slice %arg9[%dma_start3A_769, %dma_start3A_770, %dma_start3A_771, %dma_start3A_772] : memref<6x4x16x128xf32, #tpu.memory_space<vmem>> -> memref<1x1x16x128xf32, #tpu.memory_space<vmem>>
    %dma_start3A_774 = tpu.memref_squeeze %dma_start3A_773 : memref<1x1x16x128xf32, #tpu.memory_space<vmem>> -> memref<16x128xf32, #tpu.memory_space<vmem>>
    %dma_start3A_775 = arith.constant 0 : i32
    %dma_start3A_776 = tpu.memref_slice %arg4[%dma_start3A_775, %multiple_of3A_765] : memref<16x1000000xf32, #tpu.memory_space<hbm>> -> memref<16x128xf32, #tpu.memory_space<hbm>>
    %dma_start3A_777 = arith.constant 0 : i32
    %dma_start3A_778 = arith.constant 0 : i32
    %dma_start3A_779 = tpu.memref_slice %arg9[%dma_start3A_769, %dma_start3A_770, %dma_start3A_777, %dma_start3A_778] : memref<6x4x16x128xf32, #tpu.memory_space<vmem>> -> memref<1x1x16x128xf32, #tpu.memory_space<vmem>>
    %dma_start3A_780 = tpu.memref_squeeze %dma_start3A_779 : memref<1x1x16x128xf32, #tpu.memory_space<vmem>> -> memref<16x128xf32, #tpu.memory_space<vmem>>
    %dma_start3A_781 = arith.constant 0 : i32
    %dma_start3A_782 = tpu.memref_slice %arg4[%dma_start3A_781, %multiple_of3A_765] : memref<16x1000000xf32, #tpu.memory_space<hbm>> -> memref<16x128xf32, #tpu.memory_space<hbm>>
    tpu.enqueue_dma source(%dma_start3A_782 : memref<16x128xf32, #tpu.memory_space<hbm>>) target(%dma_start3A_780 : memref<16x128xf32, #tpu.memory_space<vmem>>) target_semaphore(%arg12 : memref<!tpu.dma_semaphore, #tpu.memory_space<semaphore_mem>>)
    %dma_start3A_783 = arith.constant 4 : i32
    %dma_start3A_784 = arith.constant 2 : i32
    %dma_start3A_785 = arith.constant 0 : i32
    %dma_start3A_786 = arith.constant 0 : i32
    %dma_start3A_787 = tpu.memref_slice %arg10[%dma_start3A_783, %dma_start3A_784, %dma_start3A_785, %dma_start3A_786] : memref<6x4x16x128xf32, #tpu.memory_space<vmem>> -> memref<1x1x16x128xf32, #tpu.memory_space<vmem>>
    %dma_start3A_788 = tpu.memref_squeeze %dma_start3A_787 : memref<1x1x16x128xf32, #tpu.memory_space<vmem>> -> memref<16x128xf32, #tpu.memory_space<vmem>>
    %dma_start3A_789 = arith.constant 0 : i32
    %dma_start3A_790 = tpu.memref_slice %arg5[%dma_start3A_789, %multiple_of3A_768] : memref<16x1000000xf32, #tpu.memory_space<hbm>> -> memref<16x128xf32, #tpu.memory_space<hbm>>
    %dma_start3A_791 = arith.constant 0 : i32
    %dma_start3A_792 = arith.constant 0 : i32
    %dma_start3A_793 = tpu.memref_slice %arg10[%dma_start3A_783, %dma_start3A_784, %dma_start3A_791, %dma_start3A_792] : memref<6x4x16x128xf32, #tpu.memory_space<vmem>> -> memref<1x1x16x128xf32, #tpu.memory_space<vmem>>
    %dma_start3A_794 = tpu.memref_squeeze %dma_start3A_793 : memref<1x1x16x128xf32, #tpu.memory_space<vmem>> -> memref<16x128xf32, #tpu.memory_space<vmem>>
    %dma_start3A_795 = arith.constant 0 : i32
    %dma_start3A_796 = tpu.memref_slice %arg5[%dma_start3A_795, %multiple_of3A_768] : memref<16x1000000xf32, #tpu.memory_space<hbm>> -> memref<16x128xf32, #tpu.memory_space<hbm>>
    tpu.enqueue_dma source(%dma_start3A_796 : memref<16x128xf32, #tpu.memory_space<hbm>>) target(%dma_start3A_794 : memref<16x128xf32, #tpu.memory_space<vmem>>) target_semaphore(%arg13 : memref<!tpu.dma_semaphore, #tpu.memory_space<semaphore_mem>>)
    %slice3A_797 = vector.extract_strided_slice %shift_left3A_688 {offsets = [3], sizes = [1], strides = [1]} : vector<16xi32> to vector<1xi32>
    %squeeze3A_798 = vector.extract %slice3A_797[0] : i32 from vector<1xi32>
    %multiple_of3A_799 = tpu.assume_multiple %squeeze3A_798, 128 : i32
    %slice3A_800 = vector.extract_strided_slice %shift_left3A_694 {offsets = [3], sizes = [1], strides = [1]} : vector<16xi32> to vector<1xi32>
    %squeeze3A_801 = vector.extract %slice3A_800[0] : i32 from vector<1xi32>
    %multiple_of3A_802 = tpu.assume_multiple %squeeze3A_801, 128 : i32
    %dma_start3A_803 = arith.constant 4 : i32
    %dma_start3A_804 = arith.constant 3 : i32
    %dma_start3A_805 = arith.constant 0 : i32
    %dma_start3A_806 = arith.constant 0 : i32
    %dma_start3A_807 = tpu.memref_slice %arg9[%dma_start3A_803, %dma_start3A_804, %dma_start3A_805, %dma_start3A_806] : memref<6x4x16x128xf32, #tpu.memory_space<vmem>> -> memref<1x1x16x128xf32, #tpu.memory_space<vmem>>
    %dma_start3A_808 = tpu.memref_squeeze %dma_start3A_807 : memref<1x1x16x128xf32, #tpu.memory_space<vmem>> -> memref<16x128xf32, #tpu.memory_space<vmem>>
    %dma_start3A_809 = arith.constant 0 : i32
    %dma_start3A_810 = tpu.memref_slice %arg4[%dma_start3A_809, %multiple_of3A_799] : memref<16x1000000xf32, #tpu.memory_space<hbm>> -> memref<16x128xf32, #tpu.memory_space<hbm>>
    %dma_start3A_811 = arith.constant 0 : i32
    %dma_start3A_812 = arith.constant 0 : i32
    %dma_start3A_813 = tpu.memref_slice %arg9[%dma_start3A_803, %dma_start3A_804, %dma_start3A_811, %dma_start3A_812] : memref<6x4x16x128xf32, #tpu.memory_space<vmem>> -> memref<1x1x16x128xf32, #tpu.memory_space<vmem>>
    %dma_start3A_814 = tpu.memref_squeeze %dma_start3A_813 : memref<1x1x16x128xf32, #tpu.memory_space<vmem>> -> memref<16x128xf32, #tpu.memory_space<vmem>>
    %dma_start3A_815 = arith.constant 0 : i32
    %dma_start3A_816 = tpu.memref_slice %arg4[%dma_start3A_815, %multiple_of3A_799] : memref<16x1000000xf32, #tpu.memory_space<hbm>> -> memref<16x128xf32, #tpu.memory_space<hbm>>
    tpu.enqueue_dma source(%dma_start3A_816 : memref<16x128xf32, #tpu.memory_space<hbm>>) target(%dma_start3A_814 : memref<16x128xf32, #tpu.memory_space<vmem>>) target_semaphore(%arg12 : memref<!tpu.dma_semaphore, #tpu.memory_space<semaphore_mem>>)
    %dma_start3A_817 = arith.constant 4 : i32
    %dma_start3A_818 = arith.constant 3 : i32
    %dma_start3A_819 = arith.constant 0 : i32
    %dma_start3A_820 = arith.constant 0 : i32
    %dma_start3A_821 = tpu.memref_slice %arg10[%dma_start3A_817, %dma_start3A_818, %dma_start3A_819, %dma_start3A_820] : memref<6x4x16x128xf32, #tpu.memory_space<vmem>> -> memref<1x1x16x128xf32, #tpu.memory_space<vmem>>
    %dma_start3A_822 = tpu.memref_squeeze %dma_start3A_821 : memref<1x1x16x128xf32, #tpu.memory_space<vmem>> -> memref<16x128xf32, #tpu.memory_space<vmem>>
    %dma_start3A_823 = arith.constant 0 : i32
    %dma_start3A_824 = tpu.memref_slice %arg5[%dma_start3A_823, %multiple_of3A_802] : memref<16x1000000xf32, #tpu.memory_space<hbm>> -> memref<16x128xf32, #tpu.memory_space<hbm>>
    %dma_start3A_825 = arith.constant 0 : i32
    %dma_start3A_826 = arith.constant 0 : i32
    %dma_start3A_827 = tpu.memref_slice %arg10[%dma_start3A_817, %dma_start3A_818, %dma_start3A_825, %dma_start3A_826] : memref<6x4x16x128xf32, #tpu.memory_space<vmem>> -> memref<1x1x16x128xf32, #tpu.memory_space<vmem>>
    %dma_start3A_828 = tpu.memref_squeeze %dma_start3A_827 : memref<1x1x16x128xf32, #tpu.memory_space<vmem>> -> memref<16x128xf32, #tpu.memory_space<vmem>>
    %dma_start3A_829 = arith.constant 0 : i32
    %dma_start3A_830 = tpu.memref_slice %arg5[%dma_start3A_829, %multiple_of3A_802] : memref<16x1000000xf32, #tpu.memory_space<hbm>> -> memref<16x128xf32, #tpu.memory_space<hbm>>
    tpu.enqueue_dma source(%dma_start3A_830 : memref<16x128xf32, #tpu.memory_space<hbm>>) target(%dma_start3A_828 : memref<16x128xf32, #tpu.memory_space<vmem>>) target_semaphore(%arg13 : memref<!tpu.dma_semaphore, #tpu.memory_space<semaphore_mem>>)
    %scan3A = arith.constant 0 : i32
    %scan3A_831 = arith.constant 0 : i32
    %scan3A_832 = arith.constant 128 : i32
    %scan3A_833 = arith.addi %scan3A_831, %scan3A_832 : i32
    %scan3A_834 = arith.constant 1 : i32
    %scan3A_835 = scf.for %scan3A_837 = %scan3A_831 to %scan3A_833 step %scan3A_834 iter_args(%scan3A_838 = %scan3A) -> (i32)  : i32 {
      %jit3A = arith.constant 6 : i32
      %eq3A = arith.constant 0 : i32
      %eq3A_839 = arith.cmpi eq, %jit3A, %eq3A : i32
      %jit3A_840 = arith.constant 1 : i32
      %select_n3A = arith.select %eq3A_839, %jit3A_840, %jit3A : i32
      %rem3A = arith.remsi %scan3A_837, %select_n3A : i32
      %ne3A = arith.constant 0 : i32
      %ne3A_841 = arith.cmpi ne, %rem3A, %ne3A : i32
      %lt3A = arith.constant 0 : i32
      %lt3A_842 = arith.cmpi slt, %rem3A, %lt3A : i32
      %lt3A_843 = arith.constant 0 : i32
      %lt3A_844 = arith.cmpi slt, %select_n3A, %lt3A_843 : i32
      %ne3A_845 = arith.xori %lt3A_842, %lt3A_844 : i1
      %and3A_846 = arith.andi %ne3A_845, %ne3A_841 : i1
      %add3A_847 = arith.addi %rem3A, %select_n3A : i32
      %select_n3A_848 = arith.select %and3A_846, %add3A_847, %rem3A : i32
      %lt3A_849 = arith.constant 123 : i32
      %lt3A_850 = arith.cmpi slt, %scan3A_837, %lt3A_849 : i32
      %convert_element_type3A = arith.extui %lt3A_850 : i1 to i32
      %cond3A = arith.constant 0 : i32
      %cond3A_851 = arith.cmpi ne, %convert_element_type3A, %cond3A : i32
      scf.if %cond3A_851 {
        %add3A_1194 = arith.constant 6 : i32
        %add3A_1195 = arith.addi %scan3A_837, %add3A_1194 : i32
        %sub3A_1196 = arith.constant 1 : i32
        %sub3A_1197 = arith.subi %add3A_1195, %sub3A_1196 : i32
        %add3A_1198 = arith.constant 6 : i32
        %add3A_1199 = arith.addi %scan3A_837, %add3A_1198 : i32
        %sub3A_1200 = arith.constant 1 : i32
        %sub3A_1201 = arith.subi %add3A_1199, %sub3A_1200 : i32
        %jit3A_1202 = arith.constant 6 : i32
        %eq3A_1203 = arith.constant 0 : i32
        %eq3A_1204 = arith.cmpi eq, %jit3A_1202, %eq3A_1203 : i32
        %jit3A_1205 = arith.constant 1 : i32
        %select_n3A_1206 = arith.select %eq3A_1204, %jit3A_1205, %jit3A_1202 : i32
        %rem3A_1207 = arith.remsi %sub3A_1201, %select_n3A_1206 : i32
        %ne3A_1208 = arith.constant 0 : i32
        %ne3A_1209 = arith.cmpi ne, %rem3A_1207, %ne3A_1208 : i32
        %lt3A_1210 = arith.constant 0 : i32
        %lt3A_1211 = arith.cmpi slt, %rem3A_1207, %lt3A_1210 : i32
        %lt3A_1212 = arith.constant 0 : i32
        %lt3A_1213 = arith.cmpi slt, %select_n3A_1206, %lt3A_1212 : i32
        %ne3A_1214 = arith.xori %lt3A_1211, %lt3A_1213 : i1
        %and3A_1215 = arith.andi %ne3A_1214, %ne3A_1209 : i1
        %add3A_1216 = arith.addi %rem3A_1207, %select_n3A_1206 : i32
        %select_n3A_1217 = arith.select %and3A_1215, %add3A_1216, %rem3A_1207 : i32
        %mul3A_1218 = arith.constant 4 : i32
        %mul3A_1219 = arith.muli %sub3A_1197, %mul3A_1218 : i32
        %add3A_1220 = vector.broadcast %mul3A_1219 : i32 to vector<16xi32>
        %add3A_1221 = arith.addi %add3A_1220, %and3A_8 : vector<16xi32>
        %shift_right_arithmetic3A_1222 = arith.constant 7 : i32
        %shift_right_arithmetic3A_1223 = vector.broadcast %shift_right_arithmetic3A_1222 : i32 to vector<16xi32>
        %shift_right_arithmetic3A_1224 = arith.shrsi %add3A_1221, %shift_right_arithmetic3A_1223 : vector<16xi32>
        %and3A_1225 = arith.constant 127 : i32
        %and3A_1226 = vector.broadcast %and3A_1225 : i32 to vector<16xi32>
        %and3A_1227 = arith.andi %add3A_1221, %and3A_1226 : vector<16xi32>
        %gather3A_1228 = tpu.vector_load_idx %arg7[%shift_right_arithmetic3A_1224, %and3A_1227] : memref<4x128xi32, #tpu.memory_space<vmem>>[vector<16xi32>, vector<16xi32>], vector<16xi32>,
        %shift_right_arithmetic3A_1229 = arith.constant 7 : i32
        %shift_right_arithmetic3A_1230 = vector.broadcast %shift_right_arithmetic3A_1229 : i32 to vector<16xi32>
        %shift_right_arithmetic3A_1231 = arith.shrsi %add3A_1221, %shift_right_arithmetic3A_1230 : vector<16xi32>
        %and3A_1232 = arith.constant 127 : i32
        %and3A_1233 = vector.broadcast %and3A_1232 : i32 to vector<16xi32>
        %and3A_1234 = arith.andi %add3A_1221, %and3A_1233 : vector<16xi32>
        %gather3A_1235 = tpu.vector_load_idx %arg8[%shift_right_arithmetic3A_1231, %and3A_1234] : memref<4x128xi32, #tpu.memory_space<vmem>>[vector<16xi32>, vector<16xi32>], vector<16xi32>,
        %shift_right_arithmetic3A_1236 = arith.constant 7 : i32
        %shift_right_arithmetic3A_1237 = vector.broadcast %shift_right_arithmetic3A_1236 : i32 to vector<16xi32>
        %shift_right_arithmetic3A_1238 = arith.shrsi %gather3A_1228, %shift_right_arithmetic3A_1237 : vector<16xi32>
        %shift_left3A_1239 = arith.constant 7 : i32
        %shift_left3A_1240 = vector.broadcast %shift_left3A_1239 : i32 to vector<16xi32>
        %shift_left3A_1241 = arith.shli %shift_right_arithmetic3A_1238, %shift_left3A_1240 : vector<16xi32>
        %shift_right_arithmetic3A_1242 = arith.constant 7 : i32
        %shift_right_arithmetic3A_1243 = vector.broadcast %shift_right_arithmetic3A_1242 : i32 to vector<16xi32>
        %shift_right_arithmetic3A_1244 = arith.shrsi %gather3A_1235, %shift_right_arithmetic3A_1243 : vector<16xi32>
        %shift_left3A_1245 = arith.constant 7 : i32
        %shift_left3A_1246 = vector.broadcast %shift_left3A_1245 : i32 to vector<16xi32>
        %shift_left3A_1247 = arith.shli %shift_right_arithmetic3A_1244, %shift_left3A_1246 : vector<16xi32>
        %slice3A_1248 = vector.extract_strided_slice %shift_left3A_1241 {offsets = [0], sizes = [1], strides = [1]} : vector<16xi32> to vector<1xi32>
        %squeeze3A_1249 = vector.extract %slice3A_1248[0] : i32 from vector<1xi32>
        %multiple_of3A_1250 = tpu.assume_multiple %squeeze3A_1249, 128 : i32
        %slice3A_1251 = vector.extract_strided_slice %shift_left3A_1247 {offsets = [0], sizes = [1], strides = [1]} : vector<16xi32> to vector<1xi32>
        %squeeze3A_1252 = vector.extract %slice3A_1251[0] : i32 from vector<1xi32>
        %multiple_of3A_1253 = tpu.assume_multiple %squeeze3A_1252, 128 : i32
        %dma_start3A_1254 = arith.constant 0 : i32
        %dma_start3A_1255 = arith.constant 0 : i32
        %dma_start3A_1256 = arith.constant 0 : i32
        %dma_start3A_1257 = tpu.memref_slice %arg9[%select_n3A_1217, %dma_start3A_1254, %dma_start3A_1255, %dma_start3A_1256] : memref<6x4x16x128xf32, #tpu.memory_space<vmem>> -> memref<1x1x16x128xf32, #tpu.memory_space<vmem>>
        %dma_start3A_1258 = tpu.memref_squeeze %dma_start3A_1257 : memref<1x1x16x128xf32, #tpu.memory_space<vmem>> -> memref<16x128xf32, #tpu.memory_space<vmem>>
        %dma_start3A_1259 = arith.constant 0 : i32
        %dma_start3A_1260 = tpu.memref_slice %arg4[%dma_start3A_1259, %multiple_of3A_1250] : memref<16x1000000xf32, #tpu.memory_space<hbm>> -> memref<16x128xf32, #tpu.memory_space<hbm>>
        %dma_start3A_1261 = arith.constant 0 : i32
        %dma_start3A_1262 = arith.constant 0 : i32
        %dma_start3A_1263 = tpu.memref_slice %arg9[%select_n3A_1217, %dma_start3A_1254, %dma_start3A_1261, %dma_start3A_1262] : memref<6x4x16x128xf32, #tpu.memory_space<vmem>> -> memref<1x1x16x128xf32, #tpu.memory_space<vmem>>
        %dma_start3A_1264 = tpu.memref_squeeze %dma_start3A_1263 : memref<1x1x16x128xf32, #tpu.memory_space<vmem>> -> memref<16x128xf32, #tpu.memory_space<vmem>>
        %dma_start3A_1265 = arith.constant 0 : i32
        %dma_start3A_1266 = tpu.memref_slice %arg4[%dma_start3A_1265, %multiple_of3A_1250] : memref<16x1000000xf32, #tpu.memory_space<hbm>> -> memref<16x128xf32, #tpu.memory_space<hbm>>
        tpu.enqueue_dma source(%dma_start3A_1266 : memref<16x128xf32, #tpu.memory_space<hbm>>) target(%dma_start3A_1264 : memref<16x128xf32, #tpu.memory_space<vmem>>) target_semaphore(%arg12 : memref<!tpu.dma_semaphore, #tpu.memory_space<semaphore_mem>>)
        %dma_start3A_1267 = arith.constant 0 : i32
        %dma_start3A_1268 = arith.constant 0 : i32
        %dma_start3A_1269 = arith.constant 0 : i32
        %dma_start3A_1270 = tpu.memref_slice %arg10[%select_n3A_1217, %dma_start3A_1267, %dma_start3A_1268, %dma_start3A_1269] : memref<6x4x16x128xf32, #tpu.memory_space<vmem>> -> memref<1x1x16x128xf32, #tpu.memory_space<vmem>>
        %dma_start3A_1271 = tpu.memref_squeeze %dma_start3A_1270 : memref<1x1x16x128xf32, #tpu.memory_space<vmem>> -> memref<16x128xf32, #tpu.memory_space<vmem>>
        %dma_start3A_1272 = arith.constant 0 : i32
        %dma_start3A_1273 = tpu.memref_slice %arg5[%dma_start3A_1272, %multiple_of3A_1253] : memref<16x1000000xf32, #tpu.memory_space<hbm>> -> memref<16x128xf32, #tpu.memory_space<hbm>>
        %dma_start3A_1274 = arith.constant 0 : i32
        %dma_start3A_1275 = arith.constant 0 : i32
        %dma_start3A_1276 = tpu.memref_slice %arg10[%select_n3A_1217, %dma_start3A_1267, %dma_start3A_1274, %dma_start3A_1275] : memref<6x4x16x128xf32, #tpu.memory_space<vmem>> -> memref<1x1x16x128xf32, #tpu.memory_space<vmem>>
        %dma_start3A_1277 = tpu.memref_squeeze %dma_start3A_1276 : memref<1x1x16x128xf32, #tpu.memory_space<vmem>> -> memref<16x128xf32, #tpu.memory_space<vmem>>
        %dma_start3A_1278 = arith.constant 0 : i32
        %dma_start3A_1279 = tpu.memref_slice %arg5[%dma_start3A_1278, %multiple_of3A_1253] : memref<16x1000000xf32, #tpu.memory_space<hbm>> -> memref<16x128xf32, #tpu.memory_space<hbm>>
        tpu.enqueue_dma source(%dma_start3A_1279 : memref<16x128xf32, #tpu.memory_space<hbm>>) target(%dma_start3A_1277 : memref<16x128xf32, #tpu.memory_space<vmem>>) target_semaphore(%arg13 : memref<!tpu.dma_semaphore, #tpu.memory_space<semaphore_mem>>)
        %slice3A_1280 = vector.extract_strided_slice %shift_left3A_1241 {offsets = [1], sizes = [1], strides = [1]} : vector<16xi32> to vector<1xi32>
        %squeeze3A_1281 = vector.extract %slice3A_1280[0] : i32 from vector<1xi32>
        %multiple_of3A_1282 = tpu.assume_multiple %squeeze3A_1281, 128 : i32
        %slice3A_1283 = vector.extract_strided_slice %shift_left3A_1247 {offsets = [1], sizes = [1], strides = [1]} : vector<16xi32> to vector<1xi32>
        %squeeze3A_1284 = vector.extract %slice3A_1283[0] : i32 from vector<1xi32>
        %multiple_of3A_1285 = tpu.assume_multiple %squeeze3A_1284, 128 : i32
        %dma_start3A_1286 = arith.constant 1 : i32
        %dma_start3A_1287 = arith.constant 0 : i32
        %dma_start3A_1288 = arith.constant 0 : i32
        %dma_start3A_1289 = tpu.memref_slice %arg9[%select_n3A_1217, %dma_start3A_1286, %dma_start3A_1287, %dma_start3A_1288] : memref<6x4x16x128xf32, #tpu.memory_space<vmem>> -> memref<1x1x16x128xf32, #tpu.memory_space<vmem>>
        %dma_start3A_1290 = tpu.memref_squeeze %dma_start3A_1289 : memref<1x1x16x128xf32, #tpu.memory_space<vmem>> -> memref<16x128xf32, #tpu.memory_space<vmem>>
        %dma_start3A_1291 = arith.constant 0 : i32
        %dma_start3A_1292 = tpu.memref_slice %arg4[%dma_start3A_1291, %multiple_of3A_1282] : memref<16x1000000xf32, #tpu.memory_space<hbm>> -> memref<16x128xf32, #tpu.memory_space<hbm>>
        %dma_start3A_1293 = arith.constant 0 : i32
        %dma_start3A_1294 = arith.constant 0 : i32
        %dma_start3A_1295 = tpu.memref_slice %arg9[%select_n3A_1217, %dma_start3A_1286, %dma_start3A_1293, %dma_start3A_1294] : memref<6x4x16x128xf32, #tpu.memory_space<vmem>> -> memref<1x1x16x128xf32, #tpu.memory_space<vmem>>
        %dma_start3A_1296 = tpu.memref_squeeze %dma_start3A_1295 : memref<1x1x16x128xf32, #tpu.memory_space<vmem>> -> memref<16x128xf32, #tpu.memory_space<vmem>>
        %dma_start3A_1297 = arith.constant 0 : i32
        %dma_start3A_1298 = tpu.memref_slice %arg4[%dma_start3A_1297, %multiple_of3A_1282] : memref<16x1000000xf32, #tpu.memory_space<hbm>> -> memref<16x128xf32, #tpu.memory_space<hbm>>
        tpu.enqueue_dma source(%dma_start3A_1298 : memref<16x128xf32, #tpu.memory_space<hbm>>) target(%dma_start3A_1296 : memref<16x128xf32, #tpu.memory_space<vmem>>) target_semaphore(%arg12 : memref<!tpu.dma_semaphore, #tpu.memory_space<semaphore_mem>>)
        %dma_start3A_1299 = arith.constant 1 : i32
        %dma_start3A_1300 = arith.constant 0 : i32
        %dma_start3A_1301 = arith.constant 0 : i32
        %dma_start3A_1302 = tpu.memref_slice %arg10[%select_n3A_1217, %dma_start3A_1299, %dma_start3A_1300, %dma_start3A_1301] : memref<6x4x16x128xf32, #tpu.memory_space<vmem>> -> memref<1x1x16x128xf32, #tpu.memory_space<vmem>>
        %dma_start3A_1303 = tpu.memref_squeeze %dma_start3A_1302 : memref<1x1x16x128xf32, #tpu.memory_space<vmem>> -> memref<16x128xf32, #tpu.memory_space<vmem>>
        %dma_start3A_1304 = arith.constant 0 : i32
        %dma_start3A_1305 = tpu.memref_slice %arg5[%dma_start3A_1304, %multiple_of3A_1285] : memref<16x1000000xf32, #tpu.memory_space<hbm>> -> memref<16x128xf32, #tpu.memory_space<hbm>>
        %dma_start3A_1306 = arith.constant 0 : i32
        %dma_start3A_1307 = arith.constant 0 : i32
        %dma_start3A_1308 = tpu.memref_slice %arg10[%select_n3A_1217, %dma_start3A_1299, %dma_start3A_1306, %dma_start3A_1307] : memref<6x4x16x128xf32, #tpu.memory_space<vmem>> -> memref<1x1x16x128xf32, #tpu.memory_space<vmem>>
        %dma_start3A_1309 = tpu.memref_squeeze %dma_start3A_1308 : memref<1x1x16x128xf32, #tpu.memory_space<vmem>> -> memref<16x128xf32, #tpu.memory_space<vmem>>
        %dma_start3A_1310 = arith.constant 0 : i32
        %dma_start3A_1311 = tpu.memref_slice %arg5[%dma_start3A_1310, %multiple_of3A_1285] : memref<16x1000000xf32, #tpu.memory_space<hbm>> -> memref<16x128xf32, #tpu.memory_space<hbm>>
        tpu.enqueue_dma source(%dma_start3A_1311 : memref<16x128xf32, #tpu.memory_space<hbm>>) target(%dma_start3A_1309 : memref<16x128xf32, #tpu.memory_space<vmem>>) target_semaphore(%arg13 : memref<!tpu.dma_semaphore, #tpu.memory_space<semaphore_mem>>)
        %slice3A_1312 = vector.extract_strided_slice %shift_left3A_1241 {offsets = [2], sizes = [1], strides = [1]} : vector<16xi32> to vector<1xi32>
        %squeeze3A_1313 = vector.extract %slice3A_1312[0] : i32 from vector<1xi32>
        %multiple_of3A_1314 = tpu.assume_multiple %squeeze3A_1313, 128 : i32
        %slice3A_1315 = vector.extract_strided_slice %shift_left3A_1247 {offsets = [2], sizes = [1], strides = [1]} : vector<16xi32> to vector<1xi32>
        %squeeze3A_1316 = vector.extract %slice3A_1315[0] : i32 from vector<1xi32>
        %multiple_of3A_1317 = tpu.assume_multiple %squeeze3A_1316, 128 : i32
        %dma_start3A_1318 = arith.constant 2 : i32
        %dma_start3A_1319 = arith.constant 0 : i32
        %dma_start3A_1320 = arith.constant 0 : i32
        %dma_start3A_1321 = tpu.memref_slice %arg9[%select_n3A_1217, %dma_start3A_1318, %dma_start3A_1319, %dma_start3A_1320] : memref<6x4x16x128xf32, #tpu.memory_space<vmem>> -> memref<1x1x16x128xf32, #tpu.memory_space<vmem>>
        %dma_start3A_1322 = tpu.memref_squeeze %dma_start3A_1321 : memref<1x1x16x128xf32, #tpu.memory_space<vmem>> -> memref<16x128xf32, #tpu.memory_space<vmem>>
        %dma_start3A_1323 = arith.constant 0 : i32
        %dma_start3A_1324 = tpu.memref_slice %arg4[%dma_start3A_1323, %multiple_of3A_1314] : memref<16x1000000xf32, #tpu.memory_space<hbm>> -> memref<16x128xf32, #tpu.memory_space<hbm>>
        %dma_start3A_1325 = arith.constant 0 : i32
        %dma_start3A_1326 = arith.constant 0 : i32
        %dma_start3A_1327 = tpu.memref_slice %arg9[%select_n3A_1217, %dma_start3A_1318, %dma_start3A_1325, %dma_start3A_1326] : memref<6x4x16x128xf32, #tpu.memory_space<vmem>> -> memref<1x1x16x128xf32, #tpu.memory_space<vmem>>
        %dma_start3A_1328 = tpu.memref_squeeze %dma_start3A_1327 : memref<1x1x16x128xf32, #tpu.memory_space<vmem>> -> memref<16x128xf32, #tpu.memory_space<vmem>>
        %dma_start3A_1329 = arith.constant 0 : i32
        %dma_start3A_1330 = tpu.memref_slice %arg4[%dma_start3A_1329, %multiple_of3A_1314] : memref<16x1000000xf32, #tpu.memory_space<hbm>> -> memref<16x128xf32, #tpu.memory_space<hbm>>
        tpu.enqueue_dma source(%dma_start3A_1330 : memref<16x128xf32, #tpu.memory_space<hbm>>) target(%dma_start3A_1328 : memref<16x128xf32, #tpu.memory_space<vmem>>) target_semaphore(%arg12 : memref<!tpu.dma_semaphore, #tpu.memory_space<semaphore_mem>>)
        %dma_start3A_1331 = arith.constant 2 : i32
        %dma_start3A_1332 = arith.constant 0 : i32
        %dma_start3A_1333 = arith.constant 0 : i32
        %dma_start3A_1334 = tpu.memref_slice %arg10[%select_n3A_1217, %dma_start3A_1331, %dma_start3A_1332, %dma_start3A_1333] : memref<6x4x16x128xf32, #tpu.memory_space<vmem>> -> memref<1x1x16x128xf32, #tpu.memory_space<vmem>>
        %dma_start3A_1335 = tpu.memref_squeeze %dma_start3A_1334 : memref<1x1x16x128xf32, #tpu.memory_space<vmem>> -> memref<16x128xf32, #tpu.memory_space<vmem>>
        %dma_start3A_1336 = arith.constant 0 : i32
        %dma_start3A_1337 = tpu.memref_slice %arg5[%dma_start3A_1336, %multiple_of3A_1317] : memref<16x1000000xf32, #tpu.memory_space<hbm>> -> memref<16x128xf32, #tpu.memory_space<hbm>>
        %dma_start3A_1338 = arith.constant 0 : i32
        %dma_start3A_1339 = arith.constant 0 : i32
        %dma_start3A_1340 = tpu.memref_slice %arg10[%select_n3A_1217, %dma_start3A_1331, %dma_start3A_1338, %dma_start3A_1339] : memref<6x4x16x128xf32, #tpu.memory_space<vmem>> -> memref<1x1x16x128xf32, #tpu.memory_space<vmem>>
        %dma_start3A_1341 = tpu.memref_squeeze %dma_start3A_1340 : memref<1x1x16x128xf32, #tpu.memory_space<vmem>> -> memref<16x128xf32, #tpu.memory_space<vmem>>
        %dma_start3A_1342 = arith.constant 0 : i32
        %dma_start3A_1343 = tpu.memref_slice %arg5[%dma_start3A_1342, %multiple_of3A_1317] : memref<16x1000000xf32, #tpu.memory_space<hbm>> -> memref<16x128xf32, #tpu.memory_space<hbm>>
        tpu.enqueue_dma source(%dma_start3A_1343 : memref<16x128xf32, #tpu.memory_space<hbm>>) target(%dma_start3A_1341 : memref<16x128xf32, #tpu.memory_space<vmem>>) target_semaphore(%arg13 : memref<!tpu.dma_semaphore, #tpu.memory_space<semaphore_mem>>)
        %slice3A_1344 = vector.extract_strided_slice %shift_left3A_1241 {offsets = [3], sizes = [1], strides = [1]} : vector<16xi32> to vector<1xi32>
        %squeeze3A_1345 = vector.extract %slice3A_1344[0] : i32 from vector<1xi32>
        %multiple_of3A_1346 = tpu.assume_multiple %squeeze3A_1345, 128 : i32
        %slice3A_1347 = vector.extract_strided_slice %shift_left3A_1247 {offsets = [3], sizes = [1], strides = [1]} : vector<16xi32> to vector<1xi32>
        %squeeze3A_1348 = vector.extract %slice3A_1347[0] : i32 from vector<1xi32>
        %multiple_of3A_1349 = tpu.assume_multiple %squeeze3A_1348, 128 : i32
        %dma_start3A_1350 = arith.constant 3 : i32
        %dma_start3A_1351 = arith.constant 0 : i32
        %dma_start3A_1352 = arith.constant 0 : i32
        %dma_start3A_1353 = tpu.memref_slice %arg9[%select_n3A_1217, %dma_start3A_1350, %dma_start3A_1351, %dma_start3A_1352] : memref<6x4x16x128xf32, #tpu.memory_space<vmem>> -> memref<1x1x16x128xf32, #tpu.memory_space<vmem>>
        %dma_start3A_1354 = tpu.memref_squeeze %dma_start3A_1353 : memref<1x1x16x128xf32, #tpu.memory_space<vmem>> -> memref<16x128xf32, #tpu.memory_space<vmem>>
        %dma_start3A_1355 = arith.constant 0 : i32
        %dma_start3A_1356 = tpu.memref_slice %arg4[%dma_start3A_1355, %multiple_of3A_1346] : memref<16x1000000xf32, #tpu.memory_space<hbm>> -> memref<16x128xf32, #tpu.memory_space<hbm>>
        %dma_start3A_1357 = arith.constant 0 : i32
        %dma_start3A_1358 = arith.constant 0 : i32
        %dma_start3A_1359 = tpu.memref_slice %arg9[%select_n3A_1217, %dma_start3A_1350, %dma_start3A_1357, %dma_start3A_1358] : memref<6x4x16x128xf32, #tpu.memory_space<vmem>> -> memref<1x1x16x128xf32, #tpu.memory_space<vmem>>
        %dma_start3A_1360 = tpu.memref_squeeze %dma_start3A_1359 : memref<1x1x16x128xf32, #tpu.memory_space<vmem>> -> memref<16x128xf32, #tpu.memory_space<vmem>>
        %dma_start3A_1361 = arith.constant 0 : i32
        %dma_start3A_1362 = tpu.memref_slice %arg4[%dma_start3A_1361, %multiple_of3A_1346] : memref<16x1000000xf32, #tpu.memory_space<hbm>> -> memref<16x128xf32, #tpu.memory_space<hbm>>
        tpu.enqueue_dma source(%dma_start3A_1362 : memref<16x128xf32, #tpu.memory_space<hbm>>) target(%dma_start3A_1360 : memref<16x128xf32, #tpu.memory_space<vmem>>) target_semaphore(%arg12 : memref<!tpu.dma_semaphore, #tpu.memory_space<semaphore_mem>>)
        %dma_start3A_1363 = arith.constant 3 : i32
        %dma_start3A_1364 = arith.constant 0 : i32
        %dma_start3A_1365 = arith.constant 0 : i32
        %dma_start3A_1366 = tpu.memref_slice %arg10[%select_n3A_1217, %dma_start3A_1363, %dma_start3A_1364, %dma_start3A_1365] : memref<6x4x16x128xf32, #tpu.memory_space<vmem>> -> memref<1x1x16x128xf32, #tpu.memory_space<vmem>>
        %dma_start3A_1367 = tpu.memref_squeeze %dma_start3A_1366 : memref<1x1x16x128xf32, #tpu.memory_space<vmem>> -> memref<16x128xf32, #tpu.memory_space<vmem>>
        %dma_start3A_1368 = arith.constant 0 : i32
        %dma_start3A_1369 = tpu.memref_slice %arg5[%dma_start3A_1368, %multiple_of3A_1349] : memref<16x1000000xf32, #tpu.memory_space<hbm>> -> memref<16x128xf32, #tpu.memory_space<hbm>>
        %dma_start3A_1370 = arith.constant 0 : i32
        %dma_start3A_1371 = arith.constant 0 : i32
        %dma_start3A_1372 = tpu.memref_slice %arg10[%select_n3A_1217, %dma_start3A_1363, %dma_start3A_1370, %dma_start3A_1371] : memref<6x4x16x128xf32, #tpu.memory_space<vmem>> -> memref<1x1x16x128xf32, #tpu.memory_space<vmem>>
        %dma_start3A_1373 = tpu.memref_squeeze %dma_start3A_1372 : memref<1x1x16x128xf32, #tpu.memory_space<vmem>> -> memref<16x128xf32, #tpu.memory_space<vmem>>
        %dma_start3A_1374 = arith.constant 0 : i32
        %dma_start3A_1375 = tpu.memref_slice %arg5[%dma_start3A_1374, %multiple_of3A_1349] : memref<16x1000000xf32, #tpu.memory_space<hbm>> -> memref<16x128xf32, #tpu.memory_space<hbm>>
        tpu.enqueue_dma source(%dma_start3A_1375 : memref<16x128xf32, #tpu.memory_space<hbm>>) target(%dma_start3A_1373 : memref<16x128xf32, #tpu.memory_space<vmem>>) target_semaphore(%arg13 : memref<!tpu.dma_semaphore, #tpu.memory_space<semaphore_mem>>)
      } else {
      }
      %dma_wait3A = arith.constant 0 : i32
      %dma_wait3A_852 = arith.constant 0 : i32
      %dma_wait3A_853 = arith.constant 0 : i32
      %dma_wait3A_854 = tpu.memref_slice %arg9[%select_n3A_848, %dma_wait3A, %dma_wait3A_852, %dma_wait3A_853] : memref<6x4x16x128xf32, #tpu.memory_space<vmem>> -> memref<1x1x16x128xf32, #tpu.memory_space<vmem>>
      %dma_wait3A_855 = tpu.memref_squeeze %dma_wait3A_854 : memref<1x1x16x128xf32, #tpu.memory_space<vmem>> -> memref<16x128xf32, #tpu.memory_space<vmem>>
      %dma_wait3A_856 = arith.constant 0 : i32
      %dma_wait3A_857 = arith.constant 0 : i32
      %dma_wait3A_858 = tpu.memref_slice %arg4[%dma_wait3A_856, %dma_wait3A_857] : memref<16x1000000xf32, #tpu.memory_space<hbm>> -> memref<16x128xf32, #tpu.memory_space<hbm>>
      %dma_wait3A_859 = arith.constant 0 : i32
      %dma_wait3A_860 = arith.constant 0 : i32
      %dma_wait3A_861 = tpu.memref_slice %arg9[%select_n3A_848, %dma_wait3A, %dma_wait3A_859, %dma_wait3A_860] : memref<6x4x16x128xf32, #tpu.memory_space<vmem>> -> memref<1x1x16x128xf32, #tpu.memory_space<vmem>>
      %dma_wait3A_862 = tpu.memref_squeeze %dma_wait3A_861 : memref<1x1x16x128xf32, #tpu.memory_space<vmem>> -> memref<16x128xf32, #tpu.memory_space<vmem>>
      %dma_wait3A_863 = arith.constant 0 : i32
      %dma_wait3A_864 = arith.constant 0 : i32
      %dma_wait3A_865 = tpu.memref_slice %arg4[%dma_wait3A_863, %dma_wait3A_864] : memref<16x1000000xf32, #tpu.memory_space<hbm>> -> memref<16x128xf32, #tpu.memory_space<hbm>>
      tpu.wait_dma2 semaphore(%arg12 : memref<!tpu.dma_semaphore, #tpu.memory_space<semaphore_mem>>) src(%dma_wait3A_865 : memref<16x128xf32, #tpu.memory_space<hbm>>) dst(%dma_wait3A_862 : memref<16x128xf32, #tpu.memory_space<vmem>>)
      %dma_wait3A_866 = arith.constant 0 : i32
      %dma_wait3A_867 = arith.constant 0 : i32
      %dma_wait3A_868 = arith.constant 0 : i32
      %dma_wait3A_869 = tpu.memref_slice %arg10[%select_n3A_848, %dma_wait3A_866, %dma_wait3A_867, %dma_wait3A_868] : memref<6x4x16x128xf32, #tpu.memory_space<vmem>> -> memref<1x1x16x128xf32, #tpu.memory_space<vmem>>
      %dma_wait3A_870 = tpu.memref_squeeze %dma_wait3A_869 : memref<1x1x16x128xf32, #tpu.memory_space<vmem>> -> memref<16x128xf32, #tpu.memory_space<vmem>>
      %dma_wait3A_871 = arith.constant 0 : i32
      %dma_wait3A_872 = arith.constant 0 : i32
      %dma_wait3A_873 = tpu.memref_slice %arg5[%dma_wait3A_871, %dma_wait3A_872] : memref<16x1000000xf32, #tpu.memory_space<hbm>> -> memref<16x128xf32, #tpu.memory_space<hbm>>
      %dma_wait3A_874 = arith.constant 0 : i32
      %dma_wait3A_875 = arith.constant 0 : i32
      %dma_wait3A_876 = tpu.memref_slice %arg10[%select_n3A_848, %dma_wait3A_866, %dma_wait3A_874, %dma_wait3A_875] : memref<6x4x16x128xf32, #tpu.memory_space<vmem>> -> memref<1x1x16x128xf32, #tpu.memory_space<vmem>>
      %dma_wait3A_877 = tpu.memref_squeeze %dma_wait3A_876 : memref<1x1x16x128xf32, #tpu.memory_space<vmem>> -> memref<16x128xf32, #tpu.memory_space<vmem>>
      %dma_wait3A_878 = arith.constant 0 : i32
      %dma_wait3A_879 = arith.constant 0 : i32
      %dma_wait3A_880 = tpu.memref_slice %arg5[%dma_wait3A_878, %dma_wait3A_879] : memref<16x1000000xf32, #tpu.memory_space<hbm>> -> memref<16x128xf32, #tpu.memory_space<hbm>>
      tpu.wait_dma2 semaphore(%arg13 : memref<!tpu.dma_semaphore, #tpu.memory_space<semaphore_mem>>) src(%dma_wait3A_880 : memref<16x128xf32, #tpu.memory_space<hbm>>) dst(%dma_wait3A_877 : memref<16x128xf32, #tpu.memory_space<vmem>>)
      %dma_wait3A_881 = arith.constant 1 : i32
      %dma_wait3A_882 = arith.constant 0 : i32
      %dma_wait3A_883 = arith.constant 0 : i32
      %dma_wait3A_884 = tpu.memref_slice %arg9[%select_n3A_848, %dma_wait3A_881, %dma_wait3A_882, %dma_wait3A_883] : memref<6x4x16x128xf32, #tpu.memory_space<vmem>> -> memref<1x1x16x128xf32, #tpu.memory_space<vmem>>
      %dma_wait3A_885 = tpu.memref_squeeze %dma_wait3A_884 : memref<1x1x16x128xf32, #tpu.memory_space<vmem>> -> memref<16x128xf32, #tpu.memory_space<vmem>>
      %dma_wait3A_886 = arith.constant 0 : i32
      %dma_wait3A_887 = arith.constant 0 : i32
      %dma_wait3A_888 = tpu.memref_slice %arg4[%dma_wait3A_886, %dma_wait3A_887] : memref<16x1000000xf32, #tpu.memory_space<hbm>> -> memref<16x128xf32, #tpu.memory_space<hbm>>
      %dma_wait3A_889 = arith.constant 0 : i32
      %dma_wait3A_890 = arith.constant 0 : i32
      %dma_wait3A_891 = tpu.memref_slice %arg9[%select_n3A_848, %dma_wait3A_881, %dma_wait3A_889, %dma_wait3A_890] : memref<6x4x16x128xf32, #tpu.memory_space<vmem>> -> memref<1x1x16x128xf32, #tpu.memory_space<vmem>>
      %dma_wait3A_892 = tpu.memref_squeeze %dma_wait3A_891 : memref<1x1x16x128xf32, #tpu.memory_space<vmem>> -> memref<16x128xf32, #tpu.memory_space<vmem>>
      %dma_wait3A_893 = arith.constant 0 : i32
      %dma_wait3A_894 = arith.constant 0 : i32
      %dma_wait3A_895 = tpu.memref_slice %arg4[%dma_wait3A_893, %dma_wait3A_894] : memref<16x1000000xf32, #tpu.memory_space<hbm>> -> memref<16x128xf32, #tpu.memory_space<hbm>>
      tpu.wait_dma2 semaphore(%arg12 : memref<!tpu.dma_semaphore, #tpu.memory_space<semaphore_mem>>) src(%dma_wait3A_895 : memref<16x128xf32, #tpu.memory_space<hbm>>) dst(%dma_wait3A_892 : memref<16x128xf32, #tpu.memory_space<vmem>>)
      %dma_wait3A_896 = arith.constant 1 : i32
      %dma_wait3A_897 = arith.constant 0 : i32
      %dma_wait3A_898 = arith.constant 0 : i32
      %dma_wait3A_899 = tpu.memref_slice %arg10[%select_n3A_848, %dma_wait3A_896, %dma_wait3A_897, %dma_wait3A_898] : memref<6x4x16x128xf32, #tpu.memory_space<vmem>> -> memref<1x1x16x128xf32, #tpu.memory_space<vmem>>
      %dma_wait3A_900 = tpu.memref_squeeze %dma_wait3A_899 : memref<1x1x16x128xf32, #tpu.memory_space<vmem>> -> memref<16x128xf32, #tpu.memory_space<vmem>>
      %dma_wait3A_901 = arith.constant 0 : i32
      %dma_wait3A_902 = arith.constant 0 : i32
      %dma_wait3A_903 = tpu.memref_slice %arg5[%dma_wait3A_901, %dma_wait3A_902] : memref<16x1000000xf32, #tpu.memory_space<hbm>> -> memref<16x128xf32, #tpu.memory_space<hbm>>
      %dma_wait3A_904 = arith.constant 0 : i32
      %dma_wait3A_905 = arith.constant 0 : i32
      %dma_wait3A_906 = tpu.memref_slice %arg10[%select_n3A_848, %dma_wait3A_896, %dma_wait3A_904, %dma_wait3A_905] : memref<6x4x16x128xf32, #tpu.memory_space<vmem>> -> memref<1x1x16x128xf32, #tpu.memory_space<vmem>>
      %dma_wait3A_907 = tpu.memref_squeeze %dma_wait3A_906 : memref<1x1x16x128xf32, #tpu.memory_space<vmem>> -> memref<16x128xf32, #tpu.memory_space<vmem>>
      %dma_wait3A_908 = arith.constant 0 : i32
      %dma_wait3A_909 = arith.constant 0 : i32
      %dma_wait3A_910 = tpu.memref_slice %arg5[%dma_wait3A_908, %dma_wait3A_909] : memref<16x1000000xf32, #tpu.memory_space<hbm>> -> memref<16x128xf32, #tpu.memory_space<hbm>>
      tpu.wait_dma2 semaphore(%arg13 : memref<!tpu.dma_semaphore, #tpu.memory_space<semaphore_mem>>) src(%dma_wait3A_910 : memref<16x128xf32, #tpu.memory_space<hbm>>) dst(%dma_wait3A_907 : memref<16x128xf32, #tpu.memory_space<vmem>>)
      %dma_wait3A_911 = arith.constant 2 : i32
      %dma_wait3A_912 = arith.constant 0 : i32
      %dma_wait3A_913 = arith.constant 0 : i32
      %dma_wait3A_914 = tpu.memref_slice %arg9[%select_n3A_848, %dma_wait3A_911, %dma_wait3A_912, %dma_wait3A_913] : memref<6x4x16x128xf32, #tpu.memory_space<vmem>> -> memref<1x1x16x128xf32, #tpu.memory_space<vmem>>
      %dma_wait3A_915 = tpu.memref_squeeze %dma_wait3A_914 : memref<1x1x16x128xf32, #tpu.memory_space<vmem>> -> memref<16x128xf32, #tpu.memory_space<vmem>>
      %dma_wait3A_916 = arith.constant 0 : i32
      %dma_wait3A_917 = arith.constant 0 : i32
      %dma_wait3A_918 = tpu.memref_slice %arg4[%dma_wait3A_916, %dma_wait3A_917] : memref<16x1000000xf32, #tpu.memory_space<hbm>> -> memref<16x128xf32, #tpu.memory_space<hbm>>
      %dma_wait3A_919 = arith.constant 0 : i32
      %dma_wait3A_920 = arith.constant 0 : i32
      %dma_wait3A_921 = tpu.memref_slice %arg9[%select_n3A_848, %dma_wait3A_911, %dma_wait3A_919, %dma_wait3A_920] : memref<6x4x16x128xf32, #tpu.memory_space<vmem>> -> memref<1x1x16x128xf32, #tpu.memory_space<vmem>>
      %dma_wait3A_922 = tpu.memref_squeeze %dma_wait3A_921 : memref<1x1x16x128xf32, #tpu.memory_space<vmem>> -> memref<16x128xf32, #tpu.memory_space<vmem>>
      %dma_wait3A_923 = arith.constant 0 : i32
      %dma_wait3A_924 = arith.constant 0 : i32
      %dma_wait3A_925 = tpu.memref_slice %arg4[%dma_wait3A_923, %dma_wait3A_924] : memref<16x1000000xf32, #tpu.memory_space<hbm>> -> memref<16x128xf32, #tpu.memory_space<hbm>>
      tpu.wait_dma2 semaphore(%arg12 : memref<!tpu.dma_semaphore, #tpu.memory_space<semaphore_mem>>) src(%dma_wait3A_925 : memref<16x128xf32, #tpu.memory_space<hbm>>) dst(%dma_wait3A_922 : memref<16x128xf32, #tpu.memory_space<vmem>>)
      %dma_wait3A_926 = arith.constant 2 : i32
      %dma_wait3A_927 = arith.constant 0 : i32
      %dma_wait3A_928 = arith.constant 0 : i32
      %dma_wait3A_929 = tpu.memref_slice %arg10[%select_n3A_848, %dma_wait3A_926, %dma_wait3A_927, %dma_wait3A_928] : memref<6x4x16x128xf32, #tpu.memory_space<vmem>> -> memref<1x1x16x128xf32, #tpu.memory_space<vmem>>
      %dma_wait3A_930 = tpu.memref_squeeze %dma_wait3A_929 : memref<1x1x16x128xf32, #tpu.memory_space<vmem>> -> memref<16x128xf32, #tpu.memory_space<vmem>>
      %dma_wait3A_931 = arith.constant 0 : i32
      %dma_wait3A_932 = arith.constant 0 : i32
      %dma_wait3A_933 = tpu.memref_slice %arg5[%dma_wait3A_931, %dma_wait3A_932] : memref<16x1000000xf32, #tpu.memory_space<hbm>> -> memref<16x128xf32, #tpu.memory_space<hbm>>
      %dma_wait3A_934 = arith.constant 0 : i32
      %dma_wait3A_935 = arith.constant 0 : i32
      %dma_wait3A_936 = tpu.memref_slice %arg10[%select_n3A_848, %dma_wait3A_926, %dma_wait3A_934, %dma_wait3A_935] : memref<6x4x16x128xf32, #tpu.memory_space<vmem>> -> memref<1x1x16x128xf32, #tpu.memory_space<vmem>>
      %dma_wait3A_937 = tpu.memref_squeeze %dma_wait3A_936 : memref<1x1x16x128xf32, #tpu.memory_space<vmem>> -> memref<16x128xf32, #tpu.memory_space<vmem>>
      %dma_wait3A_938 = arith.constant 0 : i32
      %dma_wait3A_939 = arith.constant 0 : i32
      %dma_wait3A_940 = tpu.memref_slice %arg5[%dma_wait3A_938, %dma_wait3A_939] : memref<16x1000000xf32, #tpu.memory_space<hbm>> -> memref<16x128xf32, #tpu.memory_space<hbm>>
      tpu.wait_dma2 semaphore(%arg13 : memref<!tpu.dma_semaphore, #tpu.memory_space<semaphore_mem>>) src(%dma_wait3A_940 : memref<16x128xf32, #tpu.memory_space<hbm>>) dst(%dma_wait3A_937 : memref<16x128xf32, #tpu.memory_space<vmem>>)
      %dma_wait3A_941 = arith.constant 3 : i32
      %dma_wait3A_942 = arith.constant 0 : i32
      %dma_wait3A_943 = arith.constant 0 : i32
      %dma_wait3A_944 = tpu.memref_slice %arg9[%select_n3A_848, %dma_wait3A_941, %dma_wait3A_942, %dma_wait3A_943] : memref<6x4x16x128xf32, #tpu.memory_space<vmem>> -> memref<1x1x16x128xf32, #tpu.memory_space<vmem>>
      %dma_wait3A_945 = tpu.memref_squeeze %dma_wait3A_944 : memref<1x1x16x128xf32, #tpu.memory_space<vmem>> -> memref<16x128xf32, #tpu.memory_space<vmem>>
      %dma_wait3A_946 = arith.constant 0 : i32
      %dma_wait3A_947 = arith.constant 0 : i32
      %dma_wait3A_948 = tpu.memref_slice %arg4[%dma_wait3A_946, %dma_wait3A_947] : memref<16x1000000xf32, #tpu.memory_space<hbm>> -> memref<16x128xf32, #tpu.memory_space<hbm>>
      %dma_wait3A_949 = arith.constant 0 : i32
      %dma_wait3A_950 = arith.constant 0 : i32
      %dma_wait3A_951 = tpu.memref_slice %arg9[%select_n3A_848, %dma_wait3A_941, %dma_wait3A_949, %dma_wait3A_950] : memref<6x4x16x128xf32, #tpu.memory_space<vmem>> -> memref<1x1x16x128xf32, #tpu.memory_space<vmem>>
      %dma_wait3A_952 = tpu.memref_squeeze %dma_wait3A_951 : memref<1x1x16x128xf32, #tpu.memory_space<vmem>> -> memref<16x128xf32, #tpu.memory_space<vmem>>
      %dma_wait3A_953 = arith.constant 0 : i32
      %dma_wait3A_954 = arith.constant 0 : i32
      %dma_wait3A_955 = tpu.memref_slice %arg4[%dma_wait3A_953, %dma_wait3A_954] : memref<16x1000000xf32, #tpu.memory_space<hbm>> -> memref<16x128xf32, #tpu.memory_space<hbm>>
      tpu.wait_dma2 semaphore(%arg12 : memref<!tpu.dma_semaphore, #tpu.memory_space<semaphore_mem>>) src(%dma_wait3A_955 : memref<16x128xf32, #tpu.memory_space<hbm>>) dst(%dma_wait3A_952 : memref<16x128xf32, #tpu.memory_space<vmem>>)
      %dma_wait3A_956 = arith.constant 3 : i32
      %dma_wait3A_957 = arith.constant 0 : i32
      %dma_wait3A_958 = arith.constant 0 : i32
      %dma_wait3A_959 = tpu.memref_slice %arg10[%select_n3A_848, %dma_wait3A_956, %dma_wait3A_957, %dma_wait3A_958] : memref<6x4x16x128xf32, #tpu.memory_space<vmem>> -> memref<1x1x16x128xf32, #tpu.memory_space<vmem>>
      %dma_wait3A_960 = tpu.memref_squeeze %dma_wait3A_959 : memref<1x1x16x128xf32, #tpu.memory_space<vmem>> -> memref<16x128xf32, #tpu.memory_space<vmem>>
      %dma_wait3A_961 = arith.constant 0 : i32
      %dma_wait3A_962 = arith.constant 0 : i32
      %dma_wait3A_963 = tpu.memref_slice %arg5[%dma_wait3A_961, %dma_wait3A_962] : memref<16x1000000xf32, #tpu.memory_space<hbm>> -> memref<16x128xf32, #tpu.memory_space<hbm>>
      %dma_wait3A_964 = arith.constant 0 : i32
      %dma_wait3A_965 = arith.constant 0 : i32
      %dma_wait3A_966 = tpu.memref_slice %arg10[%select_n3A_848, %dma_wait3A_956, %dma_wait3A_964, %dma_wait3A_965] : memref<6x4x16x128xf32, #tpu.memory_space<vmem>> -> memref<1x1x16x128xf32, #tpu.memory_space<vmem>>
      %dma_wait3A_967 = tpu.memref_squeeze %dma_wait3A_966 : memref<1x1x16x128xf32, #tpu.memory_space<vmem>> -> memref<16x128xf32, #tpu.memory_space<vmem>>
      %dma_wait3A_968 = arith.constant 0 : i32
      %dma_wait3A_969 = arith.constant 0 : i32
      %dma_wait3A_970 = tpu.memref_slice %arg5[%dma_wait3A_968, %dma_wait3A_969] : memref<16x1000000xf32, #tpu.memory_space<hbm>> -> memref<16x128xf32, #tpu.memory_space<hbm>>
      tpu.wait_dma2 semaphore(%arg13 : memref<!tpu.dma_semaphore, #tpu.memory_space<semaphore_mem>>) src(%dma_wait3A_970 : memref<16x128xf32, #tpu.memory_space<hbm>>) dst(%dma_wait3A_967 : memref<16x128xf32, #tpu.memory_space<vmem>>)
      %mul3A_971 = arith.constant 4 : i32
      %mul3A_972 = arith.muli %scan3A_837, %mul3A_971 : i32
      %add3A_973 = vector.broadcast %mul3A_972 : i32 to vector<16xi32>
      %add3A_974 = arith.addi %add3A_973, %and3A_12 : vector<16xi32>
      %shift_right_arithmetic3A_975 = arith.constant 7 : i32
      %shift_right_arithmetic3A_976 = vector.broadcast %shift_right_arithmetic3A_975 : i32 to vector<16xi32>
      %shift_right_arithmetic3A_977 = arith.shrsi %add3A_974, %shift_right_arithmetic3A_976 : vector<16xi32>
      %and3A_978 = arith.constant 127 : i32
      %and3A_979 = vector.broadcast %and3A_978 : i32 to vector<16xi32>
      %and3A_980 = arith.andi %add3A_974, %and3A_979 : vector<16xi32>
      %gather3A_981 = tpu.vector_load_idx %arg7[%shift_right_arithmetic3A_977, %and3A_980] : memref<4x128xi32, #tpu.memory_space<vmem>>[vector<16xi32>, vector<16xi32>], vector<16xi32>,
      %shift_right_arithmetic3A_982 = arith.constant 7 : i32
      %shift_right_arithmetic3A_983 = vector.broadcast %shift_right_arithmetic3A_982 : i32 to vector<16xi32>
      %shift_right_arithmetic3A_984 = arith.shrsi %add3A_974, %shift_right_arithmetic3A_983 : vector<16xi32>
      %and3A_985 = arith.constant 127 : i32
      %and3A_986 = vector.broadcast %and3A_985 : i32 to vector<16xi32>
      %and3A_987 = arith.andi %add3A_974, %and3A_986 : vector<16xi32>
      %gather3A_988 = tpu.vector_load_idx %arg8[%shift_right_arithmetic3A_984, %and3A_987] : memref<4x128xi32, #tpu.memory_space<vmem>>[vector<16xi32>, vector<16xi32>], vector<16xi32>,
      %and3A_989 = arith.constant 127 : i32
      %and3A_990 = vector.broadcast %and3A_989 : i32 to vector<16xi32>
      %and3A_991 = arith.andi %gather3A_981, %and3A_990 : vector<16xi32>
      %and3A_992 = arith.constant 127 : i32
      %and3A_993 = vector.broadcast %and3A_992 : i32 to vector<16xi32>
      %and3A_994 = arith.andi %gather3A_988, %and3A_993 : vector<16xi32>
      %broadcast_in_dim3A = vector.broadcast %select_n3A_848 : i32 to vector<16xi32>
      %broadcast_in_dim3A_995 = arith.constant 0.000000e+00 : f32
      %broadcast_in_dim3A_996 = vector.broadcast %broadcast_in_dim3A_995 : f32 to vector<16xf32>
      %broadcast_in_dim3A_997 = arith.constant 0.000000e+00 : f32
      %broadcast_in_dim3A_998 = vector.broadcast %broadcast_in_dim3A_997 : f32 to vector<16xf32>
      %broadcast_in_dim3A_999 = arith.constant 0.000000e+00 : f32
      %broadcast_in_dim3A_1000 = vector.broadcast %broadcast_in_dim3A_999 : f32 to vector<16xf32>
      %broadcast_in_dim3A_1001 = arith.constant 0 : i32
      %broadcast_in_dim3A_1002 = vector.broadcast %broadcast_in_dim3A_1001 : i32 to vector<16xi32>
      %gather3A_1003 = tpu.vector_load_idx %arg9[%broadcast_in_dim3A, %and3A_12, %broadcast_in_dim3A_1002, %and3A_991] : memref<6x4x16x128xf32, #tpu.memory_space<vmem>>[vector<16xi32>, vector<16xi32>, vector<16xi32>, vector<16xi32>], vector<16xf32>,
      %gather3A_1004 = tpu.vector_load_idx %arg10[%broadcast_in_dim3A, %and3A_12, %broadcast_in_dim3A_1002, %and3A_994] : memref<6x4x16x128xf32, #tpu.memory_space<vmem>>[vector<16xi32>, vector<16xi32>, vector<16xi32>, vector<16xi32>], vector<16xf32>,
      %mul3A_1005 = arith.mulf %gather3A_1003, %gather3A_1004 : vector<16xf32>
      %add3A_1006 = arith.addf %broadcast_in_dim3A_996, %mul3A_1005 : vector<16xf32>
      %mul3A_1007 = arith.mulf %gather3A_1003, %gather3A_1003 : vector<16xf32>
      %add3A_1008 = arith.addf %broadcast_in_dim3A_998, %mul3A_1007 : vector<16xf32>
      %mul3A_1009 = arith.mulf %gather3A_1004, %gather3A_1004 : vector<16xf32>
      %add3A_1010 = arith.addf %broadcast_in_dim3A_1000, %mul3A_1009 : vector<16xf32>
      %broadcast_in_dim3A_1011 = arith.constant 1 : i32
      %broadcast_in_dim3A_1012 = vector.broadcast %broadcast_in_dim3A_1011 : i32 to vector<16xi32>
      %gather3A_1013 = tpu.vector_load_idx %arg9[%broadcast_in_dim3A, %and3A_12, %broadcast_in_dim3A_1012, %and3A_991] : memref<6x4x16x128xf32, #tpu.memory_space<vmem>>[vector<16xi32>, vector<16xi32>, vector<16xi32>, vector<16xi32>], vector<16xf32>,
      %gather3A_1014 = tpu.vector_load_idx %arg10[%broadcast_in_dim3A, %and3A_12, %broadcast_in_dim3A_1012, %and3A_994] : memref<6x4x16x128xf32, #tpu.memory_space<vmem>>[vector<16xi32>, vector<16xi32>, vector<16xi32>, vector<16xi32>], vector<16xf32>,
      %mul3A_1015 = arith.mulf %gather3A_1013, %gather3A_1014 : vector<16xf32>
      %add3A_1016 = arith.addf %add3A_1006, %mul3A_1015 : vector<16xf32>
      %mul3A_1017 = arith.mulf %gather3A_1013, %gather3A_1013 : vector<16xf32>
      %add3A_1018 = arith.addf %add3A_1008, %mul3A_1017 : vector<16xf32>
      %mul3A_1019 = arith.mulf %gather3A_1014, %gather3A_1014 : vector<16xf32>
      %add3A_1020 = arith.addf %add3A_1010, %mul3A_1019 : vector<16xf32>
      %broadcast_in_dim3A_1021 = arith.constant 2 : i32
      %broadcast_in_dim3A_1022 = vector.broadcast %broadcast_in_dim3A_1021 : i32 to vector<16xi32>
      %gather3A_1023 = tpu.vector_load_idx %arg9[%broadcast_in_dim3A, %and3A_12, %broadcast_in_dim3A_1022, %and3A_991] : memref<6x4x16x128xf32, #tpu.memory_space<vmem>>[vector<16xi32>, vector<16xi32>, vector<16xi32>, vector<16xi32>], vector<16xf32>,
      %gather3A_1024 = tpu.vector_load_idx %arg10[%broadcast_in_dim3A, %and3A_12, %broadcast_in_dim3A_1022, %and3A_994] : memref<6x4x16x128xf32, #tpu.memory_space<vmem>>[vector<16xi32>, vector<16xi32>, vector<16xi32>, vector<16xi32>], vector<16xf32>,
      %mul3A_1025 = arith.mulf %gather3A_1023, %gather3A_1024 : vector<16xf32>
      %add3A_1026 = arith.addf %add3A_1016, %mul3A_1025 : vector<16xf32>
      %mul3A_1027 = arith.mulf %gather3A_1023, %gather3A_1023 : vector<16xf32>
      %add3A_1028 = arith.addf %add3A_1018, %mul3A_1027 : vector<16xf32>
      %mul3A_1029 = arith.mulf %gather3A_1024, %gather3A_1024 : vector<16xf32>
      %add3A_1030 = arith.addf %add3A_1020, %mul3A_1029 : vector<16xf32>
      %broadcast_in_dim3A_1031 = arith.constant 3 : i32
      %broadcast_in_dim3A_1032 = vector.broadcast %broadcast_in_dim3A_1031 : i32 to vector<16xi32>
      %gather3A_1033 = tpu.vector_load_idx %arg9[%broadcast_in_dim3A, %and3A_12, %broadcast_in_dim3A_1032, %and3A_991] : memref<6x4x16x128xf32, #tpu.memory_space<vmem>>[vector<16xi32>, vector<16xi32>, vector<16xi32>, vector<16xi32>], vector<16xf32>,
      %gather3A_1034 = tpu.vector_load_idx %arg10[%broadcast_in_dim3A, %and3A_12, %broadcast_in_dim3A_1032, %and3A_994] : memref<6x4x16x128xf32, #tpu.memory_space<vmem>>[vector<16xi32>, vector<16xi32>, vector<16xi32>, vector<16xi32>], vector<16xf32>,
      %mul3A_1035 = arith.mulf %gather3A_1033, %gather3A_1034 : vector<16xf32>
      %add3A_1036 = arith.addf %add3A_1026, %mul3A_1035 : vector<16xf32>
      %mul3A_1037 = arith.mulf %gather3A_1033, %gather3A_1033 : vector<16xf32>
      %add3A_1038 = arith.addf %add3A_1028, %mul3A_1037 : vector<16xf32>
      %mul3A_1039 = arith.mulf %gather3A_1034, %gather3A_1034 : vector<16xf32>
      %add3A_1040 = arith.addf %add3A_1030, %mul3A_1039 : vector<16xf32>
      %broadcast_in_dim3A_1041 = arith.constant 4 : i32
      %broadcast_in_dim3A_1042 = vector.broadcast %broadcast_in_dim3A_1041 : i32 to vector<16xi32>
      %gather3A_1043 = tpu.vector_load_idx %arg9[%broadcast_in_dim3A, %and3A_12, %broadcast_in_dim3A_1042, %and3A_991] : memref<6x4x16x128xf32, #tpu.memory_space<vmem>>[vector<16xi32>, vector<16xi32>, vector<16xi32>, vector<16xi32>], vector<16xf32>,
      %gather3A_1044 = tpu.vector_load_idx %arg10[%broadcast_in_dim3A, %and3A_12, %broadcast_in_dim3A_1042, %and3A_994] : memref<6x4x16x128xf32, #tpu.memory_space<vmem>>[vector<16xi32>, vector<16xi32>, vector<16xi32>, vector<16xi32>], vector<16xf32>,
      %mul3A_1045 = arith.mulf %gather3A_1043, %gather3A_1044 : vector<16xf32>
      %add3A_1046 = arith.addf %add3A_1036, %mul3A_1045 : vector<16xf32>
      %mul3A_1047 = arith.mulf %gather3A_1043, %gather3A_1043 : vector<16xf32>
      %add3A_1048 = arith.addf %add3A_1038, %mul3A_1047 : vector<16xf32>
      %mul3A_1049 = arith.mulf %gather3A_1044, %gather3A_1044 : vector<16xf32>
      %add3A_1050 = arith.addf %add3A_1040, %mul3A_1049 : vector<16xf32>
      %broadcast_in_dim3A_1051 = arith.constant 5 : i32
      %broadcast_in_dim3A_1052 = vector.broadcast %broadcast_in_dim3A_1051 : i32 to vector<16xi32>
      %gather3A_1053 = tpu.vector_load_idx %arg9[%broadcast_in_dim3A, %and3A_12, %broadcast_in_dim3A_1052, %and3A_991] : memref<6x4x16x128xf32, #tpu.memory_space<vmem>>[vector<16xi32>, vector<16xi32>, vector<16xi32>, vector<16xi32>], vector<16xf32>,
      %gather3A_1054 = tpu.vector_load_idx %arg10[%broadcast_in_dim3A, %and3A_12, %broadcast_in_dim3A_1052, %and3A_994] : memref<6x4x16x128xf32, #tpu.memory_space<vmem>>[vector<16xi32>, vector<16xi32>, vector<16xi32>, vector<16xi32>], vector<16xf32>,
      %mul3A_1055 = arith.mulf %gather3A_1053, %gather3A_1054 : vector<16xf32>
      %add3A_1056 = arith.addf %add3A_1046, %mul3A_1055 : vector<16xf32>
      %mul3A_1057 = arith.mulf %gather3A_1053, %gather3A_1053 : vector<16xf32>
      %add3A_1058 = arith.addf %add3A_1048, %mul3A_1057 : vector<16xf32>
      %mul3A_1059 = arith.mulf %gather3A_1054, %gather3A_1054 : vector<16xf32>
      %add3A_1060 = arith.addf %add3A_1050, %mul3A_1059 : vector<16xf32>
      %broadcast_in_dim3A_1061 = arith.constant 6 : i32
      %broadcast_in_dim3A_1062 = vector.broadcast %broadcast_in_dim3A_1061 : i32 to vector<16xi32>
      %gather3A_1063 = tpu.vector_load_idx %arg9[%broadcast_in_dim3A, %and3A_12, %broadcast_in_dim3A_1062, %and3A_991] : memref<6x4x16x128xf32, #tpu.memory_space<vmem>>[vector<16xi32>, vector<16xi32>, vector<16xi32>, vector<16xi32>], vector<16xf32>,
      %gather3A_1064 = tpu.vector_load_idx %arg10[%broadcast_in_dim3A, %and3A_12, %broadcast_in_dim3A_1062, %and3A_994] : memref<6x4x16x128xf32, #tpu.memory_space<vmem>>[vector<16xi32>, vector<16xi32>, vector<16xi32>, vector<16xi32>], vector<16xf32>,
      %mul3A_1065 = arith.mulf %gather3A_1063, %gather3A_1064 : vector<16xf32>
      %add3A_1066 = arith.addf %add3A_1056, %mul3A_1065 : vector<16xf32>
      %mul3A_1067 = arith.mulf %gather3A_1063, %gather3A_1063 : vector<16xf32>
      %add3A_1068 = arith.addf %add3A_1058, %mul3A_1067 : vector<16xf32>
      %mul3A_1069 = arith.mulf %gather3A_1064, %gather3A_1064 : vector<16xf32>
      %add3A_1070 = arith.addf %add3A_1060, %mul3A_1069 : vector<16xf32>
      %broadcast_in_dim3A_1071 = arith.constant 7 : i32
      %broadcast_in_dim3A_1072 = vector.broadcast %broadcast_in_dim3A_1071 : i32 to vector<16xi32>
      %gather3A_1073 = tpu.vector_load_idx %arg9[%broadcast_in_dim3A, %and3A_12, %broadcast_in_dim3A_1072, %and3A_991] : memref<6x4x16x128xf32, #tpu.memory_space<vmem>>[vector<16xi32>, vector<16xi32>, vector<16xi32>, vector<16xi32>], vector<16xf32>,
      %gather3A_1074 = tpu.vector_load_idx %arg10[%broadcast_in_dim3A, %and3A_12, %broadcast_in_dim3A_1072, %and3A_994] : memref<6x4x16x128xf32, #tpu.memory_space<vmem>>[vector<16xi32>, vector<16xi32>, vector<16xi32>, vector<16xi32>], vector<16xf32>,
      %mul3A_1075 = arith.mulf %gather3A_1073, %gather3A_1074 : vector<16xf32>
      %add3A_1076 = arith.addf %add3A_1066, %mul3A_1075 : vector<16xf32>
      %mul3A_1077 = arith.mulf %gather3A_1073, %gather3A_1073 : vector<16xf32>
      %add3A_1078 = arith.addf %add3A_1068, %mul3A_1077 : vector<16xf32>
      %mul3A_1079 = arith.mulf %gather3A_1074, %gather3A_1074 : vector<16xf32>
      %add3A_1080 = arith.addf %add3A_1070, %mul3A_1079 : vector<16xf32>
      %broadcast_in_dim3A_1081 = arith.constant 8 : i32
      %broadcast_in_dim3A_1082 = vector.broadcast %broadcast_in_dim3A_1081 : i32 to vector<16xi32>
      %gather3A_1083 = tpu.vector_load_idx %arg9[%broadcast_in_dim3A, %and3A_12, %broadcast_in_dim3A_1082, %and3A_991] : memref<6x4x16x128xf32, #tpu.memory_space<vmem>>[vector<16xi32>, vector<16xi32>, vector<16xi32>, vector<16xi32>], vector<16xf32>,
      %gather3A_1084 = tpu.vector_load_idx %arg10[%broadcast_in_dim3A, %and3A_12, %broadcast_in_dim3A_1082, %and3A_994] : memref<6x4x16x128xf32, #tpu.memory_space<vmem>>[vector<16xi32>, vector<16xi32>, vector<16xi32>, vector<16xi32>], vector<16xf32>,
      %mul3A_1085 = arith.mulf %gather3A_1083, %gather3A_1084 : vector<16xf32>
      %add3A_1086 = arith.addf %add3A_1076, %mul3A_1085 : vector<16xf32>
      %mul3A_1087 = arith.mulf %gather3A_1083, %gather3A_1083 : vector<16xf32>
      %add3A_1088 = arith.addf %add3A_1078, %mul3A_1087 : vector<16xf32>
      %mul3A_1089 = arith.mulf %gather3A_1084, %gather3A_1084 : vector<16xf32>
      %add3A_1090 = arith.addf %add3A_1080, %mul3A_1089 : vector<16xf32>
      %broadcast_in_dim3A_1091 = arith.constant 9 : i32
      %broadcast_in_dim3A_1092 = vector.broadcast %broadcast_in_dim3A_1091 : i32 to vector<16xi32>
      %gather3A_1093 = tpu.vector_load_idx %arg9[%broadcast_in_dim3A, %and3A_12, %broadcast_in_dim3A_1092, %and3A_991] : memref<6x4x16x128xf32, #tpu.memory_space<vmem>>[vector<16xi32>, vector<16xi32>, vector<16xi32>, vector<16xi32>], vector<16xf32>,
      %gather3A_1094 = tpu.vector_load_idx %arg10[%broadcast_in_dim3A, %and3A_12, %broadcast_in_dim3A_1092, %and3A_994] : memref<6x4x16x128xf32, #tpu.memory_space<vmem>>[vector<16xi32>, vector<16xi32>, vector<16xi32>, vector<16xi32>], vector<16xf32>,
      %mul3A_1095 = arith.mulf %gather3A_1093, %gather3A_1094 : vector<16xf32>
      %add3A_1096 = arith.addf %add3A_1086, %mul3A_1095 : vector<16xf32>
      %mul3A_1097 = arith.mulf %gather3A_1093, %gather3A_1093 : vector<16xf32>
      %add3A_1098 = arith.addf %add3A_1088, %mul3A_1097 : vector<16xf32>
      %mul3A_1099 = arith.mulf %gather3A_1094, %gather3A_1094 : vector<16xf32>
      %add3A_1100 = arith.addf %add3A_1090, %mul3A_1099 : vector<16xf32>
      %broadcast_in_dim3A_1101 = arith.constant 10 : i32
      %broadcast_in_dim3A_1102 = vector.broadcast %broadcast_in_dim3A_1101 : i32 to vector<16xi32>
      %gather3A_1103 = tpu.vector_load_idx %arg9[%broadcast_in_dim3A, %and3A_12, %broadcast_in_dim3A_1102, %and3A_991] : memref<6x4x16x128xf32, #tpu.memory_space<vmem>>[vector<16xi32>, vector<16xi32>, vector<16xi32>, vector<16xi32>], vector<16xf32>,
      %gather3A_1104 = tpu.vector_load_idx %arg10[%broadcast_in_dim3A, %and3A_12, %broadcast_in_dim3A_1102, %and3A_994] : memref<6x4x16x128xf32, #tpu.memory_space<vmem>>[vector<16xi32>, vector<16xi32>, vector<16xi32>, vector<16xi32>], vector<16xf32>,
      %mul3A_1105 = arith.mulf %gather3A_1103, %gather3A_1104 : vector<16xf32>
      %add3A_1106 = arith.addf %add3A_1096, %mul3A_1105 : vector<16xf32>
      %mul3A_1107 = arith.mulf %gather3A_1103, %gather3A_1103 : vector<16xf32>
      %add3A_1108 = arith.addf %add3A_1098, %mul3A_1107 : vector<16xf32>
      %mul3A_1109 = arith.mulf %gather3A_1104, %gather3A_1104 : vector<16xf32>
      %add3A_1110 = arith.addf %add3A_1100, %mul3A_1109 : vector<16xf32>
      %broadcast_in_dim3A_1111 = arith.constant 11 : i32
      %broadcast_in_dim3A_1112 = vector.broadcast %broadcast_in_dim3A_1111 : i32 to vector<16xi32>
      %gather3A_1113 = tpu.vector_load_idx %arg9[%broadcast_in_dim3A, %and3A_12, %broadcast_in_dim3A_1112, %and3A_991] : memref<6x4x16x128xf32, #tpu.memory_space<vmem>>[vector<16xi32>, vector<16xi32>, vector<16xi32>, vector<16xi32>], vector<16xf32>,
      %gather3A_1114 = tpu.vector_load_idx %arg10[%broadcast_in_dim3A, %and3A_12, %broadcast_in_dim3A_1112, %and3A_994] : memref<6x4x16x128xf32, #tpu.memory_space<vmem>>[vector<16xi32>, vector<16xi32>, vector<16xi32>, vector<16xi32>], vector<16xf32>,
      %mul3A_1115 = arith.mulf %gather3A_1113, %gather3A_1114 : vector<16xf32>
      %add3A_1116 = arith.addf %add3A_1106, %mul3A_1115 : vector<16xf32>
      %mul3A_1117 = arith.mulf %gather3A_1113, %gather3A_1113 : vector<16xf32>
      %add3A_1118 = arith.addf %add3A_1108, %mul3A_1117 : vector<16xf32>
      %mul3A_1119 = arith.mulf %gather3A_1114, %gather3A_1114 : vector<16xf32>
      %add3A_1120 = arith.addf %add3A_1110, %mul3A_1119 : vector<16xf32>
      %broadcast_in_dim3A_1121 = arith.constant 12 : i32
      %broadcast_in_dim3A_1122 = vector.broadcast %broadcast_in_dim3A_1121 : i32 to vector<16xi32>
      %gather3A_1123 = tpu.vector_load_idx %arg9[%broadcast_in_dim3A, %and3A_12, %broadcast_in_dim3A_1122, %and3A_991] : memref<6x4x16x128xf32, #tpu.memory_space<vmem>>[vector<16xi32>, vector<16xi32>, vector<16xi32>, vector<16xi32>], vector<16xf32>,
      %gather3A_1124 = tpu.vector_load_idx %arg10[%broadcast_in_dim3A, %and3A_12, %broadcast_in_dim3A_1122, %and3A_994] : memref<6x4x16x128xf32, #tpu.memory_space<vmem>>[vector<16xi32>, vector<16xi32>, vector<16xi32>, vector<16xi32>], vector<16xf32>,
      %mul3A_1125 = arith.mulf %gather3A_1123, %gather3A_1124 : vector<16xf32>
      %add3A_1126 = arith.addf %add3A_1116, %mul3A_1125 : vector<16xf32>
      %mul3A_1127 = arith.mulf %gather3A_1123, %gather3A_1123 : vector<16xf32>
      %add3A_1128 = arith.addf %add3A_1118, %mul3A_1127 : vector<16xf32>
      %mul3A_1129 = arith.mulf %gather3A_1124, %gather3A_1124 : vector<16xf32>
      %add3A_1130 = arith.addf %add3A_1120, %mul3A_1129 : vector<16xf32>
      %broadcast_in_dim3A_1131 = arith.constant 13 : i32
      %broadcast_in_dim3A_1132 = vector.broadcast %broadcast_in_dim3A_1131 : i32 to vector<16xi32>
      %gather3A_1133 = tpu.vector_load_idx %arg9[%broadcast_in_dim3A, %and3A_12, %broadcast_in_dim3A_1132, %and3A_991] : memref<6x4x16x128xf32, #tpu.memory_space<vmem>>[vector<16xi32>, vector<16xi32>, vector<16xi32>, vector<16xi32>], vector<16xf32>,
      %gather3A_1134 = tpu.vector_load_idx %arg10[%broadcast_in_dim3A, %and3A_12, %broadcast_in_dim3A_1132, %and3A_994] : memref<6x4x16x128xf32, #tpu.memory_space<vmem>>[vector<16xi32>, vector<16xi32>, vector<16xi32>, vector<16xi32>], vector<16xf32>,
      %mul3A_1135 = arith.mulf %gather3A_1133, %gather3A_1134 : vector<16xf32>
      %add3A_1136 = arith.addf %add3A_1126, %mul3A_1135 : vector<16xf32>
      %mul3A_1137 = arith.mulf %gather3A_1133, %gather3A_1133 : vector<16xf32>
      %add3A_1138 = arith.addf %add3A_1128, %mul3A_1137 : vector<16xf32>
      %mul3A_1139 = arith.mulf %gather3A_1134, %gather3A_1134 : vector<16xf32>
      %add3A_1140 = arith.addf %add3A_1130, %mul3A_1139 : vector<16xf32>
      %broadcast_in_dim3A_1141 = arith.constant 14 : i32
      %broadcast_in_dim3A_1142 = vector.broadcast %broadcast_in_dim3A_1141 : i32 to vector<16xi32>
      %gather3A_1143 = tpu.vector_load_idx %arg9[%broadcast_in_dim3A, %and3A_12, %broadcast_in_dim3A_1142, %and3A_991] : memref<6x4x16x128xf32, #tpu.memory_space<vmem>>[vector<16xi32>, vector<16xi32>, vector<16xi32>, vector<16xi32>], vector<16xf32>,
      %gather3A_1144 = tpu.vector_load_idx %arg10[%broadcast_in_dim3A, %and3A_12, %broadcast_in_dim3A_1142, %and3A_994] : memref<6x4x16x128xf32, #tpu.memory_space<vmem>>[vector<16xi32>, vector<16xi32>, vector<16xi32>, vector<16xi32>], vector<16xf32>,
      %mul3A_1145 = arith.mulf %gather3A_1143, %gather3A_1144 : vector<16xf32>
      %add3A_1146 = arith.addf %add3A_1136, %mul3A_1145 : vector<16xf32>
      %mul3A_1147 = arith.mulf %gather3A_1143, %gather3A_1143 : vector<16xf32>
      %add3A_1148 = arith.addf %add3A_1138, %mul3A_1147 : vector<16xf32>
      %mul3A_1149 = arith.mulf %gather3A_1144, %gather3A_1144 : vector<16xf32>
      %add3A_1150 = arith.addf %add3A_1140, %mul3A_1149 : vector<16xf32>
      %broadcast_in_dim3A_1151 = arith.constant 15 : i32
      %broadcast_in_dim3A_1152 = vector.broadcast %broadcast_in_dim3A_1151 : i32 to vector<16xi32>
      %gather3A_1153 = tpu.vector_load_idx %arg9[%broadcast_in_dim3A, %and3A_12, %broadcast_in_dim3A_1152, %and3A_991] : memref<6x4x16x128xf32, #tpu.memory_space<vmem>>[vector<16xi32>, vector<16xi32>, vector<16xi32>, vector<16xi32>], vector<16xf32>,
      %gather3A_1154 = tpu.vector_load_idx %arg10[%broadcast_in_dim3A, %and3A_12, %broadcast_in_dim3A_1152, %and3A_994] : memref<6x4x16x128xf32, #tpu.memory_space<vmem>>[vector<16xi32>, vector<16xi32>, vector<16xi32>, vector<16xi32>], vector<16xf32>,
      %mul3A_1155 = arith.mulf %gather3A_1153, %gather3A_1154 : vector<16xf32>
      %add3A_1156 = arith.addf %add3A_1146, %mul3A_1155 : vector<16xf32>
      %mul3A_1157 = arith.mulf %gather3A_1153, %gather3A_1153 : vector<16xf32>
      %add3A_1158 = arith.addf %add3A_1148, %mul3A_1157 : vector<16xf32>
      %mul3A_1159 = arith.mulf %gather3A_1154, %gather3A_1154 : vector<16xf32>
      %add3A_1160 = arith.addf %add3A_1150, %mul3A_1159 : vector<16xf32>
      %mul3A_1161 = arith.mulf %add3A_1158, %add3A_1160 : vector<16xf32>
      %bitcast3A = vector.bitcast %mul3A_1161 : vector<16xf32> to vector<16xi32>
      %shift_right_arithmetic3A_1162 = arith.constant 1 : i32
      %shift_right_arithmetic3A_1163 = vector.broadcast %shift_right_arithmetic3A_1162 : i32 to vector<16xi32>
      %shift_right_arithmetic3A_1164 = arith.shrsi %bitcast3A, %shift_right_arithmetic3A_1163 : vector<16xi32>
      %sub3A = arith.constant 1597463007 : i32
      %sub3A_1165 = vector.broadcast %sub3A : i32 to vector<16xi32>
      %sub3A_1166 = arith.subi %sub3A_1165, %shift_right_arithmetic3A_1164 : vector<16xi32>
      %bitcast3A_1167 = vector.bitcast %sub3A_1166 : vector<16xi32> to vector<16xf32>
      %mul3A_1168 = arith.constant 5.000000e-01 : f32
      %mul3A_1169 = vector.broadcast %mul3A_1168 : f32 to vector<16xf32>
      %mul3A_1170 = arith.mulf %mul3A_1161, %mul3A_1169 : vector<16xf32>
      %mul3A_1171 = arith.mulf %mul3A_1170, %bitcast3A_1167 : vector<16xf32>
      %mul3A_1172 = arith.mulf %mul3A_1171, %bitcast3A_1167 : vector<16xf32>
      %sub3A_1173 = arith.constant 1.500000e+00 : f32
      %sub3A_1174 = vector.broadcast %sub3A_1173 : f32 to vector<16xf32>
      %sub3A_1175 = arith.subf %sub3A_1174, %mul3A_1172 : vector<16xf32>
      %mul3A_1176 = arith.mulf %bitcast3A_1167, %sub3A_1175 : vector<16xf32>
      %mul3A_1177 = arith.mulf %mul3A_1170, %mul3A_1176 : vector<16xf32>
      %mul3A_1178 = arith.mulf %mul3A_1177, %mul3A_1176 : vector<16xf32>
      %sub3A_1179 = arith.constant 1.500000e+00 : f32
      %sub3A_1180 = vector.broadcast %sub3A_1179 : f32 to vector<16xf32>
      %sub3A_1181 = arith.subf %sub3A_1180, %mul3A_1178 : vector<16xf32>
      %mul3A_1182 = arith.mulf %mul3A_1176, %sub3A_1181 : vector<16xf32>
      %mul3A_1183 = arith.mulf %mul3A_1170, %mul3A_1182 : vector<16xf32>
      %mul3A_1184 = arith.mulf %mul3A_1183, %mul3A_1182 : vector<16xf32>
      %sub3A_1185 = arith.constant 1.500000e+00 : f32
      %sub3A_1186 = vector.broadcast %sub3A_1185 : f32 to vector<16xf32>
      %sub3A_1187 = arith.subf %sub3A_1186, %mul3A_1184 : vector<16xf32>
      %mul3A_1188 = arith.mulf %mul3A_1182, %sub3A_1187 : vector<16xf32>
      %mul3A_1189 = arith.mulf %add3A_1156, %mul3A_1188 : vector<16xf32>
      %mul3A_1190 = arith.constant 4 : i32
      %mul3A_1191 = arith.muli %scan3A_837, %mul3A_1190 : i32
      %swap3A = arith.index_cast %mul3A_1191 : i32 to index
      %swap3A_1192 = tpu.vector_load %arg11[%swap3A] {strides = array<i32>} : memref<528xf32, #tpu.memory_space<vmem>>, vector<16xf32>,
      tpu.vector_store %arg11[%swap3A], %mul3A_1189 {strides = array<i32>} : memref<528xf32, #tpu.memory_space<vmem>>, vector<16xf32>,
      %scan3A_1193 = arith.constant 0 : i32
      scf.yield %scan3A_1193 : i32
    }
    %scan3A_836 = arith.constant 128 : i32
    "tpu.region"() ({
      %run_scoped3A = tpu.sem_alloc : memref<!tpu.dma_semaphore, #tpu.memory_space<semaphore_mem>>
      %dma_start3A_837 = arith.constant 0 : i32
      %dma_start3A_838 = tpu.memref_slice %arg11[%dma_start3A_837] : memref<528xf32, #tpu.memory_space<vmem>> -> memref<512xf32, #tpu.memory_space<vmem>>
      %dma_start3A_839 = tpu.memref_slice %arg6[%mul3A_2] : memref<16384xf32, #tpu.memory_space<hbm>> -> memref<512xf32, #tpu.memory_space<hbm>>
      %dma_start3A_840 = tpu.memref_slice %arg6[%mul3A_2] : memref<16384xf32, #tpu.memory_space<hbm>> -> memref<512xf32, #tpu.memory_space<hbm>>
      %dma_start3A_841 = arith.constant 0 : i32
      %dma_start3A_842 = tpu.memref_slice %arg11[%dma_start3A_841] : memref<528xf32, #tpu.memory_space<vmem>> -> memref<512xf32, #tpu.memory_space<vmem>>
      tpu.enqueue_dma source(%dma_start3A_842 : memref<512xf32, #tpu.memory_space<vmem>>) target(%dma_start3A_840 : memref<512xf32, #tpu.memory_space<hbm>>) target_semaphore(%run_scoped3A : memref<!tpu.dma_semaphore, #tpu.memory_space<semaphore_mem>>)
      %dma_wait3A = arith.constant 0 : i32
      %dma_wait3A_843 = tpu.memref_slice %arg11[%dma_wait3A] : memref<528xf32, #tpu.memory_space<vmem>> -> memref<512xf32, #tpu.memory_space<vmem>>
      %dma_wait3A_844 = tpu.memref_slice %arg6[%mul3A_2] : memref<16384xf32, #tpu.memory_space<hbm>> -> memref<512xf32, #tpu.memory_space<hbm>>
      %dma_wait3A_845 = tpu.memref_slice %arg6[%mul3A_2] : memref<16384xf32, #tpu.memory_space<hbm>> -> memref<512xf32, #tpu.memory_space<hbm>>
      %dma_wait3A_846 = arith.constant 0 : i32
      %dma_wait3A_847 = tpu.memref_slice %arg11[%dma_wait3A_846] : memref<528xf32, #tpu.memory_space<vmem>> -> memref<512xf32, #tpu.memory_space<vmem>>
      tpu.wait_dma2 semaphore(%run_scoped3A : memref<!tpu.dma_semaphore, #tpu.memory_space<semaphore_mem>>) src(%dma_wait3A_847 : memref<512xf32, #tpu.memory_space<vmem>>) dst(%dma_wait3A_845 : memref<512xf32, #tpu.memory_space<hbm>>)
      tpu.yield
    }) : () -> ()
    return
  }
}

</mosaic_0001>

<sc_bundles>
// kernel: kernel.3.cloned.1.call-start
scs
__scs_entry_jumppad:
0x0: {  	(pc) =	sbr.rel $0x88, $3  }
0x1: {  	(tag) =	ssettag $0x0;
	lr =	simm.s32 $0x1  }
0x2: {  	[smem:$0x3F9D] =	sst lr;
	_ =	strace $0xD0000000  }
0x3: {  	_ = 	snop  }
0x4: {  	_ = 	snop  }
0x5: {  	_ = 	snop  }
0x6: {  	_ = 	snop  }
0x7: {  	_ = 	snop  }
__scs_overlays_trampoline_lowered:
0x8: {  	[smem:$0x3FAC] =	sst s0  }
0x9: {  	[smem:$0x3FAD] =	sst s1  }
0xa: {  	[smem:$0x3FAE] =	sst s2  }
0xb: {  	[smem:$0x3FAF] =	sst s3  }
0xc: {  	[smem:$0x3FB0] =	sst s4  }
0xd: {  	[smem:$0x3FB1] =	sst s5  }
0xe: {  	[smem:$0x3FB2] =	sst s6  }
0xf: {  	[smem:$0x3FB3] =	sst s7  }
0x10: {  	[smem:$0x3FB4] =	sst s8  }
0x11: {  	[smem:$0x3FB5] =	sst s9;
	s0 =	simm.s32 @!p0 $0x0  }
0x12: {  	s1 =	sld [smem:$0x3F9B];
	s0 =	simm.s32 @p0 $0x1  }
0x13: {  	[smem:$0x3FB6] =	sst s0;
	s0 =	simm.s32 @!p1 $0x0  }
0x14: {  	s2 =	sld [smem:$0x3F9A];
	s0 =	simm.s32 @p1 $0x1  }
0x15: {  	[smem:$0x3FB7] =	sst s0;
	s0 =	simm.s32 @!p2 $0x0  }
0x16: {  	s3 =	sld [smem:$0x3FDB];
	s0 =	simm.s32 @p2 $0x1  }
0x17: {  	s4 =	simm.s32 $0x1BF5;
	[smem:$0x3FB9] =	sst s0  }
0x18: {  	s0 =	sld [smem:$0x3F9C];
	_ =	swait.ge [sflag:s4], $0x0  }
0x19: {  	s7 =	sld [smem:$0x3F9D]  }
0x1a: {  	s8 =	sadd.s32 $0xFFFFE003, lr  }
0x1b: {  	s9 =	sadd.s32 $0xFFFFFEF7, lr;
	s5 =	simm.s32 $0xFFFFFFFF;
	p2 =	slt.u32 s8, $0xFFFFF086  }
0x1c: {  	p1 =	slt.u32 s9, $0xF7A;
	s5 =	simm.s32 @!p2 $0x0  }
0x1d: {  	s5 =	simm.s32 @p1 $0x1;
	p0 =	seq.s32 s7, s2  }
0x1e: {  	s7 =	smul.u32 @!p0 $0xF7A, s2;
	p2 =	seq.s32 @!p0 s5, $0x0  }
0x1f: {  	s9 =	smul.u32 $0xF7A, s1;
	s8 =	simm.s32 @!p0 $0x1BF5;
	p2 =	por !p2, p0  }
0x20: {  	[sflag:s8] =	ssyncset.s32 @!p0 $0xFFFFF086;
	s6 =	sadd.s32 @!p0 s3, s7;
	s7 =	simm.s32 @!p0 $0x108  }
0x21: {  	s3 =	sadd.s32 s3, s9;
	s6 =	sadd.s32 @!p0 $0x88, s6;
	s7 =	simm.s32 @p2 $0x1082  }
0x22: {  	[simem:s7], [sflag:s8] =	dma.local @!p0 [hbm:s6], $0xF7A  }
0x23: {  	s9 =	sor.u32 $0xD0000000, s2;
	s6 =	simm.s32 $0x108;
	_ =	swait.ge @!p0 [sflag:s8], $0x0  }
0x24: {  	s3 =	sadd.s32 $0x88, s3;
	s6 =	simm.s32 @!p1 $0x1082;
	[sflag:s4] =	ssyncset.s32 $0xFFFFF086  }
0x25: {  	[simem:s6], [sflag:s4] =	dma.local [hbm:s3], $0xF7A  }
0x26: {  	[smem:$0x3F9D] =	sst s1;
	(tag) =	ssettag s2;
	_ =	strace s9  }
0x27: {  	s1 =	sld [smem:$0x3FAD]  }
0x28: {  	s2 =	sld [smem:$0x3FAE]  }
0x29: {  	s4 =	sld [smem:$0x3FB0]  }
0x2a: {  	p0 =	seq.s32 s5, $0x0;
	s5 =	sld [smem:$0x3FB1]  }
0x2b: {  	s6 =	sld [smem:$0x3FB2]  }
0x2c: {  	s7 =	sld [smem:$0x3FB3]  }
0x2d: {  	s3 =	simm.s32 $0x108;
	s8 =	sld [smem:$0x3FB4]  }
0x2e: {  	s3 =	simm.s32 @!p0 $0x1082;
	s9 =	sld [smem:$0x3FB5]  }
0x2f: {  	lr =	sadd.s32 s0, s3;
	s0 =	sld [smem:$0x3FAC]  }
0x30: {  	s3 =	sld [smem:$0x3FAF]  }
0x31: {  	[smem:$0x3FB8] =	sst s10  }
0x32: {  	s10 =	sld [smem:$0x3FB6];
	_ =	sdelay $0x3  }
0x33: {  	p0 =	seq.s32 s10, $0x1;
	s10 =	sld [smem:$0x3FB8];
	_ =	sdelay $0x3  }
0x34: {  	[smem:$0x3FB8] =	sst s10  }
0x35: {  	s10 =	sld [smem:$0x3FB7];
	_ =	sdelay $0x3  }
0x36: {  	p1 =	seq.s32 s10, $0x1;
	s10 =	sld [smem:$0x3FB8];
	_ =	sdelay $0x3  }
0x37: {  	[smem:$0x3FB8] =	sst s10  }
0x38: {  	s10 =	sld [smem:$0x3FB9]  }
0x39: {  	_ = 	snop;
	(pc) =	sbr.ind lr, $3  }
0x3a: {  	_ = 	snop  }
0x3b: {  	_ = 	snop  }
0x3c: {  	p2 =	seq.s32 s10, $0x1;
	s10 =	sld [smem:$0x3FB8]  }
0x3d: {  	_ =	shalt  }
0x3e: {  	_ =	shalt  }
0x3f: {  	_ =	shalt  }
0x40: {  	_ =	shalt  }
0x41: {  	_ =	shalt  }
0x42: {  	_ =	shalt  }
0x43: {  	_ =	shalt  }
0x44: {  	_ =	shalt  }
0x45: {  	_ =	shalt  }
0x46: {  	_ =	shalt  }
0x47: {  	_ =	shalt  }
0x48: {  	_ =	shalt  }
0x49: {  	_ =	shalt  }
0x4a: {  	_ =	shalt  }
0x4b: {  	_ =	shalt  }
0x4c: {  	_ =	shalt  }
0x4d: {  	_ =	shalt  }
0x4e: {  	_ =	shalt  }
0x4f: {  	_ =	shalt  }
0x50: {  	_ =	shalt  }
0x51: {  	_ =	shalt  }
0x52: {  	_ =	shalt  }
0x53: {  	_ =	shalt  }
0x54: {  	_ =	shalt  }
0x55: {  	_ =	shalt  }
0x56: {  	_ =	shalt  }
0x57: {  	_ =	shalt  }
0x58: {  	_ =	shalt  }
0x59: {  	_ =	shalt  }
0x5a: {  	_ =	shalt  }
0x5b: {  	_ =	shalt  }
0x5c: {  	_ =	shalt  }
0x5d: {  	_ =	shalt  }
0x5e: {  	_ =	shalt  }
0x5f: {  	_ =	shalt  }
0x60: {  	_ =	shalt  }
0x61: {  	_ =	shalt  }
0x62: {  	_ =	shalt  }
0x63: {  	_ =	shalt  }
0x64: {  	_ =	shalt  }
0x65: {  	_ =	shalt  }
0x66: {  	_ =	shalt  }
0x67: {  	_ =	shalt  }
0x68: {  	_ =	shalt  }
0x69: {  	_ =	shalt  }
0x6a: {  	_ =	shalt  }
0x6b: {  	_ =	shalt  }
0x6c: {  	_ =	shalt  }
0x6d: {  	_ =	shalt  }
0x6e: {  	_ =	shalt  }
0x6f: {  	_ =	shalt  }
0x70: {  	_ =	shalt  }
0x71: {  	_ =	shalt  }
0x72: {  	_ =	shalt  }
0x73: {  	_ =	shalt  }
0x74: {  	_ =	shalt  }
0x75: {  	_ =	shalt  }
0x76: {  	_ =	shalt  }
0x77: {  	_ =	shalt  }
0x78: {  	_ =	shalt  }
0x79: {  	_ =	shalt  }
0x7a: {  	_ =	shalt  }
0x7b: {  	_ =	shalt  }
0x7c: {  	_ =	shalt  }
0x7d: {  	_ =	shalt  }
0x7e: {  	_ =	shalt  }
0x7f: {  	_ =	shalt  }
0x80: {  	_ =	shalt  }
0x81: {  	_ =	shalt  }
0x82: {  	_ =	shalt  }
0x83: {  	_ =	shalt  }
0x84: {  	_ =	shalt  }
0x85: {  	_ =	shalt  }
0x86: {  	_ =	shalt  }
0x87: {  	_ =	shalt  }
.Lfunc_end0:
.L_simem_size_0:
called_computation_lowered:
.L_overlay_start_0:
0x88: {  	s2 =	sld [smem:$0x3FD9]  }
0x89: {  	s3 =	sld [smem:$0x3FFE];
	_ =	sdelay $0x1  }
0x8a: {  	s1 =	srdreg.scid  }
0x8b: {  	s0 =	sand.u32 $0x1, s1  }
0x8c: {  	s18 =	sshll.u32 s0, $0xA;
	s2 =	sadd.s32 s3, s2  }
0x8d: {  	s2 =	sadd.s32 s2, s18  }
0x8e: {  	[smem:$0x3FC4] =	sst s2  }
0x8f: {  	_ = 	snop  }
0x90: {  	s2 =	sld [smem:$0x3FC9]  }
0x91: {  	s19 =	sld [smem:$0x3FC8]  }
0x92: {  	s4 =	sld [smem:$0x3FC7]  }
0x93: {  	s5 =	sld [smem:$0x3FC6]  }
0x94: {  	s6 =	sld [smem:$0x3FD0];
	(tm) =	ssettm $0x1  }
0x95: {  	s7 =	sld [smem:$0x3FFB];
	_ =	sdelay $0x3  }
0x96: {  	_ =	strace s7  }
0x97: {  	s7 =	sld [smem:$0x3FFC];
	_ =	sdelay $0x3  }
0x98: {  	_ =	strace s7  }
0x99: {  	s7 =	sld [smem:$0x3FFD];
	_ =	sdelay $0x3  }
0x9a: {  	_ =	strace s7  }
0x9b: {  	_ =	strace $0x8FFFFFFF  }
0x9c: {  	s20 =	sld [smem:$0x3FDB];
	_ =	sdelay $0x1  }
0x9d: {  	s8 =	simm.s32 $_scs_section_size  }
0x9e: {  	s9 =	simm.s32 $_size__tile_overlayer_lowered;
	s10 =	simm.s32 $_tile_overlayer_lowered  }
0x9f: {  	s23 =	simm.s32 $0x1BFF;
	s22 =	sshll.u32 s10, $0x1;
	s7 =	sadd.s32 s8, s20  }
0xa0: {  	s11 =	simm.s32 $0x0;
	s21 =	sshll.u32 s9, $0x1;
	s9 =	sadd.s32 s22, s7  }
0xa1: {  	[timem:s11], [sflag:s23] =	dma.local [hbm:s9], s21  }
0xa2: {  	_ =	swait.ge [sflag:s23], s21  }
0xa3: {  	s8 =	ssub.s32 $0x0, s21;
	[sflag:s23] =	ssyncset.done $0x0  }
0xa4: {  	[sflag:s23] =	ssyncadd.s32 s8;
	_ =	sdelay $0x1  }
0xa5: {  	s24 =	simm.s32 $0x1B8B  }
0xa6: {  	_ =	swait.ge [sflag:s24], $0x1  }
0xa7: {  	[sflag:s24] =	ssyncset.done $0x0  }
0xa8: {  	s25 =	simm.s32 $0x1B8E;
	[sflag:s24] =	ssyncadd.s32 $0xFFFFFFFF  }
0xa9: {  	s26 =	simm.s32 $execute0_lowered;
	[smem:$0x3FD2] =	sst s25  }
0xaa: {  	s8 =	sshll.u32 s26, $0x1;
	_ =	strace $0x80000046;
	[dreg:$0x1] =	wrdreg $0xFFFFFFFF  }
0xab: {  	s28 =	simm.s32 $_size_execute0_lowered;
	s7 =	sadd.s32 s7, s8;
	[dreg:$0x0] =	wrdreg $0x0  }
0xac: {  	s8 =	sshll.u32 s28, $0x1;
	[dreg:$0x2] =	wrdreg s7  }
0xad: {  	[dreg:$0x3] =	wrdreg s8  }
0xae: {  	[dreg:$0x4] =	wrdreg $0xC0  }
0xaf: {  	_ =	task [dreg:s11], $0x5FFFF  }
0xb0: {  	[dreg:$0x1] =	wrdreg $0xFFFFFFFF  }
0xb1: {  	[dreg:$0x0] =	wrdreg $0x60  }
0xb2: {  	[dreg:$0x2] =	wrdreg s2  }
0xb3: {  	[dreg:$0x3] =	wrdreg s19  }
0xb4: {  	[dreg:$0x4] =	wrdreg s4  }
0xb5: {  	[dreg:$0x5] =	wrdreg s5  }
0xb6: {  	[dreg:$0x6] =	wrdreg s6  }
0xb7: {  	[dreg:$0x7] =	wrdreg $0x9  }
0xb8: {  	_ =	task.clear_ibuf [dreg:s11], $0x8FFFF;
	_ =	strace $0x90000046  }
0xb9: {  	s29 =	simm.s32 $0x9;
	_ =	strace $0x80000048  }
0xba: {  	_ =	swait.ge [sflag:s29], $0x1  }
0xbb: {  	[sflag:s29] =	ssyncadd.s32 $0xFFFFFFFF  }
0xbc: {  	_ =	strace $0x90000048  }
0xbd: {  	_ =	sfence  }
0xbe: {  	s30 =	sld [smem:$0x0];
	_ =	sdelay $0x2  }
0xbf: {  	s31 =	sshll.u32 s1, $0xD;
	s1 =	sshrl.u32 s1, $0x2  }
0xc0: {  	s3 =	sand.u32 $0x4000, s31;
	s1 =	sadd.s32 s1, s30  }
0xc1: {  	s0 =	sor.u32 s3, s0;
	s1 =	sshll.u32 s1, $0x11  }
0xc2: {  	s0 =	sor.u32 s1, s0  }
0xc3: {  	s0 =	sadd.s32 $0x8F2B, s0  }
0xc4: {  	[sflag:s0] =	ssyncadd.remote.s32 $0x1  }
0xc5: {  	_ =	sfence.sel $0xFFFF  }
0xc6: {  	[dreg:$0x0] =	wrdreg $0xFFFFFFFF;
	(pc) =	sbr.abs _section_cstart, $3  }
0xc7: {  	[dreg:$0x1] =	wrdreg $0xFFFFFFFF  }
0xc8: {  	_ =	task.clear_ibuf [dreg:s11], $0x2FFFF;
	_ =	strace $0x9FFFFFFF  }
0xc9: {  	(tm) =	ssettm $0x7FFFFFFF  }
tec
execute0_lowered:
.L_overlay_start_1:
0x0: {  	(tag) =	ssettag $0x1  }
0x1: {  	s0 =	rddreg [dreg:$0x0]  }
0x2: {  	s4 =	rddreg [dreg:$0x1]  }
0x3: {  	s1 =	rddreg [dreg:$0x2]  }
0x4: {  	s2 =	rddreg [dreg:$0x3]  }
0x5: {  	s5 =	rddreg [dreg:$0x4]  }
0x6: {  	s3 =	simm.s32 $0x0;
	s6 =	srdreg.scid;
	s9 =	stileid.u32;
	v0 =	vlaneseq.u32  }
0x7: {  	s11 =	simm.s32 $0x7A1400;
	s12 =	simm.s32 $0x400;
	s13 =	simm.s32 $0xC400;
	v0 =	vand.u32 $0x3, v0  }
0x8: {  	s14 =	simm.s32 $0x1;
	s15 =	simm.s32 $0x2;
	s17 =	simm.s32 $0x0;
	v1 =	vor.u32 $0x4, v0;
	v2 =	vmul.u32 $0x800, v0  }
0x9: {  	[smem:$0x7FF] =	sst s3;
	s6 =	sand.u32 $0x1, s6;
	s9 =	sshll.u32 s9, $0x7;
	v3 =	vor.u32 $0x8, v0;
	v4 =	vor.u32 $0xC, v0;
	v5 =	vor.u32 $0x10, v0  }
0xa: {  	_ =	strace $0x80000047;
	s7 =	ssub.s32 $0x2, s6;
	s6 =	sshll.u32 s6, $0x6;
	v6 =	vor.u32 $0x80, v2;
	v7 =	vor.u32 $0x100, v2;
	v8 =	vor.u32 $0x180, v2  }
0xb: {  	s8 =	sshrl.u32 s7, $0x1;
	s30 =	sor.u32 s6, s9;
	s10 =	sadd.s32 s5, s6;
	v9 =	vor.u32 $0x200, v2;
	v10 =	vor.u32 $0x280, v2;
	v11 =	vor.u32 $0x300, v2  }
0xc: {  	s8 =	ssub.s32 s7, s8;
	s0 =	sadd.s32 s0, s30;
	s31 =	sadd.s32 s4, s30;
	v12 =	vor.u32 $0x380, v2;
	v13 =	vor.u32 $0x400, v2;
	v14 =	vor.u32 $0x480, v2  }
0xd: {  	s7 =	sadd.s32 s9, s10;
	s9 =	simm.s32 $0x3;
	v15 =	vor.u32 $0x500, v2;
	v16 =	vor.u32 $0x580, v2;
	v17 =	vor.u32 $0x600, v2;
	[dreg:$0x6] =	wrdreg s0  }
0xe: {  	s10 =	simm.s32 $0x200;
	v18 =	vor.u32 $0x680, v2;
	v19 =	vor.u32 $0x700, v2;
	v20 =	vor.u32 $0x780, v2;
	[dreg:$0x7] =	wrdreg s31;
	s8 =	smax.u32 s8, $0x1  }
.LBB2_1:
0xf: {  	s0 =	rddreg [dreg:$0x6]  }
0x10: {  	[tilespmem:s3], [sflag:$0x3] =	stream.linear.gather [hbm4b:s0+s3], $0x200, $0x38;
	[tilespmem:$0x18680] =	vst v63  }
0x11: {  	_ =	swait.ge [sflag:s9], $0x200  }
0x12: {  	[sflag:s9] =	ssyncset.done $0x0  }
0x13: {  	s6 =	rddreg [dreg:$0x7];
	[sflag:s9] =	ssyncadd.s32 $0xFFFFFE00  }
0x14: {  	[tilespmem:s10], [sflag:$0x3] =	stream.linear.gather [hbm4b:s6+s3], $0x200, $0x38;
	[tilespmem:$0x18680] =	vst v63  }
0x15: {  	_ =	swait.ge [sflag:s9], $0x200  }
0x16: {  	[sflag:s9] =	ssyncset.done $0x0  }
0x17: {  	[sflag:s9] =	ssyncadd.s32 $0xFFFFFE00  }
0x18: {  	v21 =	vld.idx.msk [tilespmem:v0+s3+$0x0], $0xffff;
	_ =	sdelay $0x1  }
0x19: {  	v22 =	vld.idx.msk [tilespmem:v0+s10+$0x0], $0xffff;
	_ =	sdelay $0x2  }
0x1a: {  	v21 =	vand.u32 $0xFFFFFF80, v21  }
0x1b: {  	v21 =	vadd.s32 s1, v21  }
0x1c: {  	v22 =	vand.u32 $0xFFFFFF80, v22;
	(v2sf) =	vpush v21, $0x0  }
0x1d: {  	v22 =	vadd.s32 s2, v22  }
0x1e: {  	(v2sf) =	vpush v22, $0x0;
	_ =	sdelay $0x1  }
0x1f: {  	(v2sf) =	vpush v21, $0x1;
	_ =	sdelay $0x1  }
0x20: {  	(v2sf) =	vpush v22, $0x1;
	_ =	sdelay $0x1  }
0x21: {  	(v2sf) =	vpush v21, $0x2;
	_ =	sdelay $0x1  }
0x22: {  	(v2sf) =	vpush v22, $0x2;
	_ =	sdelay $0x1  }
0x23: {  	(v2sf) =	vpush v21, $0x3;
	_ =	sdelay $0x1  }
0x24: {  	(v2sf) =	vpush v22, $0x3  }
0x25: {  	s18 =	spop (v2sf)  }
0x26: {  	[tilespmem:s12], [sflag:$0x1] =	stream.strided.gather [hbm4b:s18+s12], $0x800, s11, s12, $0x38;
	[tilespmem:$0x18680] =	vst v63  }
0x27: {  	s16 =	spop (v2sf)  }
0x28: {  	[tilespmem:s13], [sflag:$0x2] =	stream.strided.gather [hbm4b:s16+s12], $0x800, s11, s12, $0x38;
	[tilespmem:$0x18680] =	vst v63  }
0x29: {  	s20 =	simm.s32 $0xC00;
	s19 =	spop (v2sf)  }
0x2a: {  	[tilespmem:s20], [sflag:$0x1] =	stream.strided.gather [hbm4b:s19+s12], $0x800, s11, s12, $0x38;
	[tilespmem:$0x18680] =	vst v63  }
0x2b: {  	s22 =	simm.s32 $0xCC00;
	s21 =	spop (v2sf)  }
0x2c: {  	[tilespmem:s22], [sflag:$0x2] =	stream.strided.gather [hbm4b:s21+s12], $0x800, s11, s12, $0x38;
	[tilespmem:$0x18680] =	vst v63  }
0x2d: {  	s24 =	simm.s32 $0x1400;
	s23 =	spop (v2sf)  }
0x2e: {  	[tilespmem:s24], [sflag:$0x1] =	stream.strided.gather [hbm4b:s23+s12], $0x800, s11, s12, $0x38;
	[tilespmem:$0x18680] =	vst v63  }
0x2f: {  	s26 =	simm.s32 $0xD400;
	s25 =	spop (v2sf)  }
0x30: {  	[tilespmem:s26], [sflag:$0x2] =	stream.strided.gather [hbm4b:s25+s12], $0x800, s11, s12, $0x38;
	[tilespmem:$0x18680] =	vst v63  }
0x31: {  	s29 =	simm.s32 $0x1C00;
	s28 =	spop (v2sf)  }
0x32: {  	[tilespmem:s29], [sflag:$0x1] =	stream.strided.gather [hbm4b:s28+s12], $0x800, s11, s12, $0x38;
	[tilespmem:$0x18680] =	vst v63  }
0x33: {  	s31 =	simm.s32 $0xDC00;
	s30 =	spop (v2sf)  }
0x34: {  	[tilespmem:s31], [sflag:$0x2] =	stream.strided.gather [hbm4b:s30+s12], $0x800, s11, s12, $0x38;
	[tilespmem:$0x18680] =	vst v63  }
0x35: {  	v21 =	vld.idx.msk [tilespmem:v1+s3+$0x0], $0xffff;
	_ =	sdelay $0x1  }
0x36: {  	v22 =	vld.idx.msk [tilespmem:v1+s10+$0x0], $0xffff;
	_ =	sdelay $0x2  }
0x37: {  	v21 =	vand.u32 $0xFFFFFF80, v21  }
0x38: {  	v21 =	vadd.s32 s1, v21  }
0x39: {  	v22 =	vand.u32 $0xFFFFFF80, v22;
	(v2sf) =	vpush v21, $0x0  }
0x3a: {  	v22 =	vadd.s32 s2, v22  }
0x3b: {  	(v2sf) =	vpush v22, $0x0;
	_ =	sdelay $0x1  }
0x3c: {  	(v2sf) =	vpush v21, $0x1;
	_ =	sdelay $0x1  }
0x3d: {  	(v2sf) =	vpush v22, $0x1;
	_ =	sdelay $0x1  }
0x3e: {  	(v2sf) =	vpush v21, $0x2;
	_ =	sdelay $0x1  }
0x3f: {  	(v2sf) =	vpush v22, $0x2;
	_ =	sdelay $0x1  }
0x40: {  	(v2sf) =	vpush v21, $0x3;
	_ =	sdelay $0x1  }
0x41: {  	(v2sf) =	vpush v22, $0x3  }
0x42: {  	s5 =	simm.s32 $0x2400;
	s4 =	spop (v2sf)  }
0x43: {  	[tilespmem:s5], [sflag:$0x1] =	stream.strided.gather [hbm4b:s4+s12], $0x800, s11, s12, $0x38;
	[tilespmem:$0x18680] =	vst v63  }
0x44: {  	s16 =	simm.s32 $0xE400;
	s6 =	spop (v2sf)  }
0x45: {  	[tilespmem:s16], [sflag:$0x2] =	stream.strided.gather [hbm4b:s6+s12], $0x800, s11, s12, $0x38;
	[tilespmem:$0x18680] =	vst v63  }
0x46: {  	s20 =	simm.s32 $0x2C00;
	s19 =	spop (v2sf)  }
0x47: {  	[tilespmem:s20], [sflag:$0x1] =	stream.strided.gather [hbm4b:s19+s12], $0x800, s11, s12, $0x38;
	[tilespmem:$0x18680] =	vst v63  }
0x48: {  	s22 =	simm.s32 $0xEC00;
	s21 =	spop (v2sf)  }
0x49: {  	[tilespmem:s22], [sflag:$0x2] =	stream.strided.gather [hbm4b:s21+s12], $0x800, s11, s12, $0x38;
	[tilespmem:$0x18680] =	vst v63  }
0x4a: {  	s24 =	simm.s32 $0x3400;
	s23 =	spop (v2sf)  }
0x4b: {  	[tilespmem:s24], [sflag:$0x1] =	stream.strided.gather [hbm4b:s23+s12], $0x800, s11, s12, $0x38;
	[tilespmem:$0x18680] =	vst v63  }
0x4c: {  	s26 =	simm.s32 $0xF400;
	s25 =	spop (v2sf)  }
0x4d: {  	[tilespmem:s26], [sflag:$0x2] =	stream.strided.gather [hbm4b:s25+s12], $0x800, s11, s12, $0x38;
	[tilespmem:$0x18680] =	vst v63  }
0x4e: {  	s29 =	simm.s32 $0x3C00;
	s28 =	spop (v2sf)  }
0x4f: {  	[tilespmem:s29], [sflag:$0x1] =	stream.strided.gather [hbm4b:s28+s12], $0x800, s11, s12, $0x38;
	[tilespmem:$0x18680] =	vst v63  }
0x50: {  	s31 =	simm.s32 $0xFC00;
	s30 =	spop (v2sf)  }
0x51: {  	[tilespmem:s31], [sflag:$0x2] =	stream.strided.gather [hbm4b:s30+s12], $0x800, s11, s12, $0x38;
	[tilespmem:$0x18680] =	vst v63  }
0x52: {  	v21 =	vld.idx.msk [tilespmem:v3+s3+$0x0], $0xffff;
	_ =	sdelay $0x1  }
0x53: {  	v22 =	vld.idx.msk [tilespmem:v3+s10+$0x0], $0xffff;
	_ =	sdelay $0x2  }
0x54: {  	v21 =	vand.u32 $0xFFFFFF80, v21  }
0x55: {  	v21 =	vadd.s32 s1, v21  }
0x56: {  	v22 =	vand.u32 $0xFFFFFF80, v22;
	(v2sf) =	vpush v21, $0x0  }
0x57: {  	v22 =	vadd.s32 s2, v22  }
0x58: {  	(v2sf) =	vpush v22, $0x0;
	_ =	sdelay $0x1  }
0x59: {  	(v2sf) =	vpush v21, $0x1;
	_ =	sdelay $0x1  }
0x5a: {  	(v2sf) =	vpush v22, $0x1;
	_ =	sdelay $0x1  }
0x5b: {  	(v2sf) =	vpush v21, $0x2;
	_ =	sdelay $0x1  }
0x5c: {  	(v2sf) =	vpush v22, $0x2;
	_ =	sdelay $0x1  }
0x5d: {  	(v2sf) =	vpush v21, $0x3;
	_ =	sdelay $0x1  }
0x5e: {  	(v2sf) =	vpush v22, $0x3  }
0x5f: {  	s5 =	simm.s32 $0x4400;
	s4 =	spop (v2sf)  }
0x60: {  	[tilespmem:s5], [sflag:$0x1] =	stream.strided.gather [hbm4b:s4+s12], $0x800, s11, s12, $0x38;
	[tilespmem:$0x18680] =	vst v63  }
0x61: {  	s16 =	simm.s32 $0x10400;
	s6 =	spop (v2sf)  }
0x62: {  	[tilespmem:s16], [sflag:$0x2] =	stream.strided.gather [hbm4b:s6+s12], $0x800, s11, s12, $0x38;
	[tilespmem:$0x18680] =	vst v63  }
0x63: {  	s20 =	simm.s32 $0x4C00;
	s19 =	spop (v2sf)  }
0x64: {  	[tilespmem:s20], [sflag:$0x1] =	stream.strided.gather [hbm4b:s19+s12], $0x800, s11, s12, $0x38;
	[tilespmem:$0x18680] =	vst v63  }
0x65: {  	s22 =	simm.s32 $0x10C00;
	s21 =	spop (v2sf)  }
0x66: {  	[tilespmem:s22], [sflag:$0x2] =	stream.strided.gather [hbm4b:s21+s12], $0x800, s11, s12, $0x38;
	[tilespmem:$0x18680] =	vst v63  }
0x67: {  	s24 =	simm.s32 $0x5400;
	s23 =	spop (v2sf)  }
0x68: {  	[tilespmem:s24], [sflag:$0x1] =	stream.strided.gather [hbm4b:s23+s12], $0x800, s11, s12, $0x38;
	[tilespmem:$0x18680] =	vst v63  }
0x69: {  	s26 =	simm.s32 $0x11400;
	s25 =	spop (v2sf)  }
0x6a: {  	[tilespmem:s26], [sflag:$0x2] =	stream.strided.gather [hbm4b:s25+s12], $0x800, s11, s12, $0x38;
	[tilespmem:$0x18680] =	vst v63  }
0x6b: {  	s29 =	simm.s32 $0x5C00;
	s28 =	spop (v2sf)  }
0x6c: {  	[tilespmem:s29], [sflag:$0x1] =	stream.strided.gather [hbm4b:s28+s12], $0x800, s11, s12, $0x38;
	[tilespmem:$0x18680] =	vst v63  }
0x6d: {  	s31 =	simm.s32 $0x11C00;
	s30 =	spop (v2sf)  }
0x6e: {  	[tilespmem:s31], [sflag:$0x2] =	stream.strided.gather [hbm4b:s30+s12], $0x800, s11, s12, $0x38;
	[tilespmem:$0x18680] =	vst v63  }
0x6f: {  	v21 =	vld.idx.msk [tilespmem:v4+s3+$0x0], $0xffff;
	_ =	sdelay $0x1  }
0x70: {  	v22 =	vld.idx.msk [tilespmem:v4+s10+$0x0], $0xffff;
	_ =	sdelay $0x2  }
0x71: {  	v21 =	vand.u32 $0xFFFFFF80, v21  }
0x72: {  	v21 =	vadd.s32 s1, v21  }
0x73: {  	v22 =	vand.u32 $0xFFFFFF80, v22;
	(v2sf) =	vpush v21, $0x0  }
0x74: {  	v22 =	vadd.s32 s2, v22  }
0x75: {  	(v2sf) =	vpush v22, $0x0;
	_ =	sdelay $0x1  }
0x76: {  	(v2sf) =	vpush v21, $0x1;
	_ =	sdelay $0x1  }
0x77: {  	(v2sf) =	vpush v22, $0x1;
	_ =	sdelay $0x1  }
0x78: {  	(v2sf) =	vpush v21, $0x2;
	_ =	sdelay $0x1  }
0x79: {  	(v2sf) =	vpush v22, $0x2;
	_ =	sdelay $0x1  }
0x7a: {  	(v2sf) =	vpush v21, $0x3;
	_ =	sdelay $0x1  }
0x7b: {  	(v2sf) =	vpush v22, $0x3  }
0x7c: {  	s5 =	simm.s32 $0x6400;
	s4 =	spop (v2sf)  }
0x7d: {  	[tilespmem:s5], [sflag:$0x1] =	stream.strided.gather [hbm4b:s4+s12], $0x800, s11, s12, $0x38;
	[tilespmem:$0x18680] =	vst v63  }
0x7e: {  	s16 =	simm.s32 $0x12400;
	s6 =	spop (v2sf)  }
0x7f: {  	[tilespmem:s16], [sflag:$0x2] =	stream.strided.gather [hbm4b:s6+s12], $0x800, s11, s12, $0x38;
	[tilespmem:$0x18680] =	vst v63  }
0x80: {  	s20 =	simm.s32 $0x6C00;
	s19 =	spop (v2sf)  }
0x81: {  	[tilespmem:s20], [sflag:$0x1] =	stream.strided.gather [hbm4b:s19+s12], $0x800, s11, s12, $0x38;
	[tilespmem:$0x18680] =	vst v63  }
0x82: {  	s22 =	simm.s32 $0x12C00;
	s21 =	spop (v2sf)  }
0x83: {  	[tilespmem:s22], [sflag:$0x2] =	stream.strided.gather [hbm4b:s21+s12], $0x800, s11, s12, $0x38;
	[tilespmem:$0x18680] =	vst v63  }
0x84: {  	s24 =	simm.s32 $0x7400;
	s23 =	spop (v2sf)  }
0x85: {  	[tilespmem:s24], [sflag:$0x1] =	stream.strided.gather [hbm4b:s23+s12], $0x800, s11, s12, $0x38;
	[tilespmem:$0x18680] =	vst v63  }
0x86: {  	s26 =	simm.s32 $0x13400;
	s25 =	spop (v2sf)  }
0x87: {  	[tilespmem:s26], [sflag:$0x2] =	stream.strided.gather [hbm4b:s25+s12], $0x800, s11, s12, $0x38;
	[tilespmem:$0x18680] =	vst v63  }
0x88: {  	s29 =	simm.s32 $0x7C00;
	s28 =	spop (v2sf)  }
0x89: {  	[tilespmem:s29], [sflag:$0x1] =	stream.strided.gather [hbm4b:s28+s12], $0x800, s11, s12, $0x38;
	[tilespmem:$0x18680] =	vst v63  }
0x8a: {  	s31 =	simm.s32 $0x13C00;
	s30 =	spop (v2sf)  }
0x8b: {  	[tilespmem:s31], [sflag:$0x2] =	stream.strided.gather [hbm4b:s30+s12], $0x800, s11, s12, $0x38;
	[tilespmem:$0x18680] =	vst v63  }
0x8c: {  	v21 =	vld.idx.msk [tilespmem:v5+s3+$0x0], $0xffff;
	_ =	sdelay $0x2  }
0x8d: {  	v22 =	vld.idx.msk [tilespmem:v5+s10+$0x0], $0xffff;
	_ =	sdelay $0x1  }
0x8e: {  	v21 =	vand.u32 $0xFFFFFF80, v21  }
0x8f: {  	v21 =	vadd.s32 s1, v21  }
0x90: {  	(v2sf) =	vpush v21, $0x0  }
0x91: {  	v22 =	vand.u32 $0xFFFFFF80, v22  }
0x92: {  	v22 =	vadd.s32 s2, v22  }
0x93: {  	(v2sf) =	vpush v22, $0x0;
	_ =	sdelay $0x1  }
0x94: {  	(v2sf) =	vpush v21, $0x1;
	_ =	sdelay $0x1  }
0x95: {  	(v2sf) =	vpush v22, $0x1;
	_ =	sdelay $0x1  }
0x96: {  	(v2sf) =	vpush v21, $0x2;
	_ =	sdelay $0x1  }
0x97: {  	(v2sf) =	vpush v22, $0x2;
	_ =	sdelay $0x1  }
0x98: {  	(v2sf) =	vpush v21, $0x3;
	_ =	sdelay $0x1  }
0x99: {  	s0 =	spop (v2sf);
	(v2sf) =	vpush v22, $0x3  }
0x9a: {  	s4 =	simm.s32 $0x8400  }
0x9b: {  	[tilespmem:s4], [sflag:$0x1] =	stream.strided.gather [hbm4b:s0+s12], $0x800, s11, s12, $0x38;
	[tilespmem:$0x18680] =	vst v63  }
0x9c: {  	s6 =	simm.s32 $0x14400;
	s5 =	spop (v2sf)  }
0x9d: {  	[tilespmem:s6], [sflag:$0x2] =	stream.strided.gather [hbm4b:s5+s12], $0x800, s11, s12, $0x38;
	[tilespmem:$0x18680] =	vst v63  }
0x9e: {  	s19 =	simm.s32 $0x8C00;
	s16 =	spop (v2sf)  }
0x9f: {  	[tilespmem:s19], [sflag:$0x1] =	stream.strided.gather [hbm4b:s16+s12], $0x800, s11, s12, $0x38;
	[tilespmem:$0x18680] =	vst v63  }
0xa0: {  	s21 =	simm.s32 $0x14C00;
	s20 =	spop (v2sf)  }
0xa1: {  	[tilespmem:s21], [sflag:$0x2] =	stream.strided.gather [hbm4b:s20+s12], $0x800, s11, s12, $0x38;
	[tilespmem:$0x18680] =	vst v63  }
0xa2: {  	p0 =	por $0x0, $0x0;
	s23 =	simm.s32 $0x9400;
	s22 =	spop (v2sf)  }
0xa3: {  	v21 =	vlaneseq.u32 @!p0;
	[tilespmem:s23], [sflag:$0x1] =	stream.strided.gather [hbm4b:s22+s12], $0x800, s11, s12, $0x38;
	[tilespmem:$0x18680] =	vst v63  }
0xa4: {  	s18 =	simm.s32 $0x14;
	s25 =	simm.s32 $0x15400;
	v21 =	vand.u32 @!p0 $0x3, v21;
	s24 =	spop (v2sf)  }
0xa5: {  	v21 =	vor.u32 @!p0 s18, v21;
	[tilespmem:s25], [sflag:$0x2] =	stream.strided.gather [hbm4b:s24+s12], $0x800, s11, s12, $0x38;
	[tilespmem:$0x18680] =	vst v63  }
0xa6: {  	s26 =	simm.s32 $0x9C00;
	s19 =	spop (v2sf)  }
0xa7: {  	[tilespmem:s26], [sflag:$0x1] =	stream.strided.gather [hbm4b:s19+s12], $0x800, s11, s12, $0x38;
	[tilespmem:$0x18680] =	vst v63  }
0xa8: {  	s29 =	simm.s32 $0x15C00;
	s18 =	simm.s32 @!p0 $0x200;
	s28 =	spop (v2sf)  }
0xa9: {  	[tilespmem:s29], [sflag:$0x2] =	stream.strided.gather [hbm4b:s28+s12], $0x800, s11, s12, $0x38;
	[tilespmem:$0x18680] =	vst v63  }
0xaa: {  	s19 =	simm.s32 @!p0 $0x0;
	v22 =	vld.idx.msk @!p0 [tilespmem:v21+s18+$0x0], $0xffff  }
0xab: {  	v21 =	vld.idx.msk @!p0 [tilespmem:v21+s19+$0x0], $0xffff;
	_ =	sdelay $0x3  }
0xac: {  	v22 =	vand.u32 @!p0 $0xFFFFFF80, v22  }
0xad: {  	v21 =	vand.u32 @!p0 $0xFFFFFF80, v21;
	v22 =	vadd.s32 @!p0 s2, v22  }
0xae: {  	v21 =	vadd.s32 @!p0 s1, v21;
	(v2sf) =	vpush @!p0 v22, $0x0  }
0xaf: {  	(v2sf) =	vpush @!p0 v21, $0x0;
	_ =	sdelay $0x3  }
0xb0: {  	(v2sf) =	vpush @!p0 v21, $0x1  }
0xb1: {  	s18 =	simm.s32 @!p0 $0x5  }
0xb2: {  	s18 =	smul.u32 @!p0 $0xAB, s18;
	(v2sf) =	vpush @!p0 v22, $0x1;
	_ =	sdelay $0x1  }
0xb3: {  	s18 =	sshrl.u32 @!p0 s18, $0xA;
	(v2sf) =	vpush @!p0 v21, $0x2  }
0xb4: {  	s18 =	sand.u32 @!p0 $0x3F, s18  }
0xb5: {  	s18 =	smul.u32 @!p0 $0x6, s18;
	(v2sf) =	vpush @!p0 v22, $0x2;
	_ =	sdelay $0x1  }
0xb6: {  	s18 =	ssub.s32 @!p0 $0x5, s18;
	(v2sf) =	vpush @!p0 v21, $0x3  }
0xb7: {  	s18 =	sand.u32 @!p0 $0xFF, s18  }
0xb8: {  	s21 =	simm.s32 @!p0 $0x400;
	s18 =	sshll.u32 @!p0 s18, $0xD;
	(v2sf) =	vpush @!p0 v22, $0x3;
	s20 =	spop @!p0 (v2sf)  }
0xb9: {  	s22 =	simm.s32 @!p0 $0x7A1400;
	s19 =	sor.u32 @!p0 $0x400, s18;
	s23 =	spop @!p0 (v2sf)  }
0xba: {  	[tilespmem:s19], [sflag:$0x1] =	stream.strided.gather @!p0 [hbm4b:s23+s21], $0x800, s22, s21, $0x38;
	[tilespmem:$0x18680] =	vst v63  }
0xbb: {  	s19 =	sadd.s32 @!p0 $0xC400, s18  }
0xbc: {  	[tilespmem:s19], [sflag:$0x2] =	stream.strided.gather @!p0 [hbm4b:s20+s21], $0x800, s22, s21, $0x38;
	[tilespmem:$0x18680] =	vst v63  }
0xbd: {  	s19 =	sor.u32 @!p0 $0xC00, s18;
	s20 =	spop @!p0 (v2sf)  }
0xbe: {  	[tilespmem:s19], [sflag:$0x1] =	stream.strided.gather @!p0 [hbm4b:s20+s21], $0x800, s22, s21, $0x38;
	[tilespmem:$0x18680] =	vst v63  }
0xbf: {  	s19 =	sadd.s32 @!p0 $0xCC00, s18;
	s20 =	spop @!p0 (v2sf)  }
0xc0: {  	[tilespmem:s19], [sflag:$0x2] =	stream.strided.gather @!p0 [hbm4b:s20+s21], $0x800, s22, s21, $0x38;
	[tilespmem:$0x18680] =	vst v63  }
0xc1: {  	s19 =	sor.u32 @!p0 $0x1400, s18;
	s20 =	spop @!p0 (v2sf)  }
0xc2: {  	[tilespmem:s19], [sflag:$0x1] =	stream.strided.gather @!p0 [hbm4b:s20+s21], $0x800, s22, s21, $0x38;
	[tilespmem:$0x18680] =	vst v63  }
0xc3: {  	s19 =	sadd.s32 @!p0 $0xD400, s18;
	s20 =	spop @!p0 (v2sf)  }
0xc4: {  	[tilespmem:s19], [sflag:$0x2] =	stream.strided.gather @!p0 [hbm4b:s20+s21], $0x800, s22, s21, $0x38;
	[tilespmem:$0x18680] =	vst v63  }
0xc5: {  	s19 =	sor.u32 @!p0 $0x1C00, s18;
	s20 =	spop @!p0 (v2sf)  }
0xc6: {  	[tilespmem:s19], [sflag:$0x1] =	stream.strided.gather @!p0 [hbm4b:s20+s21], $0x800, s22, s21, $0x38;
	[tilespmem:$0x18680] =	vst v63  }
0xc7: {  	s18 =	sadd.s32 @!p0 $0xDC00, s18;
	s19 =	spop @!p0 (v2sf)  }
0xc8: {  	[tilespmem:s18], [sflag:$0x2] =	stream.strided.gather @!p0 [hbm4b:s19+s21], $0x800, s22, s21, $0x38;
	[tilespmem:$0x18680] =	vst v63  }
0xc9: {  	_ =	swait.ge [sflag:s14], $0x800  }
0xca: {  	[sflag:s14] =	ssyncset.done $0x0  }
0xcb: {  	[sflag:s14] =	ssyncadd.s32 $0xFFFFF800  }
0xcc: {  	_ =	swait.ge [sflag:s15], $0x800  }
0xcd: {  	[sflag:s15] =	ssyncset.done $0x0  }
0xce: {  	[sflag:s15] =	ssyncadd.s32 $0xFFFFF800  }
0xcf: {  	_ =	swait.ge [sflag:s14], $0x800  }
0xd0: {  	[sflag:s14] =	ssyncset.done $0x0  }
0xd1: {  	[sflag:s14] =	ssyncadd.s32 $0xFFFFF800  }
0xd2: {  	_ =	swait.ge [sflag:s15], $0x800  }
0xd3: {  	[sflag:s15] =	ssyncset.done $0x0  }
0xd4: {  	[sflag:s15] =	ssyncadd.s32 $0xFFFFF800  }
0xd5: {  	_ =	swait.ge [sflag:s14], $0x800  }
0xd6: {  	[sflag:s14] =	ssyncset.done $0x0  }
0xd7: {  	[sflag:s14] =	ssyncadd.s32 $0xFFFFF800  }
0xd8: {  	_ =	swait.ge [sflag:s15], $0x800  }
0xd9: {  	[sflag:s15] =	ssyncset.done $0x0  }
0xda: {  	[sflag:s15] =	ssyncadd.s32 $0xFFFFF800  }
0xdb: {  	s30 =	simm.s32 $0x0;
	_ =	swait.ge [sflag:s14], $0x800  }
0xdc: {  	v21 =	vor.u32 s30, v0;
	[sflag:s14] =	ssyncset.done $0x0  }
0xdd: {  	s31 =	smul.u32 $0xAB, s3;
	[sflag:s14] =	ssyncadd.s32 $0xFFFFF800  }
0xde: {  	_ =	swait.ge [sflag:s15], $0x800  }
0xdf: {  	s18 =	sshrl.u32 s31, $0xA;
	[sflag:s15] =	ssyncset.done $0x0  }
0xe0: {  	s18 =	sand.u32 $0x3F, s18;
	[sflag:s15] =	ssyncadd.s32 $0xFFFFF800  }
0xe1: {  	s18 =	smul.u32 $0x6, s18;
	v22 =	vld.idx.msk [tilespmem:v21+s3+$0x0], $0xffff  }
0xe2: {  	v21 =	vld.idx.msk [tilespmem:v21+s10+$0x0], $0xffff  }
0xe3: {  	s18 =	ssub.s32 $0x0, s18  }
0xe4: {  	s18 =	sand.u32 $0xFF, s18  }
0xe5: {  	s18 =	sshll.u32 s18, $0xD  }
0xe6: {  	v23 =	vor.u32 s18, v2;
	v22 =	vand.u32 $0x7F, v22  }
0xe7: {  	v21 =	vand.u32 $0x7F, v21;
	v24 =	vor.u32 v23, v22  }
0xe8: {  	v25 =	vor.u32 s18, v6;
	v23 =	vor.u32 v23, v21  }
0xe9: {  	v26 =	vor.u32 v25, v21  }
0xea: {  	v27 =	vor.u32 s18, v7;
	v25 =	vor.u32 v25, v22  }
0xeb: {  	v29 =	vor.u32 v27, v21  }
0xec: {  	v30 =	vor.u32 s18, v8;
	v27 =	vor.u32 v27, v22;
	v24 =	vld.idx.msk [tilespmem:v24+s12+$0x0], $0xffff  }
0xed: {  	v28 =	vor.u32 s18, v9;
	v31 =	vor.u32 s18, v18;
	v34 =	vor.u32 v30, v21;
	v23 =	vld.idx.msk [tilespmem:v23+s13+$0x0], $0xffff  }
0xee: {  	v32 =	vor.u32 s18, v19;
	v33 =	vor.u32 s18, v20;
	v30 =	vor.u32 v30, v22;
	v26 =	vld.idx.msk [tilespmem:v26+s13+$0x0], $0xffff  }
0xef: {  	v35 =	vor.u32 s18, v15;
	v36 =	vor.u32 s18, v16;
	v39 =	vor.u32 v28, v21;
	v25 =	vld.idx.msk [tilespmem:v25+s12+$0x0], $0xffff  }
0xf0: {  	v37 =	vor.u32 s18, v17;
	v41 =	vor.u32 s18, v10;
	v28 =	vor.u32 v28, v22;
	v29 =	vld.idx.msk [tilespmem:v29+s13+$0x0], $0xffff  }
0xf1: {  	v38 =	vor.u32 s18, v11;
	v40 =	vor.u32 s18, v13;
	v44 =	vor.u32 v41, v21;
	v27 =	vld.idx.msk [tilespmem:v27+s12+$0x0], $0xffff  }
0xf2: {  	v42 =	vor.u32 s18, v14;
	v43 =	vor.u32 s18, v12;
	v41 =	vor.u32 v41, v22;
	v34 =	vld.idx.msk [tilespmem:v34+s13+$0x0], $0xffff  }
0xf3: {  	v45 =	vor.u32 v38, v22;
	v38 =	vor.u32 v38, v21;
	v46 =	vor.u32 v43, v22;
	v30 =	vld.idx.msk [tilespmem:v30+s12+$0x0], $0xffff  }
0xf4: {  	v43 =	vor.u32 v43, v21;
	v39 =	vld.idx.msk [tilespmem:v39+s13+$0x0], $0xffff;
	v47 =	vmul.f32 v23, v23;
	v48 =	vmul.f32 v26, v26  }
0xf5: {  	v51 =	vor.u32 v40, v21;
	v28 =	vld.idx.msk [tilespmem:v28+s12+$0x0], $0xffff;
	v49 =	vmul.f32 v24, v24;
	v50 =	vmul.f32 v25, v25  }
0xf6: {  	v40 =	vor.u32 v40, v22;
	v52 =	vor.u32 v42, v22;
	v44 =	vld.idx.msk [tilespmem:v44+s13+$0x0], $0xffff;
	v62 =	vmul.f32 v29, v29  }
0xf7: {  	v41 =	vld.idx.msk [tilespmem:v41+s12+$0x0], $0xffff;
	v63 =	vmul.f32 v27, v27;
	v47 =	vadd.f32 v48, v47;
	v49 =	vadd.f32 v50, v49  }
0xf8: {  	v42 =	vor.u32 v42, v21;
	v53 =	vor.u32 v35, v22;
	v38 =	vld.idx.msk [tilespmem:v38+s13+$0x0], $0xffff;
	v56 =	vmul.f32 v34, v34  }
0xf9: {  	v45 =	vld.idx.msk [tilespmem:v45+s12+$0x0], $0xffff;
	v57 =	vmul.f32 v30, v30;
	v47 =	vadd.f32 v62, v47;
	v49 =	vadd.f32 v63, v49  }
0xfa: {  	v35 =	vor.u32 v35, v21;
	v54 =	vor.u32 v36, v21;
	v43 =	vld.idx.msk [tilespmem:v43+s13+$0x0], $0xffff;
	v58 =	vmul.f32 v39, v39  }
0xfb: {  	v46 =	vld.idx.msk [tilespmem:v46+s12+$0x0], $0xffff;
	v59 =	vmul.f32 v28, v28;
	v47 =	vadd.f32 v56, v47;
	v49 =	vadd.f32 v57, v49  }
0xfc: {  	v36 =	vor.u32 v36, v22;
	v55 =	vor.u32 v37, v22;
	v51 =	vld.idx.msk [tilespmem:v51+s13+$0x0], $0xffff;
	v60 =	vmul.f32 v44, v44  }
0xfd: {  	v40 =	vld.idx.msk [tilespmem:v40+s12+$0x0], $0xffff;
	v61 =	vmul.f32 v41, v41;
	v47 =	vadd.f32 v58, v47;
	v49 =	vadd.f32 v59, v49  }
0xfe: {  	v37 =	vor.u32 v37, v21;
	v42 =	vld.idx.msk [tilespmem:v42+s13+$0x0], $0xffff;
	v23 =	vmul.f32 v23, v24;
	v62 =	vmul.f32 v38, v38  }
0xff: {  	v52 =	vld.idx.msk [tilespmem:v52+s12+$0x0], $0xffff;
	v63 =	vmul.f32 v45, v45;
	v47 =	vadd.f32 v60, v47;
	v49 =	vadd.f32 v61, v49  }
0x100: {  	v35 =	vld.idx.msk [tilespmem:v35+s13+$0x0], $0xffff;
	v56 =	vor.u32 v31, v22;
	v57 =	vmul.f32 v43, v43;
	v31 =	vor.u32 v31, v21  }
0x101: {  	v54 =	vld.idx.msk [tilespmem:v54+s13+$0x0], $0xffff;
	v58 =	vmul.f32 v46, v46;
	v47 =	vadd.f32 v62, v47;
	v49 =	vadd.f32 v63, v49  }
0x102: {  	v24 =	vld.idx.msk [tilespmem:v53+s12+$0x0], $0xffff;
	v59 =	vmul.f32 v51, v51;
	v60 =	vor.u32 v32, v21;
	v61 =	vmul.f32 v40, v40  }
0x103: {  	v36 =	vld.idx.msk [tilespmem:v36+s12+$0x0], $0xffff;
	v32 =	vor.u32 v32, v22;
	v47 =	vadd.f32 v57, v47;
	v49 =	vadd.f32 v58, v49  }
0x104: {  	v37 =	vld.idx.msk [tilespmem:v37+s13+$0x0], $0xffff;
	v22 =	vor.u32 v33, v22;
	v21 =	vor.u32 v33, v21;
	v62 =	vmul.f32 v42, v42  }
0x105: {  	v33 =	vld.idx.msk [tilespmem:v55+s12+$0x0], $0xffff;
	v63 =	vmul.f32 v52, v52;
	v47 =	vadd.f32 v59, v47;
	v49 =	vadd.f32 v61, v49  }
0x106: {  	v25 =	vmul.f32 v26, v25;
	v23 =	vadd.f32 $0.0e+00, v23;
	v31 =	vld.idx.msk [tilespmem:v31+s13+$0x0], $0xffff;
	v57 =	vmul.f32 v35, v35  }
0x107: {  	v26 =	vld.idx.msk [tilespmem:v56+s12+$0x0], $0xffff;
	v58 =	vmul.f32 v24, v24;
	v47 =	vadd.f32 v62, v47;
	v49 =	vadd.f32 v63, v49  }
0x108: {  	v27 =	vmul.f32 v29, v27;
	v23 =	vadd.f32 v25, v23;
	v29 =	vld.idx.msk [tilespmem:v60+s13+$0x0], $0xffff;
	v60 =	vmul.f32 v36, v36  }
0x109: {  	v25 =	vld.idx.msk [tilespmem:v32+s12+$0x0], $0xffff;
	v59 =	vmul.f32 v54, v54;
	v47 =	vadd.f32 v57, v47;
	v49 =	vadd.f32 v58, v49  }
0x10a: {  	v30 =	vmul.f32 v34, v30;
	v34 =	vld.idx.msk [tilespmem:v21+s13+$0x0], $0xffff;
	v62 =	vmul.f32 v37, v37  }
0x10b: {  	v22 =	vld.idx.msk [tilespmem:v22+s12+$0x0], $0xffff;
	v63 =	vmul.f32 v33, v33;
	v61 =	vadd.f32 v59, v47;
	v21 =	vadd.f32 v60, v49  }
0x10c: {  	v23 =	vadd.f32 v27, v23;
	v50 =	vmul.f32 v26, v26  }
0x10d: {  	v49 =	vmul.f32 v31, v31;
	v27 =	vadd.f32 v62, v61;
	v21 =	vadd.f32 v63, v21  }
0x10e: {  	v28 =	vmul.f32 v39, v28;
	v23 =	vadd.f32 v30, v23;
	v53 =	vmul.f32 v29, v29  }
0x10f: {  	v55 =	vmul.f32 v25, v25;
	v27 =	vadd.f32 v49, v27;
	v21 =	vadd.f32 v50, v21  }
0x110: {  	v23 =	vadd.f32 v28, v23;
	v56 =	vmul.f32 v44, v41;
	v57 =	vmul.f32 v22, v22  }
0x111: {  	v58 =	vmul.f32 v34, v34;
	v27 =	vadd.f32 v53, v27;
	v21 =	vadd.f32 v55, v21  }
0x112: {  	v23 =	vadd.f32 v56, v23;
	v59 =	vmul.f32 v38, v45  }
0x113: {  	v21 =	vadd.f32 v57, v21;
	v27 =	vadd.f32 v58, v27  }
0x114: {  	v60 =	vmul.f32 v43, v46;
	v23 =	vadd.f32 v59, v23  }
0x115: {  	v21 =	vmul.f32 v27, v21  }
0x116: {  	v28 =	vadd.f32 v60, v23  }
0x117: {  	v27 =	vmul.f32 v51, v40;
	v61 =	vshra.s32 v21, $0x1;
	v23 =	vmul.f32 $5.000000000e-01, v21  }
0x118: {  	v62 =	vsub.s32 $0x5F3759DF, v61  }
0x119: {  	v21 =	vmul.f32 v42, v52;
	v27 =	vadd.f32 v27, v28;
	v30 =	vmul.f32 v62, v23;
	_ =	sdelay $0x1  }
0x11a: {  	v24 =	vmul.f32 v35, v24;
	v21 =	vadd.f32 v21, v27;
	v27 =	vmul.f32 v62, v30;
	_ =	sdelay $0x1  }
0x11b: {  	v63 =	vmul.f32 v54, v36;
	v21 =	vadd.f32 v24, v21;
	v24 =	vsub.f32 $1.500000000e+00, v27;
	_ =	sdelay $0x1  }
0x11c: {  	v27 =	vmul.f32 v37, v33;
	v21 =	vadd.f32 v63, v21;
	v24 =	vmul.f32 v62, v24;
	_ =	sdelay $0x1  }
0x11d: {  	v26 =	vmul.f32 v31, v26;
	v21 =	vadd.f32 v27, v21;
	v27 =	vmul.f32 v24, v23;
	_ =	sdelay $0x1  }
0x11e: {  	p1 =	por $0x0, $0x0;
	v25 =	vmul.f32 v29, v25;
	v21 =	vadd.f32 v26, v21;
	v26 =	vmul.f32 v27, v24  }
0x11f: {  	s24 =	simm.s32 @!p1 $0x6  }
0x120: {  	s25 =	smul.u32 @!p1 $0xAB, s24;
	s20 =	simm.s32 $0x18;
	s19 =	simm.s32 $0x1;
	v21 =	vadd.f32 v25, v21;
	v27 =	vlaneseq.u32 @!p1;
	v25 =	vsub.f32 $1.500000000e+00, v26  }
0x121: {  	s22 =	simm.s32 $0x2;
	s21 =	simm.s32 $0x18400;
	s18 =	simm.s32 $0x18400;
	v22 =	vmul.f32 v34, v22;
	v26 =	vand.u32 @!p1 $0x3, v27  }
.LBB2_2:
0x122: {  	v26 =	vor.u32 @!p1 s20, v26;
	v24 =	vmul.f32 v25, v24;
	s18 =	sadd.s32 $0x4, s18;
	s23 =	smov.u32 s22;
	s22 =	sadd.s32 $0x1, s22  }
0x123: {  	p0 =	sne.s32 s22, $0x80;
	s25 =	sshrl.u32 @!p1 s25, $0xA  }
0x124: {  	s25 =	sand.u32 @!p1 $0x3F, s25;
	v23 =	vmul.f32 v24, v23  }
0x125: {  	s25 =	smul.u32 @!p1 $0x6, s25  }
0x126: {  	s0 =	simm.s32 @!p1 $0x0;
	v23 =	vmul.f32 v23, v24  }
0x127: {  	s24 =	ssub.s32 @!p1 s24, s25  }
0x128: {  	s4 =	simm.s32 @!p1 $0x200;
	s24 =	sand.u32 @!p1 $0xFF, s24;
	v23 =	vsub.f32 $1.500000000e+00, v23  }
0x129: {  	s24 =	sshll.u32 @!p1 s24, $0xD  }
0x12a: {  	v21 =	vadd.f32 v22, v21;
	s16 =	sor.u32 @!p1 $0x400, s24;
	s31 =	sadd.s32 @!p1 $0xC400, s24;
	s29 =	sor.u32 @!p1 $0xC00, s24;
	v22 =	vmul.f32 v23, v24  }
0x12b: {  	s30 =	sadd.s32 @!p1 $0xCC00, s24;
	s28 =	sor.u32 @!p1 $0x1400, s24;
	s26 =	sadd.s32 @!p1 $0xD400, s24  }
0x12c: {  	s25 =	sor.u32 @!p1 $0x1C00, s24;
	s24 =	sadd.s32 @!p1 $0xDC00, s24;
	v21 =	vmul.f32 v22, v21;
	_ =	sdelay $0x1  }
0x12d: {  	[tilespmem:s21+$0x0] =	vst v21;
	s21 =	smov.u32 s18  }
0x12e: {  	v21 =	vld.idx.msk @!p1 [tilespmem:v26+s4+$0x0], $0xffff  }
0x12f: {  	v22 =	vld.idx.msk @!p1 [tilespmem:v26+s0+$0x0], $0xffff;
	_ =	sdelay $0x4  }
0x130: {  	v21 =	vand.u32 @!p1 $0xFFFFFF80, v21  }
0x131: {  	v22 =	vand.u32 @!p1 $0xFFFFFF80, v22;
	v21 =	vadd.s32 @!p1 s2, v21  }
0x132: {  	v22 =	vadd.s32 @!p1 s1, v22;
	(v2sf) =	vpush @!p1 v21, $0x0  }
0x133: {  	(v2sf) =	vpush @!p1 v22, $0x0;
	_ =	sdelay $0x1  }
0x134: {  	(v2sf) =	vpush @!p1 v22, $0x1;
	_ =	sdelay $0x1  }
0x135: {  	(v2sf) =	vpush @!p1 v21, $0x1;
	_ =	sdelay $0x1  }
0x136: {  	(v2sf) =	vpush @!p1 v22, $0x2;
	_ =	sdelay $0x1  }
0x137: {  	(v2sf) =	vpush @!p1 v21, $0x2  }
0x138: {  	s4 =	simm.s32 @!p1 $0x7A1400;
	s0 =	simm.s32 @!p1 $0x400  }
0x139: {  	(v2sf) =	vpush @!p1 v22, $0x3;
	_ =	sdelay $0x1  }
0x13a: {  	(v2sf) =	vpush @!p1 v21, $0x3;
	_ =	sdelay $0x1  }
0x13b: {  	s5 =	spop @!p1 (v2sf)  }
0x13c: {  	s6 =	spop @!p1 (v2sf)  }
0x13d: {  	[tilespmem:s16], [sflag:$0x1] =	stream.strided.gather @!p1 [hbm4b:s6+s0], $0x800, s4, s0, $0x38;
	[tilespmem:$0x18680] =	vst v63  }
0x13e: {  	s6 =	spop @!p1 (v2sf)  }
0x13f: {  	[tilespmem:s31], [sflag:$0x2] =	stream.strided.gather @!p1 [hbm4b:s5+s0], $0x800, s4, s0, $0x38;
	[tilespmem:$0x18680] =	vst v63  }
0x140: {  	s5 =	spop @!p1 (v2sf)  }
0x141: {  	[tilespmem:s29], [sflag:$0x1] =	stream.strided.gather @!p1 [hbm4b:s6+s0], $0x800, s4, s0, $0x38;
	[tilespmem:$0x18680] =	vst v63  }
0x142: {  	s6 =	spop @!p1 (v2sf)  }
0x143: {  	[tilespmem:s30], [sflag:$0x2] =	stream.strided.gather @!p1 [hbm4b:s5+s0], $0x800, s4, s0, $0x38;
	[tilespmem:$0x18680] =	vst v63  }
0x144: {  	s5 =	spop @!p1 (v2sf)  }
0x145: {  	[tilespmem:s28], [sflag:$0x1] =	stream.strided.gather @!p1 [hbm4b:s6+s0], $0x800, s4, s0, $0x38;
	[tilespmem:$0x18680] =	vst v63  }
0x146: {  	s6 =	spop @!p1 (v2sf)  }
0x147: {  	[tilespmem:s26], [sflag:$0x2] =	stream.strided.gather @!p1 [hbm4b:s5+s0], $0x800, s4, s0, $0x38;
	[tilespmem:$0x18680] =	vst v63  }
0x148: {  	s5 =	spop @!p1 (v2sf)  }
0x149: {  	[tilespmem:s25], [sflag:$0x1] =	stream.strided.gather @!p1 [hbm4b:s6+s0], $0x800, s4, s0, $0x38;
	[tilespmem:$0x18680] =	vst v63  }
0x14a: {  	_ = 	snop  }
0x14b: {  	[tilespmem:s24], [sflag:$0x2] =	stream.strided.gather @!p1 [hbm4b:s5+s0], $0x800, s4, s0, $0x38;
	[tilespmem:$0x18680] =	vst v63  }
0x14c: {  	_ =	swait.ge [sflag:s14], $0x800  }
0x14d: {  	[sflag:s14] =	ssyncset.done $0x0  }
0x14e: {  	[sflag:s14] =	ssyncadd.s32 $0xFFFFF800  }
0x14f: {  	_ =	swait.ge [sflag:s15], $0x800  }
0x150: {  	[sflag:s15] =	ssyncset.done $0x0  }
0x151: {  	[sflag:s15] =	ssyncadd.s32 $0xFFFFF800  }
0x152: {  	_ =	swait.ge [sflag:s14], $0x800  }
0x153: {  	[sflag:s14] =	ssyncset.done $0x0  }
0x154: {  	[sflag:s14] =	ssyncadd.s32 $0xFFFFF800  }
0x155: {  	_ =	swait.ge [sflag:s15], $0x800  }
0x156: {  	[sflag:s15] =	ssyncset.done $0x0  }
0x157: {  	[sflag:s15] =	ssyncadd.s32 $0xFFFFF800  }
0x158: {  	s0 =	sadd.s32 $0xFFFFFFEC, s20;
	_ =	swait.ge [sflag:s14], $0x800  }
0x159: {  	v21 =	vor.u32 s0, v0;
	[sflag:s14] =	ssyncset.done $0x0  }
0x15a: {  	[sflag:s14] =	ssyncadd.s32 $0xFFFFF800  }
0x15b: {  	s0 =	smul.u32 $0xAB, s19;
	_ =	swait.ge [sflag:s15], $0x800  }
0x15c: {  	[sflag:s15] =	ssyncset.done $0x0  }
0x15d: {  	s0 =	sshrl.u32 s0, $0xA;
	[sflag:s15] =	ssyncadd.s32 $0xFFFFF800  }
0x15e: {  	s0 =	sand.u32 $0x3F, s0;
	_ =	swait.ge [sflag:s14], $0x800  }
0x15f: {  	s0 =	smul.u32 $0x6, s0;
	[sflag:s14] =	ssyncset.done $0x0  }
0x160: {  	[sflag:s14] =	ssyncadd.s32 $0xFFFFF800  }
0x161: {  	s0 =	ssub.s32 s19, s0;
	s19 =	smov.u32 s23;
	_ =	swait.ge [sflag:s15], $0x800  }
0x162: {  	s0 =	sand.u32 $0xFF, s0;
	[sflag:s15] =	ssyncset.done $0x0  }
0x163: {  	s0 =	sshll.u32 s0, $0xD;
	[sflag:s15] =	ssyncadd.s32 $0xFFFFF800  }
0x164: {  	v23 =	vor.u32 s0, v2;
	v24 =	vor.u32 s0, v9;
	v22 =	vld.idx.msk [tilespmem:v21+s3+$0x0], $0xffff  }
0x165: {  	v25 =	vor.u32 s0, v6;
	v26 =	vor.u32 s0, v8;
	v21 =	vld.idx.msk [tilespmem:v21+s10+$0x0], $0xffff  }
0x166: {  	v27 =	vor.u32 s0, v7  }
0x167: {  	v28 =	vor.u32 s0, v18;
	v29 =	vor.u32 s0, v19;
	v30 =	vor.u32 s0, v20  }
0x168: {  	v31 =	vor.u32 s0, v15;
	v32 =	vor.u32 s0, v16;
	v33 =	vor.u32 s0, v17  }
0x169: {  	v34 =	vor.u32 s0, v11;
	v35 =	vor.u32 s0, v13;
	v36 =	vor.u32 s0, v14  }
0x16a: {  	v37 =	vor.u32 s0, v10;
	v38 =	vor.u32 s0, v12;
	v22 =	vand.u32 $0x7F, v22  }
0x16b: {  	v21 =	vand.u32 $0x7F, v21;
	v39 =	vor.u32 v23, v22;
	v40 =	vor.u32 v25, v22  }
0x16c: {  	v23 =	vor.u32 v23, v21;
	v25 =	vor.u32 v25, v21;
	v41 =	vor.u32 v27, v21  }
0x16d: {  	v42 =	vor.u32 v26, v22;
	v27 =	vor.u32 v27, v22;
	v26 =	vor.u32 v26, v21  }
0x16e: {  	v43 =	vor.u32 v24, v22;
	v24 =	vor.u32 v24, v21;
	v44 =	vor.u32 v37, v21  }
0x16f: {  	v45 =	vor.u32 v34, v22;
	v37 =	vor.u32 v37, v22;
	v34 =	vor.u32 v34, v21  }
0x170: {  	v46 =	vor.u32 v38, v22;
	v38 =	vor.u32 v38, v21;
	v47 =	vor.u32 v35, v21;
	v39 =	vld.idx.msk [tilespmem:v39+s12+$0x0], $0xffff  }
0x171: {  	v48 =	vor.u32 v36, v22;
	v35 =	vor.u32 v35, v22;
	v36 =	vor.u32 v36, v21;
	v23 =	vld.idx.msk [tilespmem:v23+s13+$0x0], $0xffff  }
0x172: {  	v49 =	vor.u32 v31, v22;
	v31 =	vor.u32 v31, v21;
	v50 =	vor.u32 v32, v21;
	v25 =	vld.idx.msk [tilespmem:v25+s13+$0x0], $0xffff  }
0x173: {  	v51 =	vor.u32 v33, v22;
	v32 =	vor.u32 v32, v22;
	v33 =	vor.u32 v33, v21;
	v40 =	vld.idx.msk [tilespmem:v40+s12+$0x0], $0xffff  }
0x174: {  	v52 =	vor.u32 v28, v22;
	v28 =	vor.u32 v28, v21;
	v53 =	vor.u32 v29, v21;
	v41 =	vld.idx.msk [tilespmem:v41+s13+$0x0], $0xffff  }
0x175: {  	v29 =	vor.u32 v29, v22;
	v22 =	vor.u32 v30, v22;
	v21 =	vor.u32 v30, v21;
	v27 =	vld.idx.msk [tilespmem:v27+s12+$0x0], $0xffff  }
0x176: {  	v26 =	vld.idx.msk [tilespmem:v26+s13+$0x0], $0xffff  }
0x177: {  	v30 =	vmul.f32 v23, v39;
	v42 =	vld.idx.msk [tilespmem:v42+s12+$0x0], $0xffff  }
0x178: {  	v23 =	vmul.f32 v23, v23;
	v54 =	vmul.f32 v25, v25;
	v24 =	vld.idx.msk [tilespmem:v24+s13+$0x0], $0xffff  }
0x179: {  	v39 =	vmul.f32 v39, v39;
	v30 =	vadd.f32 $0.0e+00, v30;
	v55 =	vmul.f32 v40, v40;
	v43 =	vld.idx.msk [tilespmem:v43+s12+$0x0], $0xffff  }
0x17a: {  	v25 =	vmul.f32 v25, v40;
	v23 =	vadd.f32 v54, v23;
	v40 =	vmul.f32 v41, v41;
	v44 =	vld.idx.msk [tilespmem:v44+s13+$0x0], $0xffff  }
0x17b: {  	v39 =	vadd.f32 v55, v39;
	v41 =	vmul.f32 v41, v27;
	v27 =	vmul.f32 v27, v27;
	v37 =	vld.idx.msk [tilespmem:v37+s12+$0x0], $0xffff  }
0x17c: {  	v25 =	vadd.f32 v25, v30;
	v23 =	vadd.f32 v40, v23;
	v30 =	vmul.f32 v26, v26;
	v34 =	vld.idx.msk [tilespmem:v34+s13+$0x0], $0xffff  }
0x17d: {  	v27 =	vadd.f32 v27, v39;
	v26 =	vmul.f32 v26, v42;
	v39 =	vmul.f32 v42, v42;
	v40 =	vld.idx.msk [tilespmem:v45+s12+$0x0], $0xffff  }
0x17e: {  	v25 =	vadd.f32 v41, v25;
	v23 =	vadd.f32 v30, v23;
	v30 =	vmul.f32 v24, v24;
	v38 =	vld.idx.msk [tilespmem:v38+s13+$0x0], $0xffff  }
0x17f: {  	v27 =	vadd.f32 v39, v27;
	v24 =	vmul.f32 v24, v43;
	v39 =	vmul.f32 v43, v43;
	v41 =	vld.idx.msk [tilespmem:v46+s12+$0x0], $0xffff  }
0x180: {  	v25 =	vadd.f32 v26, v25;
	v23 =	vadd.f32 v30, v23;
	v26 =	vmul.f32 v44, v44;
	v30 =	vld.idx.msk [tilespmem:v47+s13+$0x0], $0xffff  }
0x181: {  	v27 =	vadd.f32 v39, v27;
	v39 =	vmul.f32 v44, v37;
	v37 =	vmul.f32 v37, v37;
	v35 =	vld.idx.msk [tilespmem:v35+s12+$0x0], $0xffff  }
0x182: {  	v24 =	vadd.f32 v24, v25;
	v23 =	vadd.f32 v26, v23;
	v25 =	vmul.f32 v34, v34;
	v26 =	vld.idx.msk [tilespmem:v36+s13+$0x0], $0xffff  }
0x183: {  	v27 =	vadd.f32 v37, v27;
	v34 =	vmul.f32 v34, v40;
	v36 =	vmul.f32 v40, v40;
	v37 =	vld.idx.msk [tilespmem:v48+s12+$0x0], $0xffff  }
0x184: {  	v24 =	vadd.f32 v39, v24;
	v23 =	vadd.f32 v25, v23;
	v25 =	vmul.f32 v38, v38;
	v31 =	vld.idx.msk [tilespmem:v31+s13+$0x0], $0xffff  }
0x185: {  	v27 =	vadd.f32 v36, v27;
	v36 =	vmul.f32 v38, v41;
	v38 =	vmul.f32 v41, v41;
	v39 =	vld.idx.msk [tilespmem:v49+s12+$0x0], $0xffff  }
0x186: {  	v24 =	vadd.f32 v34, v24;
	v23 =	vadd.f32 v25, v23;
	v25 =	vmul.f32 v30, v30;
	v34 =	vld.idx.msk [tilespmem:v50+s13+$0x0], $0xffff  }
0x187: {  	v27 =	vadd.f32 v38, v27;
	v30 =	vmul.f32 v30, v35;
	v35 =	vmul.f32 v35, v35;
	v32 =	vld.idx.msk [tilespmem:v32+s12+$0x0], $0xffff  }
0x188: {  	v24 =	vadd.f32 v36, v24;
	v23 =	vadd.f32 v25, v23;
	v25 =	vmul.f32 v26, v26;
	v33 =	vld.idx.msk [tilespmem:v33+s13+$0x0], $0xffff  }
0x189: {  	v27 =	vadd.f32 v35, v27;
	v26 =	vmul.f32 v26, v37;
	v35 =	vmul.f32 v37, v37;
	v36 =	vld.idx.msk [tilespmem:v51+s12+$0x0], $0xffff  }
0x18a: {  	v24 =	vadd.f32 v30, v24;
	v23 =	vadd.f32 v25, v23;
	v25 =	vmul.f32 v31, v31;
	v28 =	vld.idx.msk [tilespmem:v28+s13+$0x0], $0xffff  }
0x18b: {  	v27 =	vadd.f32 v35, v27;
	v30 =	vmul.f32 v31, v39;
	v31 =	vmul.f32 v39, v39;
	v35 =	vld.idx.msk [tilespmem:v52+s12+$0x0], $0xffff  }
0x18c: {  	v24 =	vadd.f32 v26, v24;
	v23 =	vadd.f32 v25, v23;
	v25 =	vmul.f32 v34, v34;
	v26 =	vld.idx.msk [tilespmem:v53+s13+$0x0], $0xffff  }
0x18d: {  	v27 =	vadd.f32 v31, v27;
	v31 =	vmul.f32 v34, v32;
	v32 =	vmul.f32 v32, v32;
	v29 =	vld.idx.msk [tilespmem:v29+s12+$0x0], $0xffff  }
0x18e: {  	v24 =	vadd.f32 v30, v24;
	v23 =	vadd.f32 v25, v23;
	v25 =	vmul.f32 v33, v33;
	v30 =	vld.idx.msk [tilespmem:v21+s13+$0x0], $0xffff  }
0x18f: {  	v21 =	vadd.f32 v32, v27;
	v27 =	vmul.f32 v33, v36;
	v32 =	vmul.f32 v36, v36;
	v22 =	vld.idx.msk [tilespmem:v22+s12+$0x0], $0xffff  }
0x190: {  	v24 =	vadd.f32 v31, v24;
	v23 =	vadd.f32 v25, v23;
	v25 =	vmul.f32 v28, v28  }
0x191: {  	v21 =	vadd.f32 v32, v21;
	v28 =	vmul.f32 v28, v35;
	v31 =	vmul.f32 v35, v35  }
0x192: {  	v24 =	vadd.f32 v27, v24;
	v23 =	vadd.f32 v25, v23;
	v25 =	vmul.f32 v26, v26  }
0x193: {  	v21 =	vadd.f32 v31, v21;
	v27 =	vmul.f32 v29, v29  }
0x194: {  	v24 =	vadd.f32 v28, v24;
	v26 =	vmul.f32 v26, v29;
	v23 =	vadd.f32 v25, v23  }
0x195: {  	v28 =	vmul.f32 v30, v30;
	v25 =	vadd.f32 v27, v21;
	v27 =	vmul.f32 v22, v22  }
0x196: {  	v21 =	vadd.f32 v26, v24;
	v22 =	vmul.f32 v30, v22  }
0x197: {  	v23 =	vadd.f32 v28, v23;
	v24 =	vadd.f32 v27, v25;
	_ =	sdelay $0x1  }
0x198: {  	v23 =	vmul.f32 v23, v24;
	_ =	sdelay $0x1  }
0x199: {  	v24 =	vshra.s32 v23, $0x1;
	v23 =	vmul.f32 $5.000000000e-01, v23  }
0x19a: {  	v24 =	vsub.s32 $0x5F3759DF, v24  }
0x19b: {  	v25 =	vmul.f32 v24, v23;
	_ =	sdelay $0x1  }
0x19c: {  	v25 =	vmul.f32 v24, v25;
	_ =	sdelay $0x1  }
0x19d: {  	v25 =	vsub.f32 $1.500000000e+00, v25;
	_ =	sdelay $0x1  }
0x19e: {  	v24 =	vmul.f32 v24, v25;
	_ =	sdelay $0x1  }
0x19f: {  	v25 =	vmul.f32 v24, v23  }
.Ltmp0:
0x1a0: {  	(pc) =	sbr.rel @p0 .LBB2_2-.Ltmp0, $4  }
0x1a1: {  	v25 =	vmul.f32 v25, v24  }
0x1a2: {  	p1 =	sgt.u32 s19, $0x7A  }
0x1a3: {  	s24 =	sadd.s32 @!p1 $0x5, s19;
	v26 =	vlaneseq.u32 @!p1;
	v25 =	vsub.f32 $1.500000000e+00, v25  }
0x1a4: {  	s20 =	sadd.s32 $0x4, s20;
	s25 =	smul.u32 @!p1 $0xAB, s24;
	v26 =	vand.u32 @!p1 $0x3, v26  }
0x1a5: {  	v24 =	vmul.f32 v25, v24;
	_ =	sdelay $0x1  }
0x1a6: {  	v23 =	vmul.f32 v24, v23;
	_ =	sdelay $0x1  }
0x1a7: {  	v23 =	vmul.f32 v23, v24;
	_ =	sdelay $0x1  }
0x1a8: {  	v23 =	vsub.f32 $1.500000000e+00, v23;
	_ =	sdelay $0x1  }
0x1a9: {  	v25 =	vor.u32 @!p1 s20, v26;
	v21 =	vadd.f32 v22, v21;
	v22 =	vmul.f32 v23, v24;
	_ =	sdelay $0x1  }
0x1aa: {  	v21 =	vmul.f32 v22, v21;
	_ =	sdelay $0x1  }
0x1ab: {  	s0 =	simm.s32 @!p1 $0x200;
	[tilespmem:s21+$0x0] =	vst v21  }
0x1ac: {  	s4 =	simm.s32 @!p1 $0x0;
	v21 =	vld.idx.msk @!p1 [tilespmem:v25+s0+$0x0], $0xffff  }
0x1ad: {  	v22 =	vld.idx.msk @!p1 [tilespmem:v25+s4+$0x0], $0xffff;
	_ =	sdelay $0x3  }
0x1ae: {  	v21 =	vand.u32 @!p1 $0xFFFFFF80, v21  }
0x1af: {  	v22 =	vand.u32 @!p1 $0xFFFFFF80, v22;
	v21 =	vadd.s32 @!p1 s2, v21  }
0x1b0: {  	v22 =	vadd.s32 @!p1 s1, v22;
	(v2sf) =	vpush @!p1 v21, $0x0  }
0x1b1: {  	(v2sf) =	vpush @!p1 v22, $0x0;
	_ =	sdelay $0x3  }
0x1b2: {  	(v2sf) =	vpush @!p1 v22, $0x1;
	_ =	sdelay $0x1  }
0x1b3: {  	(v2sf) =	vpush @!p1 v21, $0x1;
	_ =	sdelay $0x1  }
0x1b4: {  	s0 =	sshrl.u32 @!p1 s25, $0xA;
	(v2sf) =	vpush @!p1 v22, $0x2  }
0x1b5: {  	s0 =	sand.u32 @!p1 $0x3F, s0  }
0x1b6: {  	s0 =	smul.u32 @!p1 $0x6, s0;
	(v2sf) =	vpush @!p1 v21, $0x2;
	_ =	sdelay $0x1  }
0x1b7: {  	s0 =	ssub.s32 @!p1 s24, s0;
	(v2sf) =	vpush @!p1 v22, $0x3  }
0x1b8: {  	s0 =	sand.u32 @!p1 $0xFF, s0  }
0x1b9: {  	s6 =	simm.s32 @!p1 $0x400;
	s0 =	sshll.u32 @!p1 s0, $0xD;
	(v2sf) =	vpush @!p1 v21, $0x3;
	s5 =	spop @!p1 (v2sf)  }
0x1ba: {  	s16 =	simm.s32 @!p1 $0x7A1400;
	s4 =	sor.u32 @!p1 $0x400, s0;
	s21 =	spop @!p1 (v2sf)  }
0x1bb: {  	[tilespmem:s4], [sflag:$0x1] =	stream.strided.gather @!p1 [hbm4b:s21+s6], $0x800, s16, s6, $0x38;
	[tilespmem:$0x18680] =	vst v63  }
0x1bc: {  	s4 =	sadd.s32 @!p1 $0xC400, s0  }
0x1bd: {  	[tilespmem:s4], [sflag:$0x2] =	stream.strided.gather @!p1 [hbm4b:s5+s6], $0x800, s16, s6, $0x38;
	[tilespmem:$0x18680] =	vst v63  }
0x1be: {  	s4 =	sor.u32 @!p1 $0xC00, s0;
	s5 =	spop @!p1 (v2sf)  }
0x1bf: {  	[tilespmem:s4], [sflag:$0x1] =	stream.strided.gather @!p1 [hbm4b:s5+s6], $0x800, s16, s6, $0x38;
	[tilespmem:$0x18680] =	vst v63  }
0x1c0: {  	s4 =	sadd.s32 @!p1 $0xCC00, s0;
	s5 =	spop @!p1 (v2sf)  }
0x1c1: {  	[tilespmem:s4], [sflag:$0x2] =	stream.strided.gather @!p1 [hbm4b:s5+s6], $0x800, s16, s6, $0x38;
	[tilespmem:$0x18680] =	vst v63  }
0x1c2: {  	s4 =	sor.u32 @!p1 $0x1400, s0;
	s5 =	spop @!p1 (v2sf)  }
0x1c3: {  	[tilespmem:s4], [sflag:$0x1] =	stream.strided.gather @!p1 [hbm4b:s5+s6], $0x800, s16, s6, $0x38;
	[tilespmem:$0x18680] =	vst v63  }
0x1c4: {  	s4 =	sadd.s32 @!p1 $0xD400, s0;
	s5 =	spop @!p1 (v2sf)  }
0x1c5: {  	[tilespmem:s4], [sflag:$0x2] =	stream.strided.gather @!p1 [hbm4b:s5+s6], $0x800, s16, s6, $0x38;
	[tilespmem:$0x18680] =	vst v63  }
0x1c6: {  	s4 =	sor.u32 @!p1 $0x1C00, s0;
	s5 =	spop @!p1 (v2sf)  }
0x1c7: {  	[tilespmem:s4], [sflag:$0x1] =	stream.strided.gather @!p1 [hbm4b:s5+s6], $0x800, s16, s6, $0x38;
	[tilespmem:$0x18680] =	vst v63  }
0x1c8: {  	s0 =	sadd.s32 @!p1 $0xDC00, s0;
	s4 =	spop @!p1 (v2sf)  }
0x1c9: {  	[tilespmem:s0], [sflag:$0x2] =	stream.strided.gather @!p1 [hbm4b:s4+s6], $0x800, s16, s6, $0x38;
	[tilespmem:$0x18680] =	vst v63  }
0x1ca: {  	_ =	swait.ge [sflag:s14], $0x800  }
0x1cb: {  	[sflag:s14] =	ssyncset.done $0x0  }
0x1cc: {  	[sflag:s14] =	ssyncadd.s32 $0xFFFFF800  }
0x1cd: {  	_ =	swait.ge [sflag:s15], $0x800  }
0x1ce: {  	[sflag:s15] =	ssyncset.done $0x0  }
0x1cf: {  	[sflag:s15] =	ssyncadd.s32 $0xFFFFF800  }
0x1d0: {  	_ =	swait.ge [sflag:s14], $0x800  }
0x1d1: {  	[sflag:s14] =	ssyncset.done $0x0  }
0x1d2: {  	[sflag:s14] =	ssyncadd.s32 $0xFFFFF800  }
0x1d3: {  	_ =	swait.ge [sflag:s15], $0x800  }
0x1d4: {  	[sflag:s15] =	ssyncset.done $0x0  }
0x1d5: {  	[sflag:s15] =	ssyncadd.s32 $0xFFFFF800  }
0x1d6: {  	_ =	swait.ge [sflag:s14], $0x800  }
0x1d7: {  	[sflag:s14] =	ssyncset.done $0x0  }
0x1d8: {  	[sflag:s14] =	ssyncadd.s32 $0xFFFFF800  }
0x1d9: {  	_ =	swait.ge [sflag:s15], $0x800  }
0x1da: {  	[sflag:s15] =	ssyncset.done $0x0  }
0x1db: {  	[sflag:s15] =	ssyncadd.s32 $0xFFFFF800  }
0x1dc: {  	s28 =	sadd.s32 $0xFFFFFFEC, s20;
	_ =	swait.ge [sflag:s14], $0x800  }
0x1dd: {  	v21 =	vor.u32 s28, v0;
	[sflag:s14] =	ssyncset.done $0x0  }
0x1de: {  	s29 =	smul.u32 $0xAB, s19;
	[sflag:s14] =	ssyncadd.s32 $0xFFFFF800  }
0x1df: {  	_ =	swait.ge [sflag:s15], $0x800  }
0x1e0: {  	s0 =	sshrl.u32 s29, $0xA;
	[sflag:s15] =	ssyncset.done $0x0  }
0x1e1: {  	s0 =	sand.u32 $0x3F, s0;
	[sflag:s15] =	ssyncadd.s32 $0xFFFFF800  }
0x1e2: {  	s0 =	smul.u32 $0x6, s0;
	v22 =	vld.idx.msk [tilespmem:v21+s3+$0x0], $0xffff  }
0x1e3: {  	v21 =	vld.idx.msk [tilespmem:v21+s10+$0x0], $0xffff  }
0x1e4: {  	s0 =	ssub.s32 s19, s0  }
0x1e5: {  	s0 =	sand.u32 $0xFF, s0  }
0x1e6: {  	s0 =	sshll.u32 s0, $0xD  }
0x1e7: {  	v23 =	vor.u32 s0, v2;
	v22 =	vand.u32 $0x7F, v22  }
0x1e8: {  	v21 =	vand.u32 $0x7F, v21;
	v54 =	vor.u32 v23, v22  }
0x1e9: {  	v55 =	vor.u32 s0, v6;
	v23 =	vor.u32 v23, v21  }
0x1ea: {  	v56 =	vor.u32 v55, v21  }
0x1eb: {  	v27 =	vor.u32 s0, v7;
	v25 =	vor.u32 v55, v22  }
0x1ec: {  	v28 =	vor.u32 v27, v21  }
0x1ed: {  	v29 =	vor.u32 s0, v8;
	v27 =	vor.u32 v27, v22;
	v24 =	vld.idx.msk [tilespmem:v54+s12+$0x0], $0xffff  }
0x1ee: {  	v30 =	vor.u32 s0, v9;
	v31 =	vor.u32 s0, v18;
	v32 =	vor.u32 v29, v21;
	v23 =	vld.idx.msk [tilespmem:v23+s13+$0x0], $0xffff  }
0x1ef: {  	v33 =	vor.u32 s0, v19;
	v34 =	vor.u32 s0, v20;
	v29 =	vor.u32 v29, v22;
	v26 =	vld.idx.msk [tilespmem:v56+s13+$0x0], $0xffff  }
0x1f0: {  	v35 =	vor.u32 s0, v15;
	v36 =	vor.u32 s0, v16;
	v37 =	vor.u32 v30, v21;
	v25 =	vld.idx.msk [tilespmem:v25+s12+$0x0], $0xffff  }
0x1f1: {  	v38 =	vor.u32 s0, v17;
	v39 =	vor.u32 s0, v10;
	v30 =	vor.u32 v30, v22;
	v28 =	vld.idx.msk [tilespmem:v28+s13+$0x0], $0xffff  }
0x1f2: {  	v40 =	vor.u32 s0, v11;
	v41 =	vor.u32 s0, v13;
	v42 =	vor.u32 v39, v21;
	v27 =	vld.idx.msk [tilespmem:v27+s12+$0x0], $0xffff  }
0x1f3: {  	v43 =	vor.u32 s0, v14;
	v44 =	vor.u32 s0, v12;
	v39 =	vor.u32 v39, v22;
	v32 =	vld.idx.msk [tilespmem:v32+s13+$0x0], $0xffff  }
0x1f4: {  	v45 =	vor.u32 v40, v21;
	v29 =	vld.idx.msk [tilespmem:v29+s12+$0x0], $0xffff;
	v46 =	vmul.f32 v23, v23;
	v47 =	vmul.f32 v26, v26  }
0x1f5: {  	v40 =	vor.u32 v40, v22;
	v37 =	vld.idx.msk [tilespmem:v37+s13+$0x0], $0xffff;
	v48 =	vmul.f32 v24, v24;
	v49 =	vmul.f32 v25, v25  }
0x1f6: {  	v50 =	vor.u32 v44, v21;
	v44 =	vor.u32 v44, v22;
	v30 =	vld.idx.msk [tilespmem:v30+s12+$0x0], $0xffff;
	v57 =	vmul.f32 v28, v28  }
0x1f7: {  	v42 =	vld.idx.msk [tilespmem:v42+s13+$0x0], $0xffff;
	v58 =	vmul.f32 v27, v27;
	v46 =	vadd.f32 v47, v46;
	v48 =	vadd.f32 v49, v48  }
0x1f8: {  	v51 =	vor.u32 v41, v21;
	v41 =	vor.u32 v41, v22;
	v39 =	vld.idx.msk [tilespmem:v39+s12+$0x0], $0xffff;
	v59 =	vmul.f32 v32, v32  }
0x1f9: {  	v45 =	vld.idx.msk [tilespmem:v45+s13+$0x0], $0xffff;
	v60 =	vmul.f32 v29, v29;
	v46 =	vadd.f32 v57, v46;
	v48 =	vadd.f32 v58, v48  }
0x1fa: {  	v52 =	vor.u32 v43, v21;
	v43 =	vor.u32 v43, v22;
	v40 =	vld.idx.msk [tilespmem:v40+s12+$0x0], $0xffff;
	v61 =	vmul.f32 v37, v37  }
0x1fb: {  	v50 =	vld.idx.msk [tilespmem:v50+s13+$0x0], $0xffff;
	v62 =	vmul.f32 v30, v30;
	v46 =	vadd.f32 v59, v46;
	v48 =	vadd.f32 v60, v48  }
0x1fc: {  	v53 =	vor.u32 v35, v21;
	v35 =	vor.u32 v35, v22;
	v44 =	vld.idx.msk [tilespmem:v44+s12+$0x0], $0xffff;
	v63 =	vmul.f32 v42, v42  }
0x1fd: {  	v51 =	vld.idx.msk [tilespmem:v51+s13+$0x0], $0xffff;
	v57 =	vmul.f32 v39, v39;
	v46 =	vadd.f32 v61, v46;
	v48 =	vadd.f32 v62, v48  }
0x1fe: {  	v54 =	vor.u32 v36, v21;
	v41 =	vld.idx.msk [tilespmem:v41+s12+$0x0], $0xffff;
	v36 =	vor.u32 v36, v22;
	v58 =	vmul.f32 v45, v45  }
0x1ff: {  	v52 =	vld.idx.msk [tilespmem:v52+s13+$0x0], $0xffff;
	v59 =	vmul.f32 v40, v40;
	v46 =	vadd.f32 v63, v46;
	v48 =	vadd.f32 v57, v48  }
0x200: {  	v55 =	vor.u32 v38, v21;
	v38 =	vor.u32 v38, v22;
	v43 =	vld.idx.msk [tilespmem:v43+s12+$0x0], $0xffff;
	v60 =	vmul.f32 v50, v50  }
0x201: {  	v53 =	vld.idx.msk [tilespmem:v53+s13+$0x0], $0xffff;
	v61 =	vmul.f32 v44, v44;
	v46 =	vadd.f32 v58, v46;
	v48 =	vadd.f32 v59, v48  }
0x202: {  	v56 =	vor.u32 v31, v21;
	v35 =	vld.idx.msk [tilespmem:v35+s12+$0x0], $0xffff;
	v31 =	vor.u32 v31, v22;
	v62 =	vmul.f32 v51, v51  }
0x203: {  	v36 =	vld.idx.msk [tilespmem:v36+s12+$0x0], $0xffff;
	v63 =	vmul.f32 v41, v41;
	v46 =	vadd.f32 v60, v46;
	v48 =	vadd.f32 v61, v48  }
0x204: {  	v54 =	vld.idx.msk [tilespmem:v54+s13+$0x0], $0xffff;
	v57 =	vor.u32 v33, v21;
	v33 =	vor.u32 v33, v22;
	v59 =	vmul.f32 v52, v52  }
0x205: {  	v55 =	vld.idx.msk [tilespmem:v55+s13+$0x0], $0xffff;
	v60 =	vmul.f32 v43, v43;
	v46 =	vadd.f32 v62, v46;
	v48 =	vadd.f32 v63, v48  }
0x206: {  	v38 =	vld.idx.msk [tilespmem:v38+s12+$0x0], $0xffff;
	v21 =	vor.u32 v34, v21;
	v22 =	vor.u32 v34, v22;
	v61 =	vmul.f32 v53, v53  }
0x207: {  	v34 =	vld.idx.msk [tilespmem:v56+s13+$0x0], $0xffff;
	v62 =	vmul.f32 v35, v35;
	v46 =	vadd.f32 v59, v46;
	v48 =	vadd.f32 v60, v48  }
0x208: {  	v31 =	vld.idx.msk [tilespmem:v31+s12+$0x0], $0xffff;
	v58 =	vmul.f32 v36, v36  }
0x209: {  	v56 =	vld.idx.msk [tilespmem:v57+s13+$0x0], $0xffff;
	v63 =	vmul.f32 v54, v54;
	v46 =	vadd.f32 v61, v46;
	v48 =	vadd.f32 v62, v48  }
0x20a: {  	v33 =	vld.idx.msk [tilespmem:v33+s12+$0x0], $0xffff;
	v59 =	vmul.f32 v55, v55  }
0x20b: {  	v22 =	vld.idx.msk [tilespmem:v22+s12+$0x0], $0xffff;
	v60 =	vmul.f32 v38, v38;
	v46 =	vadd.f32 v63, v46;
	v48 =	vadd.f32 v58, v48  }
0x20c: {  	v21 =	vld.idx.msk [tilespmem:v21+s13+$0x0], $0xffff;
	v61 =	vmul.f32 v34, v34  }
0x20d: {  	v62 =	vmul.f32 v31, v31;
	v46 =	vadd.f32 v59, v46;
	v48 =	vadd.f32 v60, v48  }
0x20e: {  	v23 =	vmul.f32 v23, v24;
	v57 =	vmul.f32 v56, v56  }
0x20f: {  	v59 =	vmul.f32 v33, v33;
	v63 =	vadd.f32 v61, v46;
	v58 =	vadd.f32 v62, v48  }
0x210: {  	v25 =	vmul.f32 v26, v25;
	v23 =	vadd.f32 $0.0e+00, v23;
	v61 =	vmul.f32 v22, v22  }
0x211: {  	v62 =	vmul.f32 v21, v21;
	v24 =	vadd.f32 v57, v63;
	v60 =	vadd.f32 v59, v58  }
0x212: {  	v23 =	vadd.f32 v25, v23  }
0x213: {  	v63 =	vmul.f32 v28, v27;
	v26 =	vadd.f32 v61, v60;
	v24 =	vadd.f32 v62, v24;
	_ =	sdelay $0x1  }
0x214: {  	v32 =	vmul.f32 v32, v29;
	v23 =	vadd.f32 v63, v23;
	v24 =	vmul.f32 v24, v26  }
0x215: {  	v46 =	vmul.f32 v37, v30  }
0x216: {  	v23 =	vadd.f32 v32, v23;
	v26 =	vshra.s32 v24, $0x1;
	v24 =	vmul.f32 $5.000000000e-01, v24  }
0x217: {  	v26 =	vsub.s32 $0x5F3759DF, v26  }
0x218: {  	v47 =	vmul.f32 v42, v39;
	v23 =	vadd.f32 v46, v23;
	v48 =	vmul.f32 v26, v24;
	_ =	sdelay $0x1  }
0x219: {  	v49 =	vmul.f32 v45, v40;
	v23 =	vadd.f32 v47, v23;
	v25 =	vmul.f32 v26, v48;
	_ =	sdelay $0x1  }
0x21a: {  	v50 =	vmul.f32 v50, v44;
	v23 =	vadd.f32 v49, v23;
	v25 =	vsub.f32 $1.500000000e+00, v25;
	_ =	sdelay $0x1  }
0x21b: {  	v51 =	vmul.f32 v51, v41;
	v23 =	vadd.f32 v50, v23;
	v25 =	vmul.f32 v26, v25;
	_ =	sdelay $0x1  }
0x21c: {  	v52 =	vmul.f32 v52, v43;
	v23 =	vadd.f32 v51, v23;
	v57 =	vmul.f32 v25, v24;
	_ =	sdelay $0x1  }
0x21d: {  	v58 =	vmul.f32 v53, v35;
	v23 =	vadd.f32 v52, v23;
	v59 =	vmul.f32 v57, v25;
	_ =	sdelay $0x1  }
0x21e: {  	v60 =	vmul.f32 v54, v36;
	v23 =	vadd.f32 v58, v23;
	v26 =	vsub.f32 $1.500000000e+00, v59;
	_ =	sdelay $0x1  }
0x21f: {  	v61 =	vmul.f32 v55, v38;
	v23 =	vadd.f32 v60, v23;
	v25 =	vmul.f32 v26, v25;
	_ =	sdelay $0x1  }
0x220: {  	v62 =	vmul.f32 v34, v31;
	v23 =	vadd.f32 v61, v23;
	v24 =	vmul.f32 v25, v24;
	_ =	sdelay $0x1  }
0x221: {  	v63 =	vmul.f32 v56, v33;
	v23 =	vadd.f32 v62, v23;
	v24 =	vmul.f32 v24, v25;
	_ =	sdelay $0x1  }
0x222: {  	v21 =	vmul.f32 v21, v22;
	v23 =	vadd.f32 v63, v23;
	v22 =	vsub.f32 $1.500000000e+00, v24;
	_ =	sdelay $0x1  }
0x223: {  	v21 =	vadd.f32 v21, v23;
	v22 =	vmul.f32 v22, v25;
	_ =	sdelay $0x1  }
0x224: {  	s17 =	sadd.s32 $0x1, s17;
	v21 =	vmul.f32 v22, v21  }
0x225: {  	s30 =	sadd.s32 $0x4, s18;
	p0 =	sne.s32 s17, s8  }
.Ltmp1:
0x226: {  	s31 =	simm.s32 $0x18400;
	[tilespmem:s30+$0x0] =	vst v21;
	(pc) =	sbr.rel @p0 .LBB2_1-.Ltmp1, $4  }
0x227: {  	[hbm4b:s7+s3] =	stream.linear.scatter [tilespmem:s31], [sflag:$0x3], $0x200, $0x38;
	[tilespmem:$0x18680] =	vst v63  }
0x228: {  	_ =	swait.ge [sflag:s9], $0x200  }
0x229: {  	[sflag:s9] =	ssyncset.done $0x0  }
0x22a: {  	[sflag:s9] =	ssyncadd.s32 $0xFFFFFE00  }
0x22b: {  	_ =	sfence.sel $0x180000  }
0x22c: {  	[bflag:$0x0] =	sbarrier.arrive $0xFFFF  }
0x22d: {  	_ =	strace $0x90000047  }
0x22e: {  	s0 =	stileid.u32;
	[bflag:$0x2] =	sbarrier.arrive $0xFFFF  }
0x22f: {  	p0 =	sne.s32 s0, $0x0;
	s0 =	rddreg [dreg:$0x5]  }
0x230: {  	s0 =	sadd.s32 @!p0 $0x100000, s0  }
0x231: {  	[sflag:s0] =	ssyncadd.tile.s32 @!p0 $0x1;
	_ =	shalt  }
.Lfunc_end2:
_tile_overlayer_lowered:
.L_overlay_start_2:
0x232: {  	(tag) =	ssettag $0x2  }
0x233: {  	s0 =	rddreg [dreg:$0x0];
	s2 =	stileid.u32  }
0x234: {  	s1 =	rddreg [dreg:$0x1];
	p0 =	sne.s32 s2, $0x0  }
0x235: {  	s3 =	rddreg [dreg:$0x2];
	[bflag:$0x3] =	sbarrier.arrive $0xFFFF;
	s2 =	simm.s32 @!p0 $0x1C03  }
0x236: {  	[timem:s3], [sflag:s2] =	dma.local @!p0 [hbm:s0], s1  }
0x237: {  	s0 =	simm.s32 @!p0 $0x3  }
0x238: {  	_ =	swait.ge @!p0 [sflag:s0], s1  }
0x239: {  	s1 =	ssub.s32 @!p0 $0x0, s1;
	[sflag:s0] =	ssyncset.done @!p0 $0x0  }
0x23a: {  	[sflag:s0] =	ssyncadd.s32 @!p0 s1  }
0x23b: {  	[bflag:$0x3] =	sbarrier.arrive $0xFFFF  }
0x23c: {  	_ =	shalt  }

</sc_bundles>
